<compile_context>
chip_gen: v7x
topology: tpu7x:2x2x1
jax: 0.10.2.dev20260603
libtpu: 0.0.44.dev20260713+nightly
codegen_flags: <defaults>
</compile_context>

<pallas_src>
import functools
import math

import jax
import jax.numpy as jnp
from jax import lax
from jax.experimental import pallas as pl
from jax.experimental.pallas import tpu as pltpu
from jax.experimental.pallas import tpu_sc as plsc

_BLK = 1024
_CHUNK = 128
_NSUB = 16
_NCORE = 2


def _elu(v):
    return jnp.where(v > 0, v, jnp.exp(jnp.minimum(v, 0.0)) - 1.0)


def _mm(a, w):
    return jnp.dot(a.astype(jnp.bfloat16), w.astype(jnp.bfloat16),
                   preferred_element_type=jnp.float32)



def _enc_body(x_ref, a0_ref, a1_ref, b1_ref, g_ref, be_ref, w1_ref, w2_ref,
              b2_ref, wp_ref, x1_ref, s_ref):
    h = x_ref[...] + a0_ref[...] + a1_ref[...]
    z = _mm(h, w1_ref[...]) + b1_ref[...]
    z = g_ref[...] * (z * (1.0 / math.sqrt(1.0 + 1e-5))) + be_ref[...]
    x1 = _elu(_mm(_elu(z), w2_ref[...]) + b2_ref[...])
    x1_ref[...] = x1
    wp = wp_ref[...]
    inv = 1.0 / (jnp.sqrt(jnp.sum(wp * wp)) + 1e-16)
    s_ref[...] = _mm(x1, wp.reshape(-1, 1)) * inv


def _encoder(x_pad, a0, a1, b1, g, be, W1, W2, b2, wp):
    NP, D = x_pad.shape
    H = W1.shape[1]
    big = pl.BlockSpec((_BLK, D), lambda i: (i, 0))
    mat = pl.BlockSpec((_BLK, H), lambda i: (i, 0))
    vec = lambda: pl.BlockSpec((1, H), lambda i: (0, 0))
    return pl.pallas_call(
        _enc_body,
        grid=(NP // _BLK,),
        in_specs=[big, big, big, vec(), vec(), vec(),
                  pl.BlockSpec((D, H), lambda i: (0, 0)),
                  pl.BlockSpec((H, H), lambda i: (0, 0)), vec(), vec()],
        out_specs=[mat, pl.BlockSpec((_BLK, 1), lambda i: (i, 0))],
        out_shape=[jax.ShapeDtypeStruct((NP, H), jnp.float32),
                   jax.ShapeDtypeStruct((NP, 1), jnp.float32)],
    )(x_pad, a0, a1, b1, g, be, W1, W2, b2, wp)


def _thresh_body(s_ref, t_ref, *, n_valid, k):
    s = s_ref[...]
    u = lax.bitcast_convert_type(s, jnp.uint32)
    key = jnp.where(u >= jnp.uint32(0x80000000), ~u,
                    u | jnp.uint32(0x80000000))
    rows, cols = s.shape
    idx = (lax.broadcasted_iota(jnp.int32, (rows, cols), 0) * cols
           + lax.broadcasted_iota(jnp.int32, (rows, cols), 1))
    key = jnp.where(idx < n_valid, key, jnp.uint32(0))

    def body(i, t):
        shift = (jnp.int32(31) - i).astype(jnp.uint32)
        cand = t | jnp.left_shift(jnp.uint32(1), shift)
        cnt = jnp.sum((key >= cand).astype(jnp.int32))
        return jnp.where(cnt >= k, cand, t)

    t = lax.fori_loop(0, 32, body, jnp.uint32(0))
    u_orig = jnp.where(t >= jnp.uint32(0x80000000),
                       t ^ jnp.uint32(0x80000000), ~t)
    t_ref[0, 0] = lax.bitcast_convert_type(u_orig, jnp.float32)


def _threshold(score2d, n_valid, k):
    R, C = score2d.shape
    return pl.pallas_call(
        functools.partial(_thresh_body, n_valid=n_valid, k=k),
        in_specs=[pl.BlockSpec((R, C), lambda: (0, 0))],
        out_specs=pl.BlockSpec(memory_space=pltpu.SMEM),
        out_shape=jax.ShapeDtypeStruct((1, 1), jnp.float32),
    )(score2d)


def _pool_body(x1_ref, s_ref, t_ref, xp_ref):
    t = t_ref[0, 0]
    s = s_ref[...]
    xp_ref[...] = jnp.where(s >= t, x1_ref[...] * jnp.tanh(s), 0.0)


def _pool(x1, score, t):
    NP, H = x1.shape
    mat = pl.BlockSpec((_BLK, H), lambda i: (i, 0))
    return pl.pallas_call(
        _pool_body,
        grid=(NP // _BLK,),
        in_specs=[mat, pl.BlockSpec((_BLK, 1), lambda i: (i, 0)),
                  pl.BlockSpec(memory_space=pltpu.SMEM)],
        out_specs=mat,
        out_shape=jax.ShapeDtypeStruct((NP, H), jnp.float32),
    )(x1, score, t)


def _bott_body(xp_ref, a0_ref, a1_ref, b1_ref, w1_ref, w2_ref, b2_ref, s_ref,
               t_ref, xb_ref):
    t = t_ref[0, 0]
    h = xp_ref[...] + a0_ref[...] + a1_ref[...]
    xb = _elu(_mm(_elu(_mm(h, w1_ref[...]) + b1_ref[...]), w2_ref[...])
              + b2_ref[...])
    xb_ref[...] = jnp.where(s_ref[...] >= t, xb, 0.0)


def _bottleneck(xp, a0, a1, b1, W1, W2, b2, score, t):
    NP, H = xp.shape
    mat = pl.BlockSpec((_BLK, H), lambda i: (i, 0))
    vec = lambda: pl.BlockSpec((1, H), lambda i: (0, 0))
    sq = lambda: pl.BlockSpec((H, H), lambda i: (0, 0))
    return pl.pallas_call(
        _bott_body,
        grid=(NP // _BLK,),
        in_specs=[mat, mat, mat, vec(), sq(), sq(), vec(),
                  pl.BlockSpec((_BLK, 1), lambda i: (i, 0)),
                  pl.BlockSpec(memory_space=pltpu.SMEM)],
        out_specs=mat,
        out_shape=jax.ShapeDtypeStruct((NP, H), jnp.float32),
    )(xp, a0, a1, b1, W1, W2, b2, score, t)


def _dec_body(xb_ref, a0_ref, a1_ref, b1_ref, w1_ref, w2_ref, b2_ref, wo_ref,
              bo_ref, o_ref):
    h = xb_ref[...] + a0_ref[...] + a1_ref[...]
    xd = _elu(_mm(_elu(_mm(h, w1_ref[...]) + b1_ref[...]), w2_ref[...])
              + b2_ref[...])
    o_ref[...] = _mm(xd, wo_ref[...]) + bo_ref[...]


def _decoder(xb, a0, a1, b1, W1, W2, b2, Wo, bo):
    NP, H = xb.shape
    C = Wo.shape[1]
    mat = pl.BlockSpec((_BLK, H), lambda i: (i, 0))
    vec = lambda: pl.BlockSpec((1, H), lambda i: (0, 0))
    sq = lambda: pl.BlockSpec((H, H), lambda i: (0, 0))
    return pl.pallas_call(
        _dec_body,
        grid=(NP // _BLK,),
        in_specs=[mat, mat, mat, vec(), sq(), sq(), vec(),
                  pl.BlockSpec((H, C), lambda i: (0, 0)),
                  pl.BlockSpec((1, C), lambda i: (0, 0))],
        out_specs=pl.BlockSpec((_BLK, C), lambda i: (i, 0)),
        out_shape=jax.ShapeDtypeStruct((NP, C), jnp.float32),
    )(xb, a0, a1, b1, W1, W2, b2, Wo, bo)



def _scatter_add_partials(y_pad, src3, dst3):
    NP, H = y_pad.shape
    CH = src3.shape[1]
    rows_per = NP // _NSUB
    R = 2 if H > 64 else 4
    nph = 2 if H > 64 else 1
    iph = CH // nph
    ahead = R // 2
    mesh = plsc.VectorSubcoreMesh(core_axis_name="c", subcore_axis_name="s")

    @functools.partial(
        pl.kernel,
        out_type=jax.ShapeDtypeStruct((_NCORE, NP, H), jnp.float32),
        mesh=mesh,
        compiler_params=pltpu.CompilerParams(use_tc_tiling_on_sc=False),
        scratch_types=[
            pltpu.VMEM_SHARED((NP, H), jnp.float32),
            pltpu.VMEM((iph, 128), jnp.int32),
            pltpu.VMEM((iph, 128), jnp.int32),
            pltpu.VMEM((R, _CHUNK, H), jnp.float32),
            pltpu.SemaphoreType.DMA((R,)),
            pltpu.SemaphoreType.DMA((R,)),
        ],
    )
    def run(y_hbm, src_hbm, dst_hbm, out_hbm, acc, src_v, dst_v, rows_v,
            gsem, ssem):
        cid = lax.axis_index("c")
        sid = lax.axis_index("s")
        wid = cid * _NSUB + sid

        z16 = jnp.zeros((16,), jnp.float32)

        def zbody(r, carry):
            for c in range(H // 16):
                rows_v[0, r, pl.ds(c * 16, 16)] = z16
            return carry

        lax.fori_loop(0, _CHUNK, zbody, 0)

        def zcopy(b, carry):
            pltpu.sync_copy(
                rows_v.at[0],
                acc.at[pl.ds(sid * rows_per + b * _CHUNK, _CHUNK)])
            return carry

        lax.fori_loop(0, rows_per // _CHUNK, zcopy, 0)
        plsc.subcore_barrier()

        for p in range(nph):
            pltpu.sync_copy(src_hbm.at[wid, pl.ds(p * iph, iph)], src_v)
            pltpu.sync_copy(dst_hbm.at[wid, pl.ds(p * iph, iph)], dst_v)
            for b in range(ahead):
                pltpu.async_copy(y_hbm.at[src_v.at[b]], rows_v.at[b],
                                 gsem.at[b])

            def chunk(j0, carry):
                for b in range(R):
                    j = j0 + b
                    old = (b + ahead) % R
                    pltpu.make_async_copy(y_hbm.at[src_v.at[j]],
                                          rows_v.at[b], gsem.at[b]).wait()
                    pltpu.async_copy(rows_v.at[b], acc.at[dst_v.at[j]],
                                     ssem.at[b], add=True)

                    @pl.when(j >= ahead)
                    def _():
                        pltpu.make_async_copy(rows_v.at[old],
                                              acc.at[dst_v.at[j - ahead]],
                                              ssem.at[old]).wait()

                    @pl.when(j + ahead < iph)
                    def _():
                        pltpu.async_copy(y_hbm.at[src_v.at[j + ahead]],
                                         rows_v.at[old], gsem.at[old])
                return carry

            lax.fori_loop(0, iph // R, lambda i, c: chunk(i * R, c), 0)
            for j in range(iph - ahead, iph):
                pltpu.make_async_copy(rows_v.at[j % R], acc.at[dst_v.at[j]],
                                      ssem.at[j % R]).wait()
        plsc.subcore_barrier()
        pltpu.sync_copy(acc.at[pl.ds(sid * rows_per, rows_per)],
                        out_hbm.at[cid, pl.ds(sid * rows_per, rows_per)])

    return run(y_pad, src3, dst3)



def kernel(x, edge_index, batch, W1e, b1e, gam, bet, W2e, b2e, w_pool,
           W1b, b1b, W2b, b2b, W1d, b1d, W2d, b2d, Wo, bo):
    N, D = x.shape
    E = edge_index.shape[1]
    K = -(-N // 2)

    NP = -(-(N + 1) // _BLK) * _BLK
    x_pad = jnp.pad(x, ((0, NP - N), (0, 0)))

    nw = _NCORE * _NSUB
    CH = -(-(-(-E // (nw * _CHUNK))) // 4) * 4
    tot = nw * CH * _CHUNK
    src = jnp.concatenate(
        [edge_index[0], jnp.full((tot - E,), N, jnp.int32)]).reshape(
            nw, CH, _CHUNK)
    dst = jnp.concatenate(
        [edge_index[1], jnp.full((tot - E,), N, jnp.int32)]).reshape(
            nw, CH, _CHUNK)

    r = lambda v: v.reshape(1, -1)

    ax = _scatter_add_partials(x_pad, src, dst)
    x1, score = _encoder(x_pad, ax[0], ax[1], r(b1e), r(gam), r(bet),
                         W1e, W2e, r(b2e), r(w_pool))

    t = _threshold(score.reshape(NP // 128, 128), N, K)

    xp = _pool(x1, score, t)
    ap = _scatter_add_partials(xp, src, dst)
    xb = _bottleneck(xp, ap[0], ap[1], r(b1b), W1b, W2b, r(b2b), score, t)

    ad = _scatter_add_partials(xb, src, dst)
    out = _decoder(xb, ad[0], ad[1], r(b1d), W1d, W2d, r(b2d), Wo, r(bo))
    return out[:N]

# --- scband reference (transcript-rebuilt; emitter-appended) ---
"""Pipeline reference for scband-node-classification-model-73383811219608 (READ-ONLY COPY).

The authoritative reference and input builder live on the scoring server;
editing this copy changes nothing except your own understanding.
"""

import jax, jax.numpy as jnp
import numpy as np
import math

N = 10000
E = 320000
D_IN = 128
H = 64
C_OUT = 16
K = int(math.ceil(0.5 * N))  # TopKPooling default ratio=0.5


def setup_inputs(seed: int = 0) -> dict:
    key = jax.random.key(seed)
    ks = jax.random.split(key, 20)
    x = jax.random.normal(ks[0], (N, D_IN), dtype=jnp.float32)
    edge_index = jax.random.randint(ks[1], (2, E), 0, N, dtype=jnp.int32)
    batch = jnp.zeros((N,), dtype=jnp.int32)  # single graph

    def lin(k, fi, fo):
        return jax.random.normal(k, (fi, fo), dtype=jnp.float32) / np.sqrt(fi)

    inp = {
        "x": x,
        "edge_index": edge_index,
        "batch": batch,
        # encoder GIN MLP [128 -> 64 -> 64] with batch_norm (eval mode)
        "W1e": lin(ks[2], D_IN, H), "b1e": jnp.zeros((H,), jnp.float32),
        "gam": jnp.ones((H,), jnp.float32), "bet": jnp.zeros((H,), jnp.float32),
        "W2e": lin(ks[3], H, H), "b2e": jnp.zeros((H,), jnp.float32),
        # TopKPooling projection vector
        "w_pool": jax.random.normal(ks[4], (H,), dtype=jnp.float32),
        # bottleneck GIN MLP [64 -> 64 -> 64], norm=None
        "W1b": lin(ks[5], H, H), "b1b": jnp.zeros((H,), jnp.float32),
        "W2b": lin(ks[6], H, H), "b2b": jnp.zeros((H,), jnp.float32),
        # decoder GIN MLP [64 -> 64 -> 64], norm=None (res_connect=None)
        "W1d": lin(ks[7], H, H), "b1d": jnp.zeros((H,), jnp.float32),
        "W2d": lin(ks[8], H, H), "b2d": jnp.zeros((H,), jnp.float32),
        # readout MLP [64 -> 16] (plain linear)
        "Wo": lin(ks[9], H, C_OUT), "bo": jnp.zeros((C_OUT,), jnp.float32),
    }
    return inp


def _mlp_bn(h, W1, b1, g, be, W2, b2):
    # PyG MLP: lin -> batch_norm(eval: running_mean=0, running_var=1) -> ELU -> dropout(eval=id) -> lin
    h = h @ W1 + b1
    h = g * (h / jnp.sqrt(1.0 + 1e-5)) + be
    return jax.nn.elu(h) @ W2 + b2


def _mlp(h, W1, b1, W2, b2):
    return jax.nn.elu(h @ W1 + b1) @ W2 + b2


def reference(x, edge_index, batch, W1e, b1e, gam, bet, W2e, b2e, w_pool,
              W1b, b1b, W2b, b2b, W1d, b1d, W2d, b2d, Wo, bo):
    src, dst = edge_index[0], edge_index[1]
    # --- encoder GINConv (eps=0): nn(x + sum_{j in N(i)} x_j) ---
    agg = jnp.zeros((N, D_IN), x.dtype).at[dst].add(x[src])
    x1 = jax.nn.elu(_mlp_bn(x + agg, W1e, b1e, gam, bet, W2e, b2e))
    # --- TopKPooling (ratio=0.5, multiplier=1, nonlinearity=tanh) ---
    score = (x1 @ w_pool) / (jnp.linalg.norm(w_pool) + 1e-16)
    topv, perm = jax.lax.top_k(score, K)
    x_pool = x1[perm] * jnp.tanh(topv)[:, None]
    # filter_adj: keep edges with both endpoints kept, remap; dropped edges route to dummy row K
    mask = jnp.zeros((N,), bool).at[perm].set(True)
    idx_map = jnp.full((N,), K, dtype=jnp.int32).at[perm].set(jnp.arange(K, dtype=jnp.int32))
    valid = mask[src] & mask[dst]
    s2 = jnp.where(valid, idx_map[src], K)
    d2 = jnp.where(valid, idx_map[dst], K)
    # --- bottleneck GINConv on pooled graph ---
    xp_pad = jnp.concatenate([x_pool, jnp.zeros((1, H), x_pool.dtype)], axis=0)
    agg_p = jnp.zeros((K + 1, H), x_pool.dtype).at[d2].add(xp_pad[s2])[:K]
    x_pool = jax.nn.elu(_mlp(x_pool + agg_p, W1b, b1b, W2b, b2b))
    # --- unpool / lift: x_lift = zeros_like(x); x_lift[perm] = x_pool ---
    x_lift = jnp.zeros_like(x1).at[perm].set(x_pool)
    # --- decoder GINConv on original graph ---
    agg_d = jnp.zeros((N, H), x_lift.dtype).at[dst].add(x_lift[src])
    x_dec = jax.nn.elu(_mlp(x_lift + agg_d, W1d, b1d, W2d, b2d))
    # --- readout MLP [hidden -> out_channels] ---
    return x_dec @ Wo + bo

if __name__ == "__main__":
    import jax
    _d = setup_inputs()
    print(jax.jit(kernel)(*tuple(_d.values())))

</pallas_src>

<mosaic_0001>
#map = affine_map<(d0, d1) -> (0, 0)>
#map1 = affine_map<(d0, d1) -> (0, 0, 0)>
module attributes {stable_mosaic.version = 14 : i64} {
  func.func @run(%arg0: i32, %arg1: i32, %arg2: memref<10240x64xf32, #tpu.memory_space<hbm>>, %arg3: memref<32x80x128xi32, #tpu.memory_space<hbm>>, %arg4: memref<32x80x128xi32, #tpu.memory_space<hbm>>, %arg5: memref<2x10240x64xf32, #tpu.memory_space<hbm>>, %arg6: memref<10240x64xf32, #tpu.memory_space<vmem_shared>>, %arg7: memref<80x128xi32, #tpu.memory_space<vmem>>, %arg8: memref<80x128xi32, #tpu.memory_space<vmem>>, %arg9: memref<4x128x64xf32, #tpu.memory_space<vmem>>, %arg10: memref<4x!tpu.dma_semaphore, #tpu.memory_space<semaphore_mem>>, %arg11: memref<4x!tpu.dma_semaphore, #tpu.memory_space<semaphore_mem>>) attributes {dimension_semantics = [#tpu.dimension_semantics<core_parallel>, #tpu.dimension_semantics<subcore_parallel>], iteration_bounds = array<i64: 2, 16>, scalar_prefetch = 0 : i64, scratch_operands = 6 : i64, tpu.core_type = #tpu.core_type<sc_vector_subcore>, window_params = [{transform_indices = #map}, {transform_indices = #map1}, {transform_indices = #map1}, {transform_indices = #map1}]} {
    %mul3A = arith.constant 16 : i32
    %mul3A_0 = arith.muli %arg0, %mul3A : i32
    %add3A = arith.addi %mul3A_0, %arg1 : i32
    %broadcast_in_dim3A = arith.constant 0.000000e+00 : f32
    %broadcast_in_dim3A_1 = vector.broadcast %broadcast_in_dim3A : f32 to vector<16xf32>
    %scan3A = arith.constant 0 : i32
    %scan3A_2 = arith.constant 0 : i32
    %scan3A_3 = arith.constant 128 : i32
    %scan3A_4 = arith.addi %scan3A_2, %scan3A_3 : i32
    %scan3A_5 = arith.constant 1 : i32
    scf.for %scan3A_82 = %scan3A_2 to %scan3A_4 step %scan3A_5  : i32 {
      %swap3A = arith.constant 0 : i32
      %swap3A_83 = arith.index_cast %swap3A : i32 to index
      %swap3A_84 = arith.index_cast %scan3A_82 : i32 to index
      %swap3A_85 = arith.constant 0 : index
      %swap3A_86 = tpu.vector_load %arg9[%swap3A_83, %swap3A_84, %swap3A_85] {strides = array<i32>} : memref<4x128x64xf32, #tpu.memory_space<vmem>>, vector<1x1x16xf32>,
      %swap3A_87 = vector.shape_cast %swap3A_86 : vector<1x1x16xf32> to vector<16xf32>
      %swap3A_88 = vector.shape_cast %broadcast_in_dim3A_1 : vector<16xf32> to vector<1x1x16xf32>
      tpu.vector_store %arg9[%swap3A_83, %swap3A_84, %swap3A_85], %swap3A_88 {strides = array<i32>} : memref<4x128x64xf32, #tpu.memory_space<vmem>>, vector<1x1x16xf32>,
      %swap3A_89 = arith.constant 0 : i32
      %swap3A_90 = arith.index_cast %swap3A_89 : i32 to index
      %swap3A_91 = arith.index_cast %scan3A_82 : i32 to index
      %swap3A_92 = arith.constant 16 : index
      %swap3A_93 = tpu.vector_load %arg9[%swap3A_90, %swap3A_91, %swap3A_92] {strides = array<i32>} : memref<4x128x64xf32, #tpu.memory_space<vmem>>, vector<1x1x16xf32>,
      %swap3A_94 = vector.shape_cast %swap3A_93 : vector<1x1x16xf32> to vector<16xf32>
      %swap3A_95 = vector.shape_cast %broadcast_in_dim3A_1 : vector<16xf32> to vector<1x1x16xf32>
      tpu.vector_store %arg9[%swap3A_90, %swap3A_91, %swap3A_92], %swap3A_95 {strides = array<i32>} : memref<4x128x64xf32, #tpu.memory_space<vmem>>, vector<1x1x16xf32>,
      %swap3A_96 = arith.constant 0 : i32
      %swap3A_97 = arith.index_cast %swap3A_96 : i32 to index
      %swap3A_98 = arith.index_cast %scan3A_82 : i32 to index
      %swap3A_99 = arith.constant 32 : index
      %swap3A_100 = tpu.vector_load %arg9[%swap3A_97, %swap3A_98, %swap3A_99] {strides = array<i32>} : memref<4x128x64xf32, #tpu.memory_space<vmem>>, vector<1x1x16xf32>,
      %swap3A_101 = vector.shape_cast %swap3A_100 : vector<1x1x16xf32> to vector<16xf32>
      %swap3A_102 = vector.shape_cast %broadcast_in_dim3A_1 : vector<16xf32> to vector<1x1x16xf32>
      tpu.vector_store %arg9[%swap3A_97, %swap3A_98, %swap3A_99], %swap3A_102 {strides = array<i32>} : memref<4x128x64xf32, #tpu.memory_space<vmem>>, vector<1x1x16xf32>,
      %swap3A_103 = arith.constant 0 : i32
      %swap3A_104 = arith.index_cast %swap3A_103 : i32 to index
      %swap3A_105 = arith.index_cast %scan3A_82 : i32 to index
      %swap3A_106 = arith.constant 48 : index
      %swap3A_107 = tpu.vector_load %arg9[%swap3A_104, %swap3A_105, %swap3A_106] {strides = array<i32>} : memref<4x128x64xf32, #tpu.memory_space<vmem>>, vector<1x1x16xf32>,
      %swap3A_108 = vector.shape_cast %swap3A_107 : vector<1x1x16xf32> to vector<16xf32>
      %swap3A_109 = vector.shape_cast %broadcast_in_dim3A_1 : vector<16xf32> to vector<1x1x16xf32>
      tpu.vector_store %arg9[%swap3A_104, %swap3A_105, %swap3A_106], %swap3A_109 {strides = array<i32>} : memref<4x128x64xf32, #tpu.memory_space<vmem>>, vector<1x1x16xf32>,
    }
    %scan3A_6 = arith.constant 128 : i32
    %scan3A_7 = arith.constant 0 : i32
    %scan3A_8 = arith.constant 0 : i32
    %scan3A_9 = arith.constant 5 : i32
    %scan3A_10 = arith.addi %scan3A_8, %scan3A_9 : i32
    %scan3A_11 = arith.constant 1 : i32
    scf.for %scan3A_82 = %scan3A_8 to %scan3A_10 step %scan3A_11  : i32 {
      %mul3A_83 = arith.constant 640 : i32
      %mul3A_84 = arith.muli %arg1, %mul3A_83 : i32
      %mul3A_85 = arith.constant 128 : i32
      %mul3A_86 = arith.muli %scan3A_82, %mul3A_85 : i32
      %add3A_87 = arith.addi %mul3A_84, %mul3A_86 : i32
      %run_scoped3A = arith.constant 0 : i32
      "tpu.region"() ({
        %run_scoped3A_88 = tpu.sem_alloc : memref<!tpu.dma_semaphore, #tpu.memory_space<semaphore_mem>>
        %dma_start3A_89 = arith.constant 0 : i32
        %dma_start3A_90 = arith.constant 0 : i32
        %dma_start3A_91 = tpu.memref_slice %arg9[%run_scoped3A, %dma_start3A_89, %dma_start3A_90] : memref<4x128x64xf32, #tpu.memory_space<vmem>> -> memref<1x128x64xf32, #tpu.memory_space<vmem>>
        %dma_start3A_92 = tpu.memref_squeeze %dma_start3A_91 : memref<1x128x64xf32, #tpu.memory_space<vmem>> -> memref<128x64xf32, #tpu.memory_space<vmem>>
        %dma_start3A_93 = arith.constant 0 : i32
        %dma_start3A_94 = tpu.memref_slice %arg6[%add3A_87, %dma_start3A_93] : memref<10240x64xf32, #tpu.memory_space<vmem_shared>> -> memref<128x64xf32, #tpu.memory_space<vmem_shared>>
        %dma_start3A_95 = arith.constant 0 : i32
        %dma_start3A_96 = tpu.memref_slice %arg6[%add3A_87, %dma_start3A_95] : memref<10240x64xf32, #tpu.memory_space<vmem_shared>> -> memref<128x64xf32, #tpu.memory_space<vmem_shared>>
        %dma_start3A_97 = arith.constant 0 : i32
        %dma_start3A_98 = arith.constant 0 : i32
        %dma_start3A_99 = tpu.memref_slice %arg9[%run_scoped3A, %dma_start3A_97, %dma_start3A_98] : memref<4x128x64xf32, #tpu.memory_space<vmem>> -> memref<1x128x64xf32, #tpu.memory_space<vmem>>
        %dma_start3A_100 = tpu.memref_squeeze %dma_start3A_99 : memref<1x128x64xf32, #tpu.memory_space<vmem>> -> memref<128x64xf32, #tpu.memory_space<vmem>>
        tpu.enqueue_dma source(%dma_start3A_100 : memref<128x64xf32, #tpu.memory_space<vmem>>) target(%dma_start3A_96 : memref<128x64xf32, #tpu.memory_space<vmem_shared>>) target_semaphore(%run_scoped3A_88 : memref<!tpu.dma_semaphore, #tpu.memory_space<semaphore_mem>>)
        %dma_wait3A_101 = arith.constant 0 : i32
        %dma_wait3A_102 = arith.constant 0 : i32
        %dma_wait3A_103 = tpu.memref_slice %arg9[%run_scoped3A, %dma_wait3A_101, %dma_wait3A_102] : memref<4x128x64xf32, #tpu.memory_space<vmem>> -> memref<1x128x64xf32, #tpu.memory_space<vmem>>
        %dma_wait3A_104 = tpu.memref_squeeze %dma_wait3A_103 : memref<1x128x64xf32, #tpu.memory_space<vmem>> -> memref<128x64xf32, #tpu.memory_space<vmem>>
        %dma_wait3A_105 = arith.constant 0 : i32
        %dma_wait3A_106 = tpu.memref_slice %arg6[%add3A_87, %dma_wait3A_105] : memref<10240x64xf32, #tpu.memory_space<vmem_shared>> -> memref<128x64xf32, #tpu.memory_space<vmem_shared>>
        %dma_wait3A_107 = arith.constant 0 : i32
        %dma_wait3A_108 = tpu.memref_slice %arg6[%add3A_87, %dma_wait3A_107] : memref<10240x64xf32, #tpu.memory_space<vmem_shared>> -> memref<128x64xf32, #tpu.memory_space<vmem_shared>>
        %dma_wait3A_109 = arith.constant 0 : i32
        %dma_wait3A_110 = arith.constant 0 : i32
        %dma_wait3A_111 = tpu.memref_slice %arg9[%run_scoped3A, %dma_wait3A_109, %dma_wait3A_110] : memref<4x128x64xf32, #tpu.memory_space<vmem>> -> memref<1x128x64xf32, #tpu.memory_space<vmem>>
        %dma_wait3A_112 = tpu.memref_squeeze %dma_wait3A_111 : memref<1x128x64xf32, #tpu.memory_space<vmem>> -> memref<128x64xf32, #tpu.memory_space<vmem>>
        tpu.wait_dma2 semaphore(%run_scoped3A_88 : memref<!tpu.dma_semaphore, #tpu.memory_space<semaphore_mem>>) src(%dma_wait3A_112 : memref<128x64xf32, #tpu.memory_space<vmem>>) dst(%dma_wait3A_108 : memref<128x64xf32, #tpu.memory_space<vmem_shared>>)
        tpu.yield
      }) : () -> ()
    }
    %scan3A_12 = arith.constant 5 : i32
    %barrier3A = arith.constant 0 : index
    tpu.barrier barrier_id(%barrier3A)
    "tpu.region"() ({
      %run_scoped3A = tpu.sem_alloc : memref<!tpu.dma_semaphore, #tpu.memory_space<semaphore_mem>>
      %dma_start3A_82 = arith.constant 0 : i32
      %dma_start3A_83 = arith.constant 0 : i32
      %dma_start3A_84 = tpu.memref_slice %arg3[%add3A, %dma_start3A_82, %dma_start3A_83] : memref<32x80x128xi32, #tpu.memory_space<hbm>> -> memref<1x80x128xi32, #tpu.memory_space<hbm>>
      %dma_start3A_85 = tpu.memref_squeeze %dma_start3A_84 : memref<1x80x128xi32, #tpu.memory_space<hbm>> -> memref<80x128xi32, #tpu.memory_space<hbm>>
      %dma_start3A_86 = arith.constant 0 : i32
      %dma_start3A_87 = arith.constant 0 : i32
      %dma_start3A_88 = tpu.memref_slice %arg3[%add3A, %dma_start3A_86, %dma_start3A_87] : memref<32x80x128xi32, #tpu.memory_space<hbm>> -> memref<1x80x128xi32, #tpu.memory_space<hbm>>
      %dma_start3A_89 = tpu.memref_squeeze %dma_start3A_88 : memref<1x80x128xi32, #tpu.memory_space<hbm>> -> memref<80x128xi32, #tpu.memory_space<hbm>>
      tpu.enqueue_dma source(%dma_start3A_89 : memref<80x128xi32, #tpu.memory_space<hbm>>) target(%arg7 : memref<80x128xi32, #tpu.memory_space<vmem>>) target_semaphore(%run_scoped3A : memref<!tpu.dma_semaphore, #tpu.memory_space<semaphore_mem>>)
      %dma_wait3A_90 = arith.constant 0 : i32
      %dma_wait3A_91 = arith.constant 0 : i32
      %dma_wait3A_92 = tpu.memref_slice %arg3[%add3A, %dma_wait3A_90, %dma_wait3A_91] : memref<32x80x128xi32, #tpu.memory_space<hbm>> -> memref<1x80x128xi32, #tpu.memory_space<hbm>>
      %dma_wait3A_93 = tpu.memref_squeeze %dma_wait3A_92 : memref<1x80x128xi32, #tpu.memory_space<hbm>> -> memref<80x128xi32, #tpu.memory_space<hbm>>
      %dma_wait3A_94 = arith.constant 0 : i32
      %dma_wait3A_95 = arith.constant 0 : i32
      %dma_wait3A_96 = tpu.memref_slice %arg3[%add3A, %dma_wait3A_94, %dma_wait3A_95] : memref<32x80x128xi32, #tpu.memory_space<hbm>> -> memref<1x80x128xi32, #tpu.memory_space<hbm>>
      %dma_wait3A_97 = tpu.memref_squeeze %dma_wait3A_96 : memref<1x80x128xi32, #tpu.memory_space<hbm>> -> memref<80x128xi32, #tpu.memory_space<hbm>>
      tpu.wait_dma2 semaphore(%run_scoped3A : memref<!tpu.dma_semaphore, #tpu.memory_space<semaphore_mem>>) src(%dma_wait3A_97 : memref<80x128xi32, #tpu.memory_space<hbm>>) dst(%arg7 : memref<80x128xi32, #tpu.memory_space<vmem>>)
      tpu.yield
    }) : () -> ()
    "tpu.region"() ({
      %run_scoped3A = tpu.sem_alloc : memref<!tpu.dma_semaphore, #tpu.memory_space<semaphore_mem>>
      %dma_start3A_82 = arith.constant 0 : i32
      %dma_start3A_83 = arith.constant 0 : i32
      %dma_start3A_84 = tpu.memref_slice %arg4[%add3A, %dma_start3A_82, %dma_start3A_83] : memref<32x80x128xi32, #tpu.memory_space<hbm>> -> memref<1x80x128xi32, #tpu.memory_space<hbm>>
      %dma_start3A_85 = tpu.memref_squeeze %dma_start3A_84 : memref<1x80x128xi32, #tpu.memory_space<hbm>> -> memref<80x128xi32, #tpu.memory_space<hbm>>
      %dma_start3A_86 = arith.constant 0 : i32
      %dma_start3A_87 = arith.constant 0 : i32
      %dma_start3A_88 = tpu.memref_slice %arg4[%add3A, %dma_start3A_86, %dma_start3A_87] : memref<32x80x128xi32, #tpu.memory_space<hbm>> -> memref<1x80x128xi32, #tpu.memory_space<hbm>>
      %dma_start3A_89 = tpu.memref_squeeze %dma_start3A_88 : memref<1x80x128xi32, #tpu.memory_space<hbm>> -> memref<80x128xi32, #tpu.memory_space<hbm>>
      tpu.enqueue_dma source(%dma_start3A_89 : memref<80x128xi32, #tpu.memory_space<hbm>>) target(%arg8 : memref<80x128xi32, #tpu.memory_space<vmem>>) target_semaphore(%run_scoped3A : memref<!tpu.dma_semaphore, #tpu.memory_space<semaphore_mem>>)
      %dma_wait3A_90 = arith.constant 0 : i32
      %dma_wait3A_91 = arith.constant 0 : i32
      %dma_wait3A_92 = tpu.memref_slice %arg4[%add3A, %dma_wait3A_90, %dma_wait3A_91] : memref<32x80x128xi32, #tpu.memory_space<hbm>> -> memref<1x80x128xi32, #tpu.memory_space<hbm>>
      %dma_wait3A_93 = tpu.memref_squeeze %dma_wait3A_92 : memref<1x80x128xi32, #tpu.memory_space<hbm>> -> memref<80x128xi32, #tpu.memory_space<hbm>>
      %dma_wait3A_94 = arith.constant 0 : i32
      %dma_wait3A_95 = arith.constant 0 : i32
      %dma_wait3A_96 = tpu.memref_slice %arg4[%add3A, %dma_wait3A_94, %dma_wait3A_95] : memref<32x80x128xi32, #tpu.memory_space<hbm>> -> memref<1x80x128xi32, #tpu.memory_space<hbm>>
      %dma_wait3A_97 = tpu.memref_squeeze %dma_wait3A_96 : memref<1x80x128xi32, #tpu.memory_space<hbm>> -> memref<80x128xi32, #tpu.memory_space<hbm>>
      tpu.wait_dma2 semaphore(%run_scoped3A : memref<!tpu.dma_semaphore, #tpu.memory_space<semaphore_mem>>) src(%dma_wait3A_97 : memref<80x128xi32, #tpu.memory_space<hbm>>) dst(%arg8 : memref<80x128xi32, #tpu.memory_space<vmem>>)
      tpu.yield
    }) : () -> ()
    %dma_start3A = arith.constant 0 : i32
    %dma_start3A_13 = arith.constant 0 : i32
    %dma_start3A_14 = arith.constant 0 : i32
    %dma_start3A_15 = arith.constant 0 : i32
    %dma_start3A_16 = arith.constant 0 : i32
    %dma_start3A_17 = tpu.memref_slice %arg9[%dma_start3A_13, %dma_start3A_15, %dma_start3A_16] : memref<4x128x64xf32, #tpu.memory_space<vmem>> -> memref<1x128x64xf32, #tpu.memory_space<vmem>>
    %dma_start3A_18 = tpu.memref_squeeze %dma_start3A_17 : memref<1x128x64xf32, #tpu.memory_space<vmem>> -> memref<128x64xf32, #tpu.memory_space<vmem>>
    %dma_start3A_19 = arith.constant 0 : i32
    %dma_start3A_20 = tpu.memref_slice %arg7[%dma_start3A, %dma_start3A_19] : memref<80x128xi32, #tpu.memory_space<vmem>> -> memref<1x128xi32, #tpu.memory_space<vmem>>
    %dma_start3A_21 = tpu.memref_squeeze %dma_start3A_20 : memref<1x128xi32, #tpu.memory_space<vmem>> -> memref<128xi32, #tpu.memory_space<vmem>>
    %dma_start3A_22 = arith.constant 0 : i32
    %dma_start3A_23 = arith.constant 0 : i32
    %dma_start3A_24 = tpu.memref_slice %arg2[%dma_start3A_22, %dma_start3A_23] : memref<10240x64xf32, #tpu.memory_space<hbm>> -> memref<10240x64xf32, #tpu.memory_space<hbm>>
    %dma_start3A_25 = tpu.memref_slice %arg10[%dma_start3A_14] : memref<4x!tpu.dma_semaphore, #tpu.memory_space<semaphore_mem>> -> memref<1x!tpu.dma_semaphore, #tpu.memory_space<semaphore_mem>>
    %dma_start3A_26 = tpu.memref_squeeze %dma_start3A_25 : memref<1x!tpu.dma_semaphore, #tpu.memory_space<semaphore_mem>> -> memref<!tpu.dma_semaphore, #tpu.memory_space<semaphore_mem>>
    tpu.enqueue_indirect_dma source(%dma_start3A_24 : memref<10240x64xf32, #tpu.memory_space<hbm>>) target(%dma_start3A_18 : memref<128x64xf32, #tpu.memory_space<vmem>>) offsets(%dma_start3A_21 : memref<128xi32, #tpu.memory_space<vmem>>) semaphore(%dma_start3A_26 : memref<!tpu.dma_semaphore, #tpu.memory_space<semaphore_mem>>)
    %dma_start3A_27 = arith.constant 1 : i32
    %dma_start3A_28 = arith.constant 1 : i32
    %dma_start3A_29 = arith.constant 1 : i32
    %dma_start3A_30 = arith.constant 0 : i32
    %dma_start3A_31 = arith.constant 0 : i32
    %dma_start3A_32 = tpu.memref_slice %arg9[%dma_start3A_28, %dma_start3A_30, %dma_start3A_31] : memref<4x128x64xf32, #tpu.memory_space<vmem>> -> memref<1x128x64xf32, #tpu.memory_space<vmem>>
    %dma_start3A_33 = tpu.memref_squeeze %dma_start3A_32 : memref<1x128x64xf32, #tpu.memory_space<vmem>> -> memref<128x64xf32, #tpu.memory_space<vmem>>
    %dma_start3A_34 = arith.constant 0 : i32
    %dma_start3A_35 = tpu.memref_slice %arg7[%dma_start3A_27, %dma_start3A_34] : memref<80x128xi32, #tpu.memory_space<vmem>> -> memref<1x128xi32, #tpu.memory_space<vmem>>
    %dma_start3A_36 = tpu.memref_squeeze %dma_start3A_35 : memref<1x128xi32, #tpu.memory_space<vmem>> -> memref<128xi32, #tpu.memory_space<vmem>>
    %dma_start3A_37 = arith.constant 0 : i32
    %dma_start3A_38 = arith.constant 0 : i32
    %dma_start3A_39 = tpu.memref_slice %arg2[%dma_start3A_37, %dma_start3A_38] : memref<10240x64xf32, #tpu.memory_space<hbm>> -> memref<10240x64xf32, #tpu.memory_space<hbm>>
    %dma_start3A_40 = tpu.memref_slice %arg10[%dma_start3A_29] : memref<4x!tpu.dma_semaphore, #tpu.memory_space<semaphore_mem>> -> memref<1x!tpu.dma_semaphore, #tpu.memory_space<semaphore_mem>>
    %dma_start3A_41 = tpu.memref_squeeze %dma_start3A_40 : memref<1x!tpu.dma_semaphore, #tpu.memory_space<semaphore_mem>> -> memref<!tpu.dma_semaphore, #tpu.memory_space<semaphore_mem>>
    tpu.enqueue_indirect_dma source(%dma_start3A_39 : memref<10240x64xf32, #tpu.memory_space<hbm>>) target(%dma_start3A_33 : memref<128x64xf32, #tpu.memory_space<vmem>>) offsets(%dma_start3A_36 : memref<128xi32, #tpu.memory_space<vmem>>) semaphore(%dma_start3A_41 : memref<!tpu.dma_semaphore, #tpu.memory_space<semaphore_mem>>)
    %scan3A_42 = arith.constant 0 : i32
    %scan3A_43 = arith.constant 0 : i32
    %scan3A_44 = arith.constant 20 : i32
    %scan3A_45 = arith.addi %scan3A_43, %scan3A_44 : i32
    %scan3A_46 = arith.constant 1 : i32
    scf.for %scan3A_82 = %scan3A_43 to %scan3A_45 step %scan3A_46  : i32 {
      %mul3A_83 = arith.constant 4 : i32
      %mul3A_84 = arith.muli %scan3A_82, %mul3A_83 : i32
      %add3A_85 = arith.constant 0 : i32
      %add3A_86 = arith.addi %mul3A_84, %add3A_85 : i32
      %dma_wait3A_87 = arith.constant 0 : i32
      %dma_wait3A_88 = arith.constant 0 : i32
      %dma_wait3A_89 = arith.constant 0 : i32
      %dma_wait3A_90 = arith.constant 0 : i32
      %dma_wait3A_91 = tpu.memref_slice %arg9[%dma_wait3A_87, %dma_wait3A_89, %dma_wait3A_90] : memref<4x128x64xf32, #tpu.memory_space<vmem>> -> memref<1x128x64xf32, #tpu.memory_space<vmem>>
      %dma_wait3A_92 = tpu.memref_squeeze %dma_wait3A_91 : memref<1x128x64xf32, #tpu.memory_space<vmem>> -> memref<128x64xf32, #tpu.memory_space<vmem>>
      %dma_wait3A_93 = arith.constant 0 : i32
      %dma_wait3A_94 = tpu.memref_slice %arg7[%add3A_86, %dma_wait3A_93] : memref<80x128xi32, #tpu.memory_space<vmem>> -> memref<1x128xi32, #tpu.memory_space<vmem>>
      %dma_wait3A_95 = tpu.memref_squeeze %dma_wait3A_94 : memref<1x128xi32, #tpu.memory_space<vmem>> -> memref<128xi32, #tpu.memory_space<vmem>>
      %dma_wait3A_96 = arith.constant 0 : i32
      %dma_wait3A_97 = arith.constant 0 : i32
      %dma_wait3A_98 = tpu.memref_slice %arg2[%dma_wait3A_96, %dma_wait3A_97] : memref<10240x64xf32, #tpu.memory_space<hbm>> -> memref<10240x64xf32, #tpu.memory_space<hbm>>
      %dma_wait3A_99 = tpu.memref_slice %arg10[%dma_wait3A_88] : memref<4x!tpu.dma_semaphore, #tpu.memory_space<semaphore_mem>> -> memref<1x!tpu.dma_semaphore, #tpu.memory_space<semaphore_mem>>
      %dma_wait3A_100 = tpu.memref_squeeze %dma_wait3A_99 : memref<1x!tpu.dma_semaphore, #tpu.memory_space<semaphore_mem>> -> memref<!tpu.dma_semaphore, #tpu.memory_space<semaphore_mem>>
      tpu.wait_indirect_dma semaphore(%dma_wait3A_100 : memref<!tpu.dma_semaphore, #tpu.memory_space<semaphore_mem>>) src(%dma_wait3A_98 : memref<10240x64xf32, #tpu.memory_space<hbm>>) dst(%dma_wait3A_92 : memref<128x64xf32, #tpu.memory_space<vmem>>)
      %dma_start3A_101 = arith.constant 0 : i32
      %dma_start3A_102 = arith.constant 0 : i32
      %dma_start3A_103 = arith.constant 0 : i32
      %dma_start3A_104 = arith.constant 0 : i32
      %dma_start3A_105 = tpu.memref_slice %arg9[%dma_start3A_101, %dma_start3A_103, %dma_start3A_104] : memref<4x128x64xf32, #tpu.memory_space<vmem>> -> memref<1x128x64xf32, #tpu.memory_space<vmem>>
      %dma_start3A_106 = tpu.memref_squeeze %dma_start3A_105 : memref<1x128x64xf32, #tpu.memory_space<vmem>> -> memref<128x64xf32, #tpu.memory_space<vmem>>
      %dma_start3A_107 = arith.constant 0 : i32
      %dma_start3A_108 = tpu.memref_slice %arg8[%add3A_86, %dma_start3A_107] : memref<80x128xi32, #tpu.memory_space<vmem>> -> memref<1x128xi32, #tpu.memory_space<vmem>>
      %dma_start3A_109 = tpu.memref_squeeze %dma_start3A_108 : memref<1x128xi32, #tpu.memory_space<vmem>> -> memref<128xi32, #tpu.memory_space<vmem>>
      %dma_start3A_110 = arith.constant 0 : i32
      %dma_start3A_111 = arith.constant 0 : i32
      %dma_start3A_112 = tpu.memref_slice %arg6[%dma_start3A_110, %dma_start3A_111] : memref<10240x64xf32, #tpu.memory_space<vmem_shared>> -> memref<10240x64xf32, #tpu.memory_space<vmem_shared>>
      %dma_start3A_113 = tpu.memref_slice %arg11[%dma_start3A_102] : memref<4x!tpu.dma_semaphore, #tpu.memory_space<semaphore_mem>> -> memref<1x!tpu.dma_semaphore, #tpu.memory_space<semaphore_mem>>
      %dma_start3A_114 = tpu.memref_squeeze %dma_start3A_113 : memref<1x!tpu.dma_semaphore, #tpu.memory_space<semaphore_mem>> -> memref<!tpu.dma_semaphore, #tpu.memory_space<semaphore_mem>>
      tpu.enqueue_indirect_dma source(%dma_start3A_106 : memref<128x64xf32, #tpu.memory_space<vmem>>) target(%dma_start3A_112 : memref<10240x64xf32, #tpu.memory_space<vmem_shared>>) offsets(%dma_start3A_109 : memref<128xi32, #tpu.memory_space<vmem>>) semaphore(%dma_start3A_114 : memref<!tpu.dma_semaphore, #tpu.memory_space<semaphore_mem>>) {add = true}
      %ge3A = arith.constant 2 : i32
      %ge3A_115 = arith.cmpi sge, %add3A_86, %ge3A : i32
      %convert_element_type3A = arith.extui %ge3A_115 : i1 to i32
      %cond3A = arith.constant 0 : i32
      %cond3A_116 = arith.cmpi ne, %convert_element_type3A, %cond3A : i32
      scf.if %cond3A_116 {
        %sub3A = arith.constant 2 : i32
        %sub3A_249 = arith.subi %add3A_86, %sub3A : i32
        %dma_wait3A_250 = arith.constant 2 : i32
        %dma_wait3A_251 = arith.constant 2 : i32
        %dma_wait3A_252 = arith.constant 0 : i32
        %dma_wait3A_253 = arith.constant 0 : i32
        %dma_wait3A_254 = tpu.memref_slice %arg9[%dma_wait3A_250, %dma_wait3A_252, %dma_wait3A_253] : memref<4x128x64xf32, #tpu.memory_space<vmem>> -> memref<1x128x64xf32, #tpu.memory_space<vmem>>
        %dma_wait3A_255 = tpu.memref_squeeze %dma_wait3A_254 : memref<1x128x64xf32, #tpu.memory_space<vmem>> -> memref<128x64xf32, #tpu.memory_space<vmem>>
        %dma_wait3A_256 = arith.constant 0 : i32
        %dma_wait3A_257 = tpu.memref_slice %arg8[%sub3A_249, %dma_wait3A_256] : memref<80x128xi32, #tpu.memory_space<vmem>> -> memref<1x128xi32, #tpu.memory_space<vmem>>
        %dma_wait3A_258 = tpu.memref_squeeze %dma_wait3A_257 : memref<1x128xi32, #tpu.memory_space<vmem>> -> memref<128xi32, #tpu.memory_space<vmem>>
        %dma_wait3A_259 = arith.constant 0 : i32
        %dma_wait3A_260 = arith.constant 0 : i32
        %dma_wait3A_261 = tpu.memref_slice %arg6[%dma_wait3A_259, %dma_wait3A_260] : memref<10240x64xf32, #tpu.memory_space<vmem_shared>> -> memref<10240x64xf32, #tpu.memory_space<vmem_shared>>
        %dma_wait3A_262 = tpu.memref_slice %arg11[%dma_wait3A_251] : memref<4x!tpu.dma_semaphore, #tpu.memory_space<semaphore_mem>> -> memref<1x!tpu.dma_semaphore, #tpu.memory_space<semaphore_mem>>
        %dma_wait3A_263 = tpu.memref_squeeze %dma_wait3A_262 : memref<1x!tpu.dma_semaphore, #tpu.memory_space<semaphore_mem>> -> memref<!tpu.dma_semaphore, #tpu.memory_space<semaphore_mem>>
        tpu.wait_indirect_dma semaphore(%dma_wait3A_263 : memref<!tpu.dma_semaphore, #tpu.memory_space<semaphore_mem>>) src(%dma_wait3A_255 : memref<128x64xf32, #tpu.memory_space<vmem>>) dst(%dma_wait3A_261 : memref<10240x64xf32, #tpu.memory_space<vmem_shared>>)
      } else {
      }
      %add3A_117 = arith.constant 2 : i32
      %add3A_118 = arith.addi %add3A_86, %add3A_117 : i32
      %lt3A = arith.constant 80 : i32
      %lt3A_119 = arith.cmpi slt, %add3A_118, %lt3A : i32
      %convert_element_type3A_120 = arith.extui %lt3A_119 : i1 to i32
      %cond3A_121 = arith.constant 0 : i32
      %cond3A_122 = arith.cmpi ne, %convert_element_type3A_120, %cond3A_121 : i32
      scf.if %cond3A_122 {
        %add3A_249 = arith.constant 2 : i32
        %add3A_250 = arith.addi %add3A_86, %add3A_249 : i32
        %dma_start3A_251 = arith.constant 2 : i32
        %dma_start3A_252 = arith.constant 2 : i32
        %dma_start3A_253 = arith.constant 0 : i32
        %dma_start3A_254 = arith.constant 0 : i32
        %dma_start3A_255 = tpu.memref_slice %arg9[%dma_start3A_251, %dma_start3A_253, %dma_start3A_254] : memref<4x128x64xf32, #tpu.memory_space<vmem>> -> memref<1x128x64xf32, #tpu.memory_space<vmem>>
        %dma_start3A_256 = tpu.memref_squeeze %dma_start3A_255 : memref<1x128x64xf32, #tpu.memory_space<vmem>> -> memref<128x64xf32, #tpu.memory_space<vmem>>
        %dma_start3A_257 = arith.constant 0 : i32
        %dma_start3A_258 = tpu.memref_slice %arg7[%add3A_250, %dma_start3A_257] : memref<80x128xi32, #tpu.memory_space<vmem>> -> memref<1x128xi32, #tpu.memory_space<vmem>>
        %dma_start3A_259 = tpu.memref_squeeze %dma_start3A_258 : memref<1x128xi32, #tpu.memory_space<vmem>> -> memref<128xi32, #tpu.memory_space<vmem>>
        %dma_start3A_260 = arith.constant 0 : i32
        %dma_start3A_261 = arith.constant 0 : i32
        %dma_start3A_262 = tpu.memref_slice %arg2[%dma_start3A_260, %dma_start3A_261] : memref<10240x64xf32, #tpu.memory_space<hbm>> -> memref<10240x64xf32, #tpu.memory_space<hbm>>
        %dma_start3A_263 = tpu.memref_slice %arg10[%dma_start3A_252] : memref<4x!tpu.dma_semaphore, #tpu.memory_space<semaphore_mem>> -> memref<1x!tpu.dma_semaphore, #tpu.memory_space<semaphore_mem>>
        %dma_start3A_264 = tpu.memref_squeeze %dma_start3A_263 : memref<1x!tpu.dma_semaphore, #tpu.memory_space<semaphore_mem>> -> memref<!tpu.dma_semaphore, #tpu.memory_space<semaphore_mem>>
        tpu.enqueue_indirect_dma source(%dma_start3A_262 : memref<10240x64xf32, #tpu.memory_space<hbm>>) target(%dma_start3A_256 : memref<128x64xf32, #tpu.memory_space<vmem>>) offsets(%dma_start3A_259 : memref<128xi32, #tpu.memory_space<vmem>>) semaphore(%dma_start3A_264 : memref<!tpu.dma_semaphore, #tpu.memory_space<semaphore_mem>>)
      } else {
      }
      %add3A_123 = arith.constant 1 : i32
      %add3A_124 = arith.addi %mul3A_84, %add3A_123 : i32
      %dma_wait3A_125 = arith.constant 1 : i32
      %dma_wait3A_126 = arith.constant 1 : i32
      %dma_wait3A_127 = arith.constant 0 : i32
      %dma_wait3A_128 = arith.constant 0 : i32
      %dma_wait3A_129 = tpu.memref_slice %arg9[%dma_wait3A_125, %dma_wait3A_127, %dma_wait3A_128] : memref<4x128x64xf32, #tpu.memory_space<vmem>> -> memref<1x128x64xf32, #tpu.memory_space<vmem>>
      %dma_wait3A_130 = tpu.memref_squeeze %dma_wait3A_129 : memref<1x128x64xf32, #tpu.memory_space<vmem>> -> memref<128x64xf32, #tpu.memory_space<vmem>>
      %dma_wait3A_131 = arith.constant 0 : i32
      %dma_wait3A_132 = tpu.memref_slice %arg7[%add3A_124, %dma_wait3A_131] : memref<80x128xi32, #tpu.memory_space<vmem>> -> memref<1x128xi32, #tpu.memory_space<vmem>>
      %dma_wait3A_133 = tpu.memref_squeeze %dma_wait3A_132 : memref<1x128xi32, #tpu.memory_space<vmem>> -> memref<128xi32, #tpu.memory_space<vmem>>
      %dma_wait3A_134 = arith.constant 0 : i32
      %dma_wait3A_135 = arith.constant 0 : i32
      %dma_wait3A_136 = tpu.memref_slice %arg2[%dma_wait3A_134, %dma_wait3A_135] : memref<10240x64xf32, #tpu.memory_space<hbm>> -> memref<10240x64xf32, #tpu.memory_space<hbm>>
      %dma_wait3A_137 = tpu.memref_slice %arg10[%dma_wait3A_126] : memref<4x!tpu.dma_semaphore, #tpu.memory_space<semaphore_mem>> -> memref<1x!tpu.dma_semaphore, #tpu.memory_space<semaphore_mem>>
      %dma_wait3A_138 = tpu.memref_squeeze %dma_wait3A_137 : memref<1x!tpu.dma_semaphore, #tpu.memory_space<semaphore_mem>> -> memref<!tpu.dma_semaphore, #tpu.memory_space<semaphore_mem>>
      tpu.wait_indirect_dma semaphore(%dma_wait3A_138 : memref<!tpu.dma_semaphore, #tpu.memory_space<semaphore_mem>>) src(%dma_wait3A_136 : memref<10240x64xf32, #tpu.memory_space<hbm>>) dst(%dma_wait3A_130 : memref<128x64xf32, #tpu.memory_space<vmem>>)
      %dma_start3A_139 = arith.constant 1 : i32
      %dma_start3A_140 = arith.constant 1 : i32
      %dma_start3A_141 = arith.constant 0 : i32
      %dma_start3A_142 = arith.constant 0 : i32
      %dma_start3A_143 = tpu.memref_slice %arg9[%dma_start3A_139, %dma_start3A_141, %dma_start3A_142] : memref<4x128x64xf32, #tpu.memory_space<vmem>> -> memref<1x128x64xf32, #tpu.memory_space<vmem>>
      %dma_start3A_144 = tpu.memref_squeeze %dma_start3A_143 : memref<1x128x64xf32, #tpu.memory_space<vmem>> -> memref<128x64xf32, #tpu.memory_space<vmem>>
      %dma_start3A_145 = arith.constant 0 : i32
      %dma_start3A_146 = tpu.memref_slice %arg8[%add3A_124, %dma_start3A_145] : memref<80x128xi32, #tpu.memory_space<vmem>> -> memref<1x128xi32, #tpu.memory_space<vmem>>
      %dma_start3A_147 = tpu.memref_squeeze %dma_start3A_146 : memref<1x128xi32, #tpu.memory_space<vmem>> -> memref<128xi32, #tpu.memory_space<vmem>>
      %dma_start3A_148 = arith.constant 0 : i32
      %dma_start3A_149 = arith.constant 0 : i32
      %dma_start3A_150 = tpu.memref_slice %arg6[%dma_start3A_148, %dma_start3A_149] : memref<10240x64xf32, #tpu.memory_space<vmem_shared>> -> memref<10240x64xf32, #tpu.memory_space<vmem_shared>>
      %dma_start3A_151 = tpu.memref_slice %arg11[%dma_start3A_140] : memref<4x!tpu.dma_semaphore, #tpu.memory_space<semaphore_mem>> -> memref<1x!tpu.dma_semaphore, #tpu.memory_space<semaphore_mem>>
      %dma_start3A_152 = tpu.memref_squeeze %dma_start3A_151 : memref<1x!tpu.dma_semaphore, #tpu.memory_space<semaphore_mem>> -> memref<!tpu.dma_semaphore, #tpu.memory_space<semaphore_mem>>
      tpu.enqueue_indirect_dma source(%dma_start3A_144 : memref<128x64xf32, #tpu.memory_space<vmem>>) target(%dma_start3A_150 : memref<10240x64xf32, #tpu.memory_space<vmem_shared>>) offsets(%dma_start3A_147 : memref<128xi32, #tpu.memory_space<vmem>>) semaphore(%dma_start3A_152 : memref<!tpu.dma_semaphore, #tpu.memory_space<semaphore_mem>>) {add = true}
      %ge3A_153 = arith.constant 2 : i32
      %ge3A_154 = arith.cmpi sge, %add3A_124, %ge3A_153 : i32
      %convert_element_type3A_155 = arith.extui %ge3A_154 : i1 to i32
      %cond3A_156 = arith.constant 0 : i32
      %cond3A_157 = arith.cmpi ne, %convert_element_type3A_155, %cond3A_156 : i32
      scf.if %cond3A_157 {
        %sub3A = arith.constant 2 : i32
        %sub3A_249 = arith.subi %add3A_124, %sub3A : i32
        %dma_wait3A_250 = arith.constant 3 : i32
        %dma_wait3A_251 = arith.constant 3 : i32
        %dma_wait3A_252 = arith.constant 0 : i32
        %dma_wait3A_253 = arith.constant 0 : i32
        %dma_wait3A_254 = tpu.memref_slice %arg9[%dma_wait3A_250, %dma_wait3A_252, %dma_wait3A_253] : memref<4x128x64xf32, #tpu.memory_space<vmem>> -> memref<1x128x64xf32, #tpu.memory_space<vmem>>
        %dma_wait3A_255 = tpu.memref_squeeze %dma_wait3A_254 : memref<1x128x64xf32, #tpu.memory_space<vmem>> -> memref<128x64xf32, #tpu.memory_space<vmem>>
        %dma_wait3A_256 = arith.constant 0 : i32
        %dma_wait3A_257 = tpu.memref_slice %arg8[%sub3A_249, %dma_wait3A_256] : memref<80x128xi32, #tpu.memory_space<vmem>> -> memref<1x128xi32, #tpu.memory_space<vmem>>
        %dma_wait3A_258 = tpu.memref_squeeze %dma_wait3A_257 : memref<1x128xi32, #tpu.memory_space<vmem>> -> memref<128xi32, #tpu.memory_space<vmem>>
        %dma_wait3A_259 = arith.constant 0 : i32
        %dma_wait3A_260 = arith.constant 0 : i32
        %dma_wait3A_261 = tpu.memref_slice %arg6[%dma_wait3A_259, %dma_wait3A_260] : memref<10240x64xf32, #tpu.memory_space<vmem_shared>> -> memref<10240x64xf32, #tpu.memory_space<vmem_shared>>
        %dma_wait3A_262 = tpu.memref_slice %arg11[%dma_wait3A_251] : memref<4x!tpu.dma_semaphore, #tpu.memory_space<semaphore_mem>> -> memref<1x!tpu.dma_semaphore, #tpu.memory_space<semaphore_mem>>
        %dma_wait3A_263 = tpu.memref_squeeze %dma_wait3A_262 : memref<1x!tpu.dma_semaphore, #tpu.memory_space<semaphore_mem>> -> memref<!tpu.dma_semaphore, #tpu.memory_space<semaphore_mem>>
        tpu.wait_indirect_dma semaphore(%dma_wait3A_263 : memref<!tpu.dma_semaphore, #tpu.memory_space<semaphore_mem>>) src(%dma_wait3A_255 : memref<128x64xf32, #tpu.memory_space<vmem>>) dst(%dma_wait3A_261 : memref<10240x64xf32, #tpu.memory_space<vmem_shared>>)
      } else {
      }
      %add3A_158 = arith.constant 2 : i32
      %add3A_159 = arith.addi %add3A_124, %add3A_158 : i32
      %lt3A_160 = arith.constant 80 : i32
      %lt3A_161 = arith.cmpi slt, %add3A_159, %lt3A_160 : i32
      %convert_element_type3A_162 = arith.extui %lt3A_161 : i1 to i32
      %cond3A_163 = arith.constant 0 : i32
      %cond3A_164 = arith.cmpi ne, %convert_element_type3A_162, %cond3A_163 : i32
      scf.if %cond3A_164 {
        %add3A_249 = arith.constant 2 : i32
        %add3A_250 = arith.addi %add3A_124, %add3A_249 : i32
        %dma_start3A_251 = arith.constant 3 : i32
        %dma_start3A_252 = arith.constant 3 : i32
        %dma_start3A_253 = arith.constant 0 : i32
        %dma_start3A_254 = arith.constant 0 : i32
        %dma_start3A_255 = tpu.memref_slice %arg9[%dma_start3A_251, %dma_start3A_253, %dma_start3A_254] : memref<4x128x64xf32, #tpu.memory_space<vmem>> -> memref<1x128x64xf32, #tpu.memory_space<vmem>>
        %dma_start3A_256 = tpu.memref_squeeze %dma_start3A_255 : memref<1x128x64xf32, #tpu.memory_space<vmem>> -> memref<128x64xf32, #tpu.memory_space<vmem>>
        %dma_start3A_257 = arith.constant 0 : i32
        %dma_start3A_258 = tpu.memref_slice %arg7[%add3A_250, %dma_start3A_257] : memref<80x128xi32, #tpu.memory_space<vmem>> -> memref<1x128xi32, #tpu.memory_space<vmem>>
        %dma_start3A_259 = tpu.memref_squeeze %dma_start3A_258 : memref<1x128xi32, #tpu.memory_space<vmem>> -> memref<128xi32, #tpu.memory_space<vmem>>
        %dma_start3A_260 = arith.constant 0 : i32
        %dma_start3A_261 = arith.constant 0 : i32
        %dma_start3A_262 = tpu.memref_slice %arg2[%dma_start3A_260, %dma_start3A_261] : memref<10240x64xf32, #tpu.memory_space<hbm>> -> memref<10240x64xf32, #tpu.memory_space<hbm>>
        %dma_start3A_263 = tpu.memref_slice %arg10[%dma_start3A_252] : memref<4x!tpu.dma_semaphore, #tpu.memory_space<semaphore_mem>> -> memref<1x!tpu.dma_semaphore, #tpu.memory_space<semaphore_mem>>
        %dma_start3A_264 = tpu.memref_squeeze %dma_start3A_263 : memref<1x!tpu.dma_semaphore, #tpu.memory_space<semaphore_mem>> -> memref<!tpu.dma_semaphore, #tpu.memory_space<semaphore_mem>>
        tpu.enqueue_indirect_dma source(%dma_start3A_262 : memref<10240x64xf32, #tpu.memory_space<hbm>>) target(%dma_start3A_256 : memref<128x64xf32, #tpu.memory_space<vmem>>) offsets(%dma_start3A_259 : memref<128xi32, #tpu.memory_space<vmem>>) semaphore(%dma_start3A_264 : memref<!tpu.dma_semaphore, #tpu.memory_space<semaphore_mem>>)
      } else {
      }
      %add3A_165 = arith.constant 2 : i32
      %add3A_166 = arith.addi %mul3A_84, %add3A_165 : i32
      %dma_wait3A_167 = arith.constant 2 : i32
      %dma_wait3A_168 = arith.constant 2 : i32
      %dma_wait3A_169 = arith.constant 0 : i32
      %dma_wait3A_170 = arith.constant 0 : i32
      %dma_wait3A_171 = tpu.memref_slice %arg9[%dma_wait3A_167, %dma_wait3A_169, %dma_wait3A_170] : memref<4x128x64xf32, #tpu.memory_space<vmem>> -> memref<1x128x64xf32, #tpu.memory_space<vmem>>
      %dma_wait3A_172 = tpu.memref_squeeze %dma_wait3A_171 : memref<1x128x64xf32, #tpu.memory_space<vmem>> -> memref<128x64xf32, #tpu.memory_space<vmem>>
      %dma_wait3A_173 = arith.constant 0 : i32
      %dma_wait3A_174 = tpu.memref_slice %arg7[%add3A_166, %dma_wait3A_173] : memref<80x128xi32, #tpu.memory_space<vmem>> -> memref<1x128xi32, #tpu.memory_space<vmem>>
      %dma_wait3A_175 = tpu.memref_squeeze %dma_wait3A_174 : memref<1x128xi32, #tpu.memory_space<vmem>> -> memref<128xi32, #tpu.memory_space<vmem>>
      %dma_wait3A_176 = arith.constant 0 : i32
      %dma_wait3A_177 = arith.constant 0 : i32
      %dma_wait3A_178 = tpu.memref_slice %arg2[%dma_wait3A_176, %dma_wait3A_177] : memref<10240x64xf32, #tpu.memory_space<hbm>> -> memref<10240x64xf32, #tpu.memory_space<hbm>>
      %dma_wait3A_179 = tpu.memref_slice %arg10[%dma_wait3A_168] : memref<4x!tpu.dma_semaphore, #tpu.memory_space<semaphore_mem>> -> memref<1x!tpu.dma_semaphore, #tpu.memory_space<semaphore_mem>>
      %dma_wait3A_180 = tpu.memref_squeeze %dma_wait3A_179 : memref<1x!tpu.dma_semaphore, #tpu.memory_space<semaphore_mem>> -> memref<!tpu.dma_semaphore, #tpu.memory_space<semaphore_mem>>
      tpu.wait_indirect_dma semaphore(%dma_wait3A_180 : memref<!tpu.dma_semaphore, #tpu.memory_space<semaphore_mem>>) src(%dma_wait3A_178 : memref<10240x64xf32, #tpu.memory_space<hbm>>) dst(%dma_wait3A_172 : memref<128x64xf32, #tpu.memory_space<vmem>>)
      %dma_start3A_181 = arith.constant 2 : i32
      %dma_start3A_182 = arith.constant 2 : i32
      %dma_start3A_183 = arith.constant 0 : i32
      %dma_start3A_184 = arith.constant 0 : i32
      %dma_start3A_185 = tpu.memref_slice %arg9[%dma_start3A_181, %dma_start3A_183, %dma_start3A_184] : memref<4x128x64xf32, #tpu.memory_space<vmem>> -> memref<1x128x64xf32, #tpu.memory_space<vmem>>
      %dma_start3A_186 = tpu.memref_squeeze %dma_start3A_185 : memref<1x128x64xf32, #tpu.memory_space<vmem>> -> memref<128x64xf32, #tpu.memory_space<vmem>>
      %dma_start3A_187 = arith.constant 0 : i32
      %dma_start3A_188 = tpu.memref_slice %arg8[%add3A_166, %dma_start3A_187] : memref<80x128xi32, #tpu.memory_space<vmem>> -> memref<1x128xi32, #tpu.memory_space<vmem>>
      %dma_start3A_189 = tpu.memref_squeeze %dma_start3A_188 : memref<1x128xi32, #tpu.memory_space<vmem>> -> memref<128xi32, #tpu.memory_space<vmem>>
      %dma_start3A_190 = arith.constant 0 : i32
      %dma_start3A_191 = arith.constant 0 : i32
      %dma_start3A_192 = tpu.memref_slice %arg6[%dma_start3A_190, %dma_start3A_191] : memref<10240x64xf32, #tpu.memory_space<vmem_shared>> -> memref<10240x64xf32, #tpu.memory_space<vmem_shared>>
      %dma_start3A_193 = tpu.memref_slice %arg11[%dma_start3A_182] : memref<4x!tpu.dma_semaphore, #tpu.memory_space<semaphore_mem>> -> memref<1x!tpu.dma_semaphore, #tpu.memory_space<semaphore_mem>>
      %dma_start3A_194 = tpu.memref_squeeze %dma_start3A_193 : memref<1x!tpu.dma_semaphore, #tpu.memory_space<semaphore_mem>> -> memref<!tpu.dma_semaphore, #tpu.memory_space<semaphore_mem>>
      tpu.enqueue_indirect_dma source(%dma_start3A_186 : memref<128x64xf32, #tpu.memory_space<vmem>>) target(%dma_start3A_192 : memref<10240x64xf32, #tpu.memory_space<vmem_shared>>) offsets(%dma_start3A_189 : memref<128xi32, #tpu.memory_space<vmem>>) semaphore(%dma_start3A_194 : memref<!tpu.dma_semaphore, #tpu.memory_space<semaphore_mem>>) {add = true}
      %ge3A_195 = arith.constant 2 : i32
      %ge3A_196 = arith.cmpi sge, %add3A_166, %ge3A_195 : i32
      %convert_element_type3A_197 = arith.extui %ge3A_196 : i1 to i32
      %cond3A_198 = arith.constant 0 : i32
      %cond3A_199 = arith.cmpi ne, %convert_element_type3A_197, %cond3A_198 : i32
      scf.if %cond3A_199 {
        %sub3A = arith.constant 2 : i32
        %sub3A_249 = arith.subi %add3A_166, %sub3A : i32
        %dma_wait3A_250 = arith.constant 0 : i32
        %dma_wait3A_251 = arith.constant 0 : i32
        %dma_wait3A_252 = arith.constant 0 : i32
        %dma_wait3A_253 = arith.constant 0 : i32
        %dma_wait3A_254 = tpu.memref_slice %arg9[%dma_wait3A_250, %dma_wait3A_252, %dma_wait3A_253] : memref<4x128x64xf32, #tpu.memory_space<vmem>> -> memref<1x128x64xf32, #tpu.memory_space<vmem>>
        %dma_wait3A_255 = tpu.memref_squeeze %dma_wait3A_254 : memref<1x128x64xf32, #tpu.memory_space<vmem>> -> memref<128x64xf32, #tpu.memory_space<vmem>>
        %dma_wait3A_256 = arith.constant 0 : i32
        %dma_wait3A_257 = tpu.memref_slice %arg8[%sub3A_249, %dma_wait3A_256] : memref<80x128xi32, #tpu.memory_space<vmem>> -> memref<1x128xi32, #tpu.memory_space<vmem>>
        %dma_wait3A_258 = tpu.memref_squeeze %dma_wait3A_257 : memref<1x128xi32, #tpu.memory_space<vmem>> -> memref<128xi32, #tpu.memory_space<vmem>>
        %dma_wait3A_259 = arith.constant 0 : i32
        %dma_wait3A_260 = arith.constant 0 : i32
        %dma_wait3A_261 = tpu.memref_slice %arg6[%dma_wait3A_259, %dma_wait3A_260] : memref<10240x64xf32, #tpu.memory_space<vmem_shared>> -> memref<10240x64xf32, #tpu.memory_space<vmem_shared>>
        %dma_wait3A_262 = tpu.memref_slice %arg11[%dma_wait3A_251] : memref<4x!tpu.dma_semaphore, #tpu.memory_space<semaphore_mem>> -> memref<1x!tpu.dma_semaphore, #tpu.memory_space<semaphore_mem>>
        %dma_wait3A_263 = tpu.memref_squeeze %dma_wait3A_262 : memref<1x!tpu.dma_semaphore, #tpu.memory_space<semaphore_mem>> -> memref<!tpu.dma_semaphore, #tpu.memory_space<semaphore_mem>>
        tpu.wait_indirect_dma semaphore(%dma_wait3A_263 : memref<!tpu.dma_semaphore, #tpu.memory_space<semaphore_mem>>) src(%dma_wait3A_255 : memref<128x64xf32, #tpu.memory_space<vmem>>) dst(%dma_wait3A_261 : memref<10240x64xf32, #tpu.memory_space<vmem_shared>>)
      } else {
      }
      %add3A_200 = arith.constant 2 : i32
      %add3A_201 = arith.addi %add3A_166, %add3A_200 : i32
      %lt3A_202 = arith.constant 80 : i32
      %lt3A_203 = arith.cmpi slt, %add3A_201, %lt3A_202 : i32
      %convert_element_type3A_204 = arith.extui %lt3A_203 : i1 to i32
      %cond3A_205 = arith.constant 0 : i32
      %cond3A_206 = arith.cmpi ne, %convert_element_type3A_204, %cond3A_205 : i32
      scf.if %cond3A_206 {
        %add3A_249 = arith.constant 2 : i32
        %add3A_250 = arith.addi %add3A_166, %add3A_249 : i32
        %dma_start3A_251 = arith.constant 0 : i32
        %dma_start3A_252 = arith.constant 0 : i32
        %dma_start3A_253 = arith.constant 0 : i32
        %dma_start3A_254 = arith.constant 0 : i32
        %dma_start3A_255 = tpu.memref_slice %arg9[%dma_start3A_251, %dma_start3A_253, %dma_start3A_254] : memref<4x128x64xf32, #tpu.memory_space<vmem>> -> memref<1x128x64xf32, #tpu.memory_space<vmem>>
        %dma_start3A_256 = tpu.memref_squeeze %dma_start3A_255 : memref<1x128x64xf32, #tpu.memory_space<vmem>> -> memref<128x64xf32, #tpu.memory_space<vmem>>
        %dma_start3A_257 = arith.constant 0 : i32
        %dma_start3A_258 = tpu.memref_slice %arg7[%add3A_250, %dma_start3A_257] : memref<80x128xi32, #tpu.memory_space<vmem>> -> memref<1x128xi32, #tpu.memory_space<vmem>>
        %dma_start3A_259 = tpu.memref_squeeze %dma_start3A_258 : memref<1x128xi32, #tpu.memory_space<vmem>> -> memref<128xi32, #tpu.memory_space<vmem>>
        %dma_start3A_260 = arith.constant 0 : i32
        %dma_start3A_261 = arith.constant 0 : i32
        %dma_start3A_262 = tpu.memref_slice %arg2[%dma_start3A_260, %dma_start3A_261] : memref<10240x64xf32, #tpu.memory_space<hbm>> -> memref<10240x64xf32, #tpu.memory_space<hbm>>
        %dma_start3A_263 = tpu.memref_slice %arg10[%dma_start3A_252] : memref<4x!tpu.dma_semaphore, #tpu.memory_space<semaphore_mem>> -> memref<1x!tpu.dma_semaphore, #tpu.memory_space<semaphore_mem>>
        %dma_start3A_264 = tpu.memref_squeeze %dma_start3A_263 : memref<1x!tpu.dma_semaphore, #tpu.memory_space<semaphore_mem>> -> memref<!tpu.dma_semaphore, #tpu.memory_space<semaphore_mem>>
        tpu.enqueue_indirect_dma source(%dma_start3A_262 : memref<10240x64xf32, #tpu.memory_space<hbm>>) target(%dma_start3A_256 : memref<128x64xf32, #tpu.memory_space<vmem>>) offsets(%dma_start3A_259 : memref<128xi32, #tpu.memory_space<vmem>>) semaphore(%dma_start3A_264 : memref<!tpu.dma_semaphore, #tpu.memory_space<semaphore_mem>>)
      } else {
      }
      %add3A_207 = arith.constant 3 : i32
      %add3A_208 = arith.addi %mul3A_84, %add3A_207 : i32
      %dma_wait3A_209 = arith.constant 3 : i32
      %dma_wait3A_210 = arith.constant 3 : i32
      %dma_wait3A_211 = arith.constant 0 : i32
      %dma_wait3A_212 = arith.constant 0 : i32
      %dma_wait3A_213 = tpu.memref_slice %arg9[%dma_wait3A_209, %dma_wait3A_211, %dma_wait3A_212] : memref<4x128x64xf32, #tpu.memory_space<vmem>> -> memref<1x128x64xf32, #tpu.memory_space<vmem>>
      %dma_wait3A_214 = tpu.memref_squeeze %dma_wait3A_213 : memref<1x128x64xf32, #tpu.memory_space<vmem>> -> memref<128x64xf32, #tpu.memory_space<vmem>>
      %dma_wait3A_215 = arith.constant 0 : i32
      %dma_wait3A_216 = tpu.memref_slice %arg7[%add3A_208, %dma_wait3A_215] : memref<80x128xi32, #tpu.memory_space<vmem>> -> memref<1x128xi32, #tpu.memory_space<vmem>>
      %dma_wait3A_217 = tpu.memref_squeeze %dma_wait3A_216 : memref<1x128xi32, #tpu.memory_space<vmem>> -> memref<128xi32, #tpu.memory_space<vmem>>
      %dma_wait3A_218 = arith.constant 0 : i32
      %dma_wait3A_219 = arith.constant 0 : i32
      %dma_wait3A_220 = tpu.memref_slice %arg2[%dma_wait3A_218, %dma_wait3A_219] : memref<10240x64xf32, #tpu.memory_space<hbm>> -> memref<10240x64xf32, #tpu.memory_space<hbm>>
      %dma_wait3A_221 = tpu.memref_slice %arg10[%dma_wait3A_210] : memref<4x!tpu.dma_semaphore, #tpu.memory_space<semaphore_mem>> -> memref<1x!tpu.dma_semaphore, #tpu.memory_space<semaphore_mem>>
      %dma_wait3A_222 = tpu.memref_squeeze %dma_wait3A_221 : memref<1x!tpu.dma_semaphore, #tpu.memory_space<semaphore_mem>> -> memref<!tpu.dma_semaphore, #tpu.memory_space<semaphore_mem>>
      tpu.wait_indirect_dma semaphore(%dma_wait3A_222 : memref<!tpu.dma_semaphore, #tpu.memory_space<semaphore_mem>>) src(%dma_wait3A_220 : memref<10240x64xf32, #tpu.memory_space<hbm>>) dst(%dma_wait3A_214 : memref<128x64xf32, #tpu.memory_space<vmem>>)
      %dma_start3A_223 = arith.constant 3 : i32
      %dma_start3A_224 = arith.constant 3 : i32
      %dma_start3A_225 = arith.constant 0 : i32
      %dma_start3A_226 = arith.constant 0 : i32
      %dma_start3A_227 = tpu.memref_slice %arg9[%dma_start3A_223, %dma_start3A_225, %dma_start3A_226] : memref<4x128x64xf32, #tpu.memory_space<vmem>> -> memref<1x128x64xf32, #tpu.memory_space<vmem>>
      %dma_start3A_228 = tpu.memref_squeeze %dma_start3A_227 : memref<1x128x64xf32, #tpu.memory_space<vmem>> -> memref<128x64xf32, #tpu.memory_space<vmem>>
      %dma_start3A_229 = arith.constant 0 : i32
      %dma_start3A_230 = tpu.memref_slice %arg8[%add3A_208, %dma_start3A_229] : memref<80x128xi32, #tpu.memory_space<vmem>> -> memref<1x128xi32, #tpu.memory_space<vmem>>
      %dma_start3A_231 = tpu.memref_squeeze %dma_start3A_230 : memref<1x128xi32, #tpu.memory_space<vmem>> -> memref<128xi32, #tpu.memory_space<vmem>>
      %dma_start3A_232 = arith.constant 0 : i32
      %dma_start3A_233 = arith.constant 0 : i32
      %dma_start3A_234 = tpu.memref_slice %arg6[%dma_start3A_232, %dma_start3A_233] : memref<10240x64xf32, #tpu.memory_space<vmem_shared>> -> memref<10240x64xf32, #tpu.memory_space<vmem_shared>>
      %dma_start3A_235 = tpu.memref_slice %arg11[%dma_start3A_224] : memref<4x!tpu.dma_semaphore, #tpu.memory_space<semaphore_mem>> -> memref<1x!tpu.dma_semaphore, #tpu.memory_space<semaphore_mem>>
      %dma_start3A_236 = tpu.memref_squeeze %dma_start3A_235 : memref<1x!tpu.dma_semaphore, #tpu.memory_space<semaphore_mem>> -> memref<!tpu.dma_semaphore, #tpu.memory_space<semaphore_mem>>
      tpu.enqueue_indirect_dma source(%dma_start3A_228 : memref<128x64xf32, #tpu.memory_space<vmem>>) target(%dma_start3A_234 : memref<10240x64xf32, #tpu.memory_space<vmem_shared>>) offsets(%dma_start3A_231 : memref<128xi32, #tpu.memory_space<vmem>>) semaphore(%dma_start3A_236 : memref<!tpu.dma_semaphore, #tpu.memory_space<semaphore_mem>>) {add = true}
      %ge3A_237 = arith.constant 2 : i32
      %ge3A_238 = arith.cmpi sge, %add3A_208, %ge3A_237 : i32
      %convert_element_type3A_239 = arith.extui %ge3A_238 : i1 to i32
      %cond3A_240 = arith.constant 0 : i32
      %cond3A_241 = arith.cmpi ne, %convert_element_type3A_239, %cond3A_240 : i32
      scf.if %cond3A_241 {
        %sub3A = arith.constant 2 : i32
        %sub3A_249 = arith.subi %add3A_208, %sub3A : i32
        %dma_wait3A_250 = arith.constant 1 : i32
        %dma_wait3A_251 = arith.constant 1 : i32
        %dma_wait3A_252 = arith.constant 0 : i32
        %dma_wait3A_253 = arith.constant 0 : i32
        %dma_wait3A_254 = tpu.memref_slice %arg9[%dma_wait3A_250, %dma_wait3A_252, %dma_wait3A_253] : memref<4x128x64xf32, #tpu.memory_space<vmem>> -> memref<1x128x64xf32, #tpu.memory_space<vmem>>
        %dma_wait3A_255 = tpu.memref_squeeze %dma_wait3A_254 : memref<1x128x64xf32, #tpu.memory_space<vmem>> -> memref<128x64xf32, #tpu.memory_space<vmem>>
        %dma_wait3A_256 = arith.constant 0 : i32
        %dma_wait3A_257 = tpu.memref_slice %arg8[%sub3A_249, %dma_wait3A_256] : memref<80x128xi32, #tpu.memory_space<vmem>> -> memref<1x128xi32, #tpu.memory_space<vmem>>
        %dma_wait3A_258 = tpu.memref_squeeze %dma_wait3A_257 : memref<1x128xi32, #tpu.memory_space<vmem>> -> memref<128xi32, #tpu.memory_space<vmem>>
        %dma_wait3A_259 = arith.constant 0 : i32
        %dma_wait3A_260 = arith.constant 0 : i32
        %dma_wait3A_261 = tpu.memref_slice %arg6[%dma_wait3A_259, %dma_wait3A_260] : memref<10240x64xf32, #tpu.memory_space<vmem_shared>> -> memref<10240x64xf32, #tpu.memory_space<vmem_shared>>
        %dma_wait3A_262 = tpu.memref_slice %arg11[%dma_wait3A_251] : memref<4x!tpu.dma_semaphore, #tpu.memory_space<semaphore_mem>> -> memref<1x!tpu.dma_semaphore, #tpu.memory_space<semaphore_mem>>
        %dma_wait3A_263 = tpu.memref_squeeze %dma_wait3A_262 : memref<1x!tpu.dma_semaphore, #tpu.memory_space<semaphore_mem>> -> memref<!tpu.dma_semaphore, #tpu.memory_space<semaphore_mem>>
        tpu.wait_indirect_dma semaphore(%dma_wait3A_263 : memref<!tpu.dma_semaphore, #tpu.memory_space<semaphore_mem>>) src(%dma_wait3A_255 : memref<128x64xf32, #tpu.memory_space<vmem>>) dst(%dma_wait3A_261 : memref<10240x64xf32, #tpu.memory_space<vmem_shared>>)
      } else {
      }
      %add3A_242 = arith.constant 2 : i32
      %add3A_243 = arith.addi %add3A_208, %add3A_242 : i32
      %lt3A_244 = arith.constant 80 : i32
      %lt3A_245 = arith.cmpi slt, %add3A_243, %lt3A_244 : i32
      %convert_element_type3A_246 = arith.extui %lt3A_245 : i1 to i32
      %cond3A_247 = arith.constant 0 : i32
      %cond3A_248 = arith.cmpi ne, %convert_element_type3A_246, %cond3A_247 : i32
      scf.if %cond3A_248 {
        %add3A_249 = arith.constant 2 : i32
        %add3A_250 = arith.addi %add3A_208, %add3A_249 : i32
        %dma_start3A_251 = arith.constant 1 : i32
        %dma_start3A_252 = arith.constant 1 : i32
        %dma_start3A_253 = arith.constant 0 : i32
        %dma_start3A_254 = arith.constant 0 : i32
        %dma_start3A_255 = tpu.memref_slice %arg9[%dma_start3A_251, %dma_start3A_253, %dma_start3A_254] : memref<4x128x64xf32, #tpu.memory_space<vmem>> -> memref<1x128x64xf32, #tpu.memory_space<vmem>>
        %dma_start3A_256 = tpu.memref_squeeze %dma_start3A_255 : memref<1x128x64xf32, #tpu.memory_space<vmem>> -> memref<128x64xf32, #tpu.memory_space<vmem>>
        %dma_start3A_257 = arith.constant 0 : i32
        %dma_start3A_258 = tpu.memref_slice %arg7[%add3A_250, %dma_start3A_257] : memref<80x128xi32, #tpu.memory_space<vmem>> -> memref<1x128xi32, #tpu.memory_space<vmem>>
        %dma_start3A_259 = tpu.memref_squeeze %dma_start3A_258 : memref<1x128xi32, #tpu.memory_space<vmem>> -> memref<128xi32, #tpu.memory_space<vmem>>
        %dma_start3A_260 = arith.constant 0 : i32
        %dma_start3A_261 = arith.constant 0 : i32
        %dma_start3A_262 = tpu.memref_slice %arg2[%dma_start3A_260, %dma_start3A_261] : memref<10240x64xf32, #tpu.memory_space<hbm>> -> memref<10240x64xf32, #tpu.memory_space<hbm>>
        %dma_start3A_263 = tpu.memref_slice %arg10[%dma_start3A_252] : memref<4x!tpu.dma_semaphore, #tpu.memory_space<semaphore_mem>> -> memref<1x!tpu.dma_semaphore, #tpu.memory_space<semaphore_mem>>
        %dma_start3A_264 = tpu.memref_squeeze %dma_start3A_263 : memref<1x!tpu.dma_semaphore, #tpu.memory_space<semaphore_mem>> -> memref<!tpu.dma_semaphore, #tpu.memory_space<semaphore_mem>>
        tpu.enqueue_indirect_dma source(%dma_start3A_262 : memref<10240x64xf32, #tpu.memory_space<hbm>>) target(%dma_start3A_256 : memref<128x64xf32, #tpu.memory_space<vmem>>) offsets(%dma_start3A_259 : memref<128xi32, #tpu.memory_space<vmem>>) semaphore(%dma_start3A_264 : memref<!tpu.dma_semaphore, #tpu.memory_space<semaphore_mem>>)
      } else {
      }
    }
    %scan3A_47 = arith.constant 20 : i32
    %dma_wait3A = arith.constant 2 : i32
    %dma_wait3A_48 = arith.constant 78 : i32
    %dma_wait3A_49 = arith.constant 2 : i32
    %dma_wait3A_50 = arith.constant 0 : i32
    %dma_wait3A_51 = arith.constant 0 : i32
    %dma_wait3A_52 = tpu.memref_slice %arg9[%dma_wait3A, %dma_wait3A_50, %dma_wait3A_51] : memref<4x128x64xf32, #tpu.memory_space<vmem>> -> memref<1x128x64xf32, #tpu.memory_space<vmem>>
    %dma_wait3A_53 = tpu.memref_squeeze %dma_wait3A_52 : memref<1x128x64xf32, #tpu.memory_space<vmem>> -> memref<128x64xf32, #tpu.memory_space<vmem>>
    %dma_wait3A_54 = arith.constant 0 : i32
    %dma_wait3A_55 = tpu.memref_slice %arg8[%dma_wait3A_48, %dma_wait3A_54] : memref<80x128xi32, #tpu.memory_space<vmem>> -> memref<1x128xi32, #tpu.memory_space<vmem>>
    %dma_wait3A_56 = tpu.memref_squeeze %dma_wait3A_55 : memref<1x128xi32, #tpu.memory_space<vmem>> -> memref<128xi32, #tpu.memory_space<vmem>>
    %dma_wait3A_57 = arith.constant 0 : i32
    %dma_wait3A_58 = arith.constant 0 : i32
    %dma_wait3A_59 = tpu.memref_slice %arg6[%dma_wait3A_57, %dma_wait3A_58] : memref<10240x64xf32, #tpu.memory_space<vmem_shared>> -> memref<10240x64xf32, #tpu.memory_space<vmem_shared>>
    %dma_wait3A_60 = tpu.memref_slice %arg11[%dma_wait3A_49] : memref<4x!tpu.dma_semaphore, #tpu.memory_space<semaphore_mem>> -> memref<1x!tpu.dma_semaphore, #tpu.memory_space<semaphore_mem>>
    %dma_wait3A_61 = tpu.memref_squeeze %dma_wait3A_60 : memref<1x!tpu.dma_semaphore, #tpu.memory_space<semaphore_mem>> -> memref<!tpu.dma_semaphore, #tpu.memory_space<semaphore_mem>>
    tpu.wait_indirect_dma semaphore(%dma_wait3A_61 : memref<!tpu.dma_semaphore, #tpu.memory_space<semaphore_mem>>) src(%dma_wait3A_53 : memref<128x64xf32, #tpu.memory_space<vmem>>) dst(%dma_wait3A_59 : memref<10240x64xf32, #tpu.memory_space<vmem_shared>>)
    %dma_wait3A_62 = arith.constant 3 : i32
    %dma_wait3A_63 = arith.constant 79 : i32
    %dma_wait3A_64 = arith.constant 3 : i32
    %dma_wait3A_65 = arith.constant 0 : i32
    %dma_wait3A_66 = arith.constant 0 : i32
    %dma_wait3A_67 = tpu.memref_slice %arg9[%dma_wait3A_62, %dma_wait3A_65, %dma_wait3A_66] : memref<4x128x64xf32, #tpu.memory_space<vmem>> -> memref<1x128x64xf32, #tpu.memory_space<vmem>>
    %dma_wait3A_68 = tpu.memref_squeeze %dma_wait3A_67 : memref<1x128x64xf32, #tpu.memory_space<vmem>> -> memref<128x64xf32, #tpu.memory_space<vmem>>
    %dma_wait3A_69 = arith.constant 0 : i32
    %dma_wait3A_70 = tpu.memref_slice %arg8[%dma_wait3A_63, %dma_wait3A_69] : memref<80x128xi32, #tpu.memory_space<vmem>> -> memref<1x128xi32, #tpu.memory_space<vmem>>
    %dma_wait3A_71 = tpu.memref_squeeze %dma_wait3A_70 : memref<1x128xi32, #tpu.memory_space<vmem>> -> memref<128xi32, #tpu.memory_space<vmem>>
    %dma_wait3A_72 = arith.constant 0 : i32
    %dma_wait3A_73 = arith.constant 0 : i32
    %dma_wait3A_74 = tpu.memref_slice %arg6[%dma_wait3A_72, %dma_wait3A_73] : memref<10240x64xf32, #tpu.memory_space<vmem_shared>> -> memref<10240x64xf32, #tpu.memory_space<vmem_shared>>
    %dma_wait3A_75 = tpu.memref_slice %arg11[%dma_wait3A_64] : memref<4x!tpu.dma_semaphore, #tpu.memory_space<semaphore_mem>> -> memref<1x!tpu.dma_semaphore, #tpu.memory_space<semaphore_mem>>
    %dma_wait3A_76 = tpu.memref_squeeze %dma_wait3A_75 : memref<1x!tpu.dma_semaphore, #tpu.memory_space<semaphore_mem>> -> memref<!tpu.dma_semaphore, #tpu.memory_space<semaphore_mem>>
    tpu.wait_indirect_dma semaphore(%dma_wait3A_76 : memref<!tpu.dma_semaphore, #tpu.memory_space<semaphore_mem>>) src(%dma_wait3A_68 : memref<128x64xf32, #tpu.memory_space<vmem>>) dst(%dma_wait3A_74 : memref<10240x64xf32, #tpu.memory_space<vmem_shared>>)
    %barrier3A_77 = arith.constant 0 : index
    tpu.barrier barrier_id(%barrier3A_77)
    %mul3A_78 = arith.constant 640 : i32
    %mul3A_79 = arith.muli %arg1, %mul3A_78 : i32
    %mul3A_80 = arith.constant 640 : i32
    %mul3A_81 = arith.muli %arg1, %mul3A_80 : i32
    "tpu.region"() ({
      %run_scoped3A = tpu.sem_alloc : memref<!tpu.dma_semaphore, #tpu.memory_space<semaphore_mem>>
      %dma_start3A_82 = arith.constant 0 : i32
      %dma_start3A_83 = tpu.memref_slice %arg5[%arg0, %mul3A_81, %dma_start3A_82] : memref<2x10240x64xf32, #tpu.memory_space<hbm>> -> memref<1x640x64xf32, #tpu.memory_space<hbm>>
      %dma_start3A_84 = tpu.memref_squeeze %dma_start3A_83 : memref<1x640x64xf32, #tpu.memory_space<hbm>> -> memref<640x64xf32, #tpu.memory_space<hbm>>
      %dma_start3A_85 = arith.constant 0 : i32
      %dma_start3A_86 = tpu.memref_slice %arg6[%mul3A_79, %dma_start3A_85] : memref<10240x64xf32, #tpu.memory_space<vmem_shared>> -> memref<640x64xf32, #tpu.memory_space<vmem_shared>>
      tpu.enqueue_dma source(%dma_start3A_86 : memref<640x64xf32, #tpu.memory_space<vmem_shared>>) target(%dma_start3A_84 : memref<640x64xf32, #tpu.memory_space<hbm>>) target_semaphore(%run_scoped3A : memref<!tpu.dma_semaphore, #tpu.memory_space<semaphore_mem>>)
      %dma_wait3A_87 = arith.constant 0 : i32
      %dma_wait3A_88 = tpu.memref_slice %arg5[%arg0, %mul3A_81, %dma_wait3A_87] : memref<2x10240x64xf32, #tpu.memory_space<hbm>> -> memref<1x640x64xf32, #tpu.memory_space<hbm>>
      %dma_wait3A_89 = tpu.memref_squeeze %dma_wait3A_88 : memref<1x640x64xf32, #tpu.memory_space<hbm>> -> memref<640x64xf32, #tpu.memory_space<hbm>>
      %dma_wait3A_90 = arith.constant 0 : i32
      %dma_wait3A_91 = tpu.memref_slice %arg6[%mul3A_79, %dma_wait3A_90] : memref<10240x64xf32, #tpu.memory_space<vmem_shared>> -> memref<640x64xf32, #tpu.memory_space<vmem_shared>>
      tpu.wait_dma2 semaphore(%run_scoped3A : memref<!tpu.dma_semaphore, #tpu.memory_space<semaphore_mem>>) src(%dma_wait3A_91 : memref<640x64xf32, #tpu.memory_space<vmem_shared>>) dst(%dma_wait3A_89 : memref<640x64xf32, #tpu.memory_space<hbm>>)
      tpu.yield
    }) : () -> ()
    return
  }
}

#map = affine_map<(d0, d1) -> (0, 0)>
#map1 = affine_map<(d0, d1) -> (0, 0, 0)>
module attributes {stable_mosaic.version = 14 : i64} {
  func.func @run(%arg0: i32, %arg1: i32, %arg2: memref<10240x128xf32, #tpu.memory_space<hbm>>, %arg3: memref<32x80x128xi32, #tpu.memory_space<hbm>>, %arg4: memref<32x80x128xi32, #tpu.memory_space<hbm>>, %arg5: memref<2x10240x128xf32, #tpu.memory_space<hbm>>, %arg6: memref<10240x128xf32, #tpu.memory_space<vmem_shared>>, %arg7: memref<40x128xi32, #tpu.memory_space<vmem>>, %arg8: memref<40x128xi32, #tpu.memory_space<vmem>>, %arg9: memref<2x128x128xf32, #tpu.memory_space<vmem>>, %arg10: memref<2x!tpu.dma_semaphore, #tpu.memory_space<semaphore_mem>>, %arg11: memref<2x!tpu.dma_semaphore, #tpu.memory_space<semaphore_mem>>) attributes {dimension_semantics = [#tpu.dimension_semantics<core_parallel>, #tpu.dimension_semantics<subcore_parallel>], iteration_bounds = array<i64: 2, 16>, scalar_prefetch = 0 : i64, scratch_operands = 6 : i64, tpu.core_type = #tpu.core_type<sc_vector_subcore>, window_params = [{transform_indices = #map}, {transform_indices = #map1}, {transform_indices = #map1}, {transform_indices = #map1}]} {
    %mul3A = arith.constant 16 : i32
    %mul3A_0 = arith.muli %arg0, %mul3A : i32
    %add3A = arith.addi %mul3A_0, %arg1 : i32
    %broadcast_in_dim3A = arith.constant 0.000000e+00 : f32
    %broadcast_in_dim3A_1 = vector.broadcast %broadcast_in_dim3A : f32 to vector<16xf32>
    %scan3A = arith.constant 0 : i32
    %scan3A_2 = arith.constant 0 : i32
    %scan3A_3 = arith.constant 128 : i32
    %scan3A_4 = arith.addi %scan3A_2, %scan3A_3 : i32
    %scan3A_5 = arith.constant 1 : i32
    scf.for %scan3A_88 = %scan3A_2 to %scan3A_4 step %scan3A_5  : i32 {
      %swap3A = arith.constant 0 : i32
      %swap3A_89 = arith.index_cast %swap3A : i32 to index
      %swap3A_90 = arith.index_cast %scan3A_88 : i32 to index
      %swap3A_91 = arith.constant 0 : index
      %swap3A_92 = tpu.vector_load %arg9[%swap3A_89, %swap3A_90, %swap3A_91] {strides = array<i32>} : memref<2x128x128xf32, #tpu.memory_space<vmem>>, vector<1x1x16xf32>,
      %swap3A_93 = vector.shape_cast %swap3A_92 : vector<1x1x16xf32> to vector<16xf32>
      %swap3A_94 = vector.shape_cast %broadcast_in_dim3A_1 : vector<16xf32> to vector<1x1x16xf32>
      tpu.vector_store %arg9[%swap3A_89, %swap3A_90, %swap3A_91], %swap3A_94 {strides = array<i32>} : memref<2x128x128xf32, #tpu.memory_space<vmem>>, vector<1x1x16xf32>,
      %swap3A_95 = arith.constant 0 : i32
      %swap3A_96 = arith.index_cast %swap3A_95 : i32 to index
      %swap3A_97 = arith.index_cast %scan3A_88 : i32 to index
      %swap3A_98 = arith.constant 16 : index
      %swap3A_99 = tpu.vector_load %arg9[%swap3A_96, %swap3A_97, %swap3A_98] {strides = array<i32>} : memref<2x128x128xf32, #tpu.memory_space<vmem>>, vector<1x1x16xf32>,
      %swap3A_100 = vector.shape_cast %swap3A_99 : vector<1x1x16xf32> to vector<16xf32>
      %swap3A_101 = vector.shape_cast %broadcast_in_dim3A_1 : vector<16xf32> to vector<1x1x16xf32>
      tpu.vector_store %arg9[%swap3A_96, %swap3A_97, %swap3A_98], %swap3A_101 {strides = array<i32>} : memref<2x128x128xf32, #tpu.memory_space<vmem>>, vector<1x1x16xf32>,
      %swap3A_102 = arith.constant 0 : i32
      %swap3A_103 = arith.index_cast %swap3A_102 : i32 to index
      %swap3A_104 = arith.index_cast %scan3A_88 : i32 to index
      %swap3A_105 = arith.constant 32 : index
      %swap3A_106 = tpu.vector_load %arg9[%swap3A_103, %swap3A_104, %swap3A_105] {strides = array<i32>} : memref<2x128x128xf32, #tpu.memory_space<vmem>>, vector<1x1x16xf32>,
      %swap3A_107 = vector.shape_cast %swap3A_106 : vector<1x1x16xf32> to vector<16xf32>
      %swap3A_108 = vector.shape_cast %broadcast_in_dim3A_1 : vector<16xf32> to vector<1x1x16xf32>
      tpu.vector_store %arg9[%swap3A_103, %swap3A_104, %swap3A_105], %swap3A_108 {strides = array<i32>} : memref<2x128x128xf32, #tpu.memory_space<vmem>>, vector<1x1x16xf32>,
      %swap3A_109 = arith.constant 0 : i32
      %swap3A_110 = arith.index_cast %swap3A_109 : i32 to index
      %swap3A_111 = arith.index_cast %scan3A_88 : i32 to index
      %swap3A_112 = arith.constant 48 : index
      %swap3A_113 = tpu.vector_load %arg9[%swap3A_110, %swap3A_111, %swap3A_112] {strides = array<i32>} : memref<2x128x128xf32, #tpu.memory_space<vmem>>, vector<1x1x16xf32>,
      %swap3A_114 = vector.shape_cast %swap3A_113 : vector<1x1x16xf32> to vector<16xf32>
      %swap3A_115 = vector.shape_cast %broadcast_in_dim3A_1 : vector<16xf32> to vector<1x1x16xf32>
      tpu.vector_store %arg9[%swap3A_110, %swap3A_111, %swap3A_112], %swap3A_115 {strides = array<i32>} : memref<2x128x128xf32, #tpu.memory_space<vmem>>, vector<1x1x16xf32>,
      %swap3A_116 = arith.constant 0 : i32
      %swap3A_117 = arith.index_cast %swap3A_116 : i32 to index
      %swap3A_118 = arith.index_cast %scan3A_88 : i32 to index
      %swap3A_119 = arith.constant 64 : index
      %swap3A_120 = tpu.vector_load %arg9[%swap3A_117, %swap3A_118, %swap3A_119] {strides = array<i32>} : memref<2x128x128xf32, #tpu.memory_space<vmem>>, vector<1x1x16xf32>,
      %swap3A_121 = vector.shape_cast %swap3A_120 : vector<1x1x16xf32> to vector<16xf32>
      %swap3A_122 = vector.shape_cast %broadcast_in_dim3A_1 : vector<16xf32> to vector<1x1x16xf32>
      tpu.vector_store %arg9[%swap3A_117, %swap3A_118, %swap3A_119], %swap3A_122 {strides = array<i32>} : memref<2x128x128xf32, #tpu.memory_space<vmem>>, vector<1x1x16xf32>,
      %swap3A_123 = arith.constant 0 : i32
      %swap3A_124 = arith.index_cast %swap3A_123 : i32 to index
      %swap3A_125 = arith.index_cast %scan3A_88 : i32 to index
      %swap3A_126 = arith.constant 80 : index
      %swap3A_127 = tpu.vector_load %arg9[%swap3A_124, %swap3A_125, %swap3A_126] {strides = array<i32>} : memref<2x128x128xf32, #tpu.memory_space<vmem>>, vector<1x1x16xf32>,
      %swap3A_128 = vector.shape_cast %swap3A_127 : vector<1x1x16xf32> to vector<16xf32>
      %swap3A_129 = vector.shape_cast %broadcast_in_dim3A_1 : vector<16xf32> to vector<1x1x16xf32>
      tpu.vector_store %arg9[%swap3A_124, %swap3A_125, %swap3A_126], %swap3A_129 {strides = array<i32>} : memref<2x128x128xf32, #tpu.memory_space<vmem>>, vector<1x1x16xf32>,
      %swap3A_130 = arith.constant 0 : i32
      %swap3A_131 = arith.index_cast %swap3A_130 : i32 to index
      %swap3A_132 = arith.index_cast %scan3A_88 : i32 to index
      %swap3A_133 = arith.constant 96 : index
      %swap3A_134 = tpu.vector_load %arg9[%swap3A_131, %swap3A_132, %swap3A_133] {strides = array<i32>} : memref<2x128x128xf32, #tpu.memory_space<vmem>>, vector<1x1x16xf32>,
      %swap3A_135 = vector.shape_cast %swap3A_134 : vector<1x1x16xf32> to vector<16xf32>
      %swap3A_136 = vector.shape_cast %broadcast_in_dim3A_1 : vector<16xf32> to vector<1x1x16xf32>
      tpu.vector_store %arg9[%swap3A_131, %swap3A_132, %swap3A_133], %swap3A_136 {strides = array<i32>} : memref<2x128x128xf32, #tpu.memory_space<vmem>>, vector<1x1x16xf32>,
      %swap3A_137 = arith.constant 0 : i32
      %swap3A_138 = arith.index_cast %swap3A_137 : i32 to index
      %swap3A_139 = arith.index_cast %scan3A_88 : i32 to index
      %swap3A_140 = arith.constant 112 : index
      %swap3A_141 = tpu.vector_load %arg9[%swap3A_138, %swap3A_139, %swap3A_140] {strides = array<i32>} : memref<2x128x128xf32, #tpu.memory_space<vmem>>, vector<1x1x16xf32>,
      %swap3A_142 = vector.shape_cast %swap3A_141 : vector<1x1x16xf32> to vector<16xf32>
      %swap3A_143 = vector.shape_cast %broadcast_in_dim3A_1 : vector<16xf32> to vector<1x1x16xf32>
      tpu.vector_store %arg9[%swap3A_138, %swap3A_139, %swap3A_140], %swap3A_143 {strides = array<i32>} : memref<2x128x128xf32, #tpu.memory_space<vmem>>, vector<1x1x16xf32>,
    }
    %scan3A_6 = arith.constant 128 : i32
    %scan3A_7 = arith.constant 0 : i32
    %scan3A_8 = arith.constant 0 : i32
    %scan3A_9 = arith.constant 5 : i32
    %scan3A_10 = arith.addi %scan3A_8, %scan3A_9 : i32
    %scan3A_11 = arith.constant 1 : i32
    scf.for %scan3A_88 = %scan3A_8 to %scan3A_10 step %scan3A_11  : i32 {
      %mul3A_89 = arith.constant 640 : i32
      %mul3A_90 = arith.muli %arg1, %mul3A_89 : i32
      %mul3A_91 = arith.constant 128 : i32
      %mul3A_92 = arith.muli %scan3A_88, %mul3A_91 : i32
      %add3A_93 = arith.addi %mul3A_90, %mul3A_92 : i32
      %run_scoped3A = arith.constant 0 : i32
      "tpu.region"() ({
        %run_scoped3A_94 = tpu.sem_alloc : memref<!tpu.dma_semaphore, #tpu.memory_space<semaphore_mem>>
        %dma_start3A_95 = arith.constant 0 : i32
        %dma_start3A_96 = arith.constant 0 : i32
        %dma_start3A_97 = tpu.memref_slice %arg9[%run_scoped3A, %dma_start3A_95, %dma_start3A_96] : memref<2x128x128xf32, #tpu.memory_space<vmem>> -> memref<1x128x128xf32, #tpu.memory_space<vmem>>
        %dma_start3A_98 = tpu.memref_squeeze %dma_start3A_97 : memref<1x128x128xf32, #tpu.memory_space<vmem>> -> memref<128x128xf32, #tpu.memory_space<vmem>>
        %dma_start3A_99 = arith.constant 0 : i32
        %dma_start3A_100 = tpu.memref_slice %arg6[%add3A_93, %dma_start3A_99] : memref<10240x128xf32, #tpu.memory_space<vmem_shared>> -> memref<128x128xf32, #tpu.memory_space<vmem_shared>>
        %dma_start3A_101 = arith.constant 0 : i32
        %dma_start3A_102 = tpu.memref_slice %arg6[%add3A_93, %dma_start3A_101] : memref<10240x128xf32, #tpu.memory_space<vmem_shared>> -> memref<128x128xf32, #tpu.memory_space<vmem_shared>>
        %dma_start3A_103 = arith.constant 0 : i32
        %dma_start3A_104 = arith.constant 0 : i32
        %dma_start3A_105 = tpu.memref_slice %arg9[%run_scoped3A, %dma_start3A_103, %dma_start3A_104] : memref<2x128x128xf32, #tpu.memory_space<vmem>> -> memref<1x128x128xf32, #tpu.memory_space<vmem>>
        %dma_start3A_106 = tpu.memref_squeeze %dma_start3A_105 : memref<1x128x128xf32, #tpu.memory_space<vmem>> -> memref<128x128xf32, #tpu.memory_space<vmem>>
        tpu.enqueue_dma source(%dma_start3A_106 : memref<128x128xf32, #tpu.memory_space<vmem>>) target(%dma_start3A_102 : memref<128x128xf32, #tpu.memory_space<vmem_shared>>) target_semaphore(%run_scoped3A_94 : memref<!tpu.dma_semaphore, #tpu.memory_space<semaphore_mem>>)
        %dma_wait3A_107 = arith.constant 0 : i32
        %dma_wait3A_108 = arith.constant 0 : i32
        %dma_wait3A_109 = tpu.memref_slice %arg9[%run_scoped3A, %dma_wait3A_107, %dma_wait3A_108] : memref<2x128x128xf32, #tpu.memory_space<vmem>> -> memref<1x128x128xf32, #tpu.memory_space<vmem>>
        %dma_wait3A_110 = tpu.memref_squeeze %dma_wait3A_109 : memref<1x128x128xf32, #tpu.memory_space<vmem>> -> memref<128x128xf32, #tpu.memory_space<vmem>>
        %dma_wait3A_111 = arith.constant 0 : i32
        %dma_wait3A_112 = tpu.memref_slice %arg6[%add3A_93, %dma_wait3A_111] : memref<10240x128xf32, #tpu.memory_space<vmem_shared>> -> memref<128x128xf32, #tpu.memory_space<vmem_shared>>
        %dma_wait3A_113 = arith.constant 0 : i32
        %dma_wait3A_114 = tpu.memref_slice %arg6[%add3A_93, %dma_wait3A_113] : memref<10240x128xf32, #tpu.memory_space<vmem_shared>> -> memref<128x128xf32, #tpu.memory_space<vmem_shared>>
        %dma_wait3A_115 = arith.constant 0 : i32
        %dma_wait3A_116 = arith.constant 0 : i32
        %dma_wait3A_117 = tpu.memref_slice %arg9[%run_scoped3A, %dma_wait3A_115, %dma_wait3A_116] : memref<2x128x128xf32, #tpu.memory_space<vmem>> -> memref<1x128x128xf32, #tpu.memory_space<vmem>>
        %dma_wait3A_118 = tpu.memref_squeeze %dma_wait3A_117 : memref<1x128x128xf32, #tpu.memory_space<vmem>> -> memref<128x128xf32, #tpu.memory_space<vmem>>
        tpu.wait_dma2 semaphore(%run_scoped3A_94 : memref<!tpu.dma_semaphore, #tpu.memory_space<semaphore_mem>>) src(%dma_wait3A_118 : memref<128x128xf32, #tpu.memory_space<vmem>>) dst(%dma_wait3A_114 : memref<128x128xf32, #tpu.memory_space<vmem_shared>>)
        tpu.yield
      }) : () -> ()
    }
    %scan3A_12 = arith.constant 5 : i32
    %barrier3A = arith.constant 0 : index
    tpu.barrier barrier_id(%barrier3A)
    "tpu.region"() ({
      %run_scoped3A = tpu.sem_alloc : memref<!tpu.dma_semaphore, #tpu.memory_space<semaphore_mem>>
      %dma_start3A_88 = arith.constant 0 : i32
      %dma_start3A_89 = arith.constant 0 : i32
      %dma_start3A_90 = tpu.memref_slice %arg3[%add3A, %dma_start3A_88, %dma_start3A_89] : memref<32x80x128xi32, #tpu.memory_space<hbm>> -> memref<1x40x128xi32, #tpu.memory_space<hbm>>
      %dma_start3A_91 = tpu.memref_squeeze %dma_start3A_90 : memref<1x40x128xi32, #tpu.memory_space<hbm>> -> memref<40x128xi32, #tpu.memory_space<hbm>>
      %dma_start3A_92 = arith.constant 0 : i32
      %dma_start3A_93 = arith.constant 0 : i32
      %dma_start3A_94 = tpu.memref_slice %arg3[%add3A, %dma_start3A_92, %dma_start3A_93] : memref<32x80x128xi32, #tpu.memory_space<hbm>> -> memref<1x40x128xi32, #tpu.memory_space<hbm>>
      %dma_start3A_95 = tpu.memref_squeeze %dma_start3A_94 : memref<1x40x128xi32, #tpu.memory_space<hbm>> -> memref<40x128xi32, #tpu.memory_space<hbm>>
      tpu.enqueue_dma source(%dma_start3A_95 : memref<40x128xi32, #tpu.memory_space<hbm>>) target(%arg7 : memref<40x128xi32, #tpu.memory_space<vmem>>) target_semaphore(%run_scoped3A : memref<!tpu.dma_semaphore, #tpu.memory_space<semaphore_mem>>)
      %dma_wait3A_96 = arith.constant 0 : i32
      %dma_wait3A_97 = arith.constant 0 : i32
      %dma_wait3A_98 = tpu.memref_slice %arg3[%add3A, %dma_wait3A_96, %dma_wait3A_97] : memref<32x80x128xi32, #tpu.memory_space<hbm>> -> memref<1x40x128xi32, #tpu.memory_space<hbm>>
      %dma_wait3A_99 = tpu.memref_squeeze %dma_wait3A_98 : memref<1x40x128xi32, #tpu.memory_space<hbm>> -> memref<40x128xi32, #tpu.memory_space<hbm>>
      %dma_wait3A_100 = arith.constant 0 : i32
      %dma_wait3A_101 = arith.constant 0 : i32
      %dma_wait3A_102 = tpu.memref_slice %arg3[%add3A, %dma_wait3A_100, %dma_wait3A_101] : memref<32x80x128xi32, #tpu.memory_space<hbm>> -> memref<1x40x128xi32, #tpu.memory_space<hbm>>
      %dma_wait3A_103 = tpu.memref_squeeze %dma_wait3A_102 : memref<1x40x128xi32, #tpu.memory_space<hbm>> -> memref<40x128xi32, #tpu.memory_space<hbm>>
      tpu.wait_dma2 semaphore(%run_scoped3A : memref<!tpu.dma_semaphore, #tpu.memory_space<semaphore_mem>>) src(%dma_wait3A_103 : memref<40x128xi32, #tpu.memory_space<hbm>>) dst(%arg7 : memref<40x128xi32, #tpu.memory_space<vmem>>)
      tpu.yield
    }) : () -> ()
    "tpu.region"() ({
      %run_scoped3A = tpu.sem_alloc : memref<!tpu.dma_semaphore, #tpu.memory_space<semaphore_mem>>
      %dma_start3A_88 = arith.constant 0 : i32
      %dma_start3A_89 = arith.constant 0 : i32
      %dma_start3A_90 = tpu.memref_slice %arg4[%add3A, %dma_start3A_88, %dma_start3A_89] : memref<32x80x128xi32, #tpu.memory_space<hbm>> -> memref<1x40x128xi32, #tpu.memory_space<hbm>>
      %dma_start3A_91 = tpu.memref_squeeze %dma_start3A_90 : memref<1x40x128xi32, #tpu.memory_space<hbm>> -> memref<40x128xi32, #tpu.memory_space<hbm>>
      %dma_start3A_92 = arith.constant 0 : i32
      %dma_start3A_93 = arith.constant 0 : i32
      %dma_start3A_94 = tpu.memref_slice %arg4[%add3A, %dma_start3A_92, %dma_start3A_93] : memref<32x80x128xi32, #tpu.memory_space<hbm>> -> memref<1x40x128xi32, #tpu.memory_space<hbm>>
      %dma_start3A_95 = tpu.memref_squeeze %dma_start3A_94 : memref<1x40x128xi32, #tpu.memory_space<hbm>> -> memref<40x128xi32, #tpu.memory_space<hbm>>
      tpu.enqueue_dma source(%dma_start3A_95 : memref<40x128xi32, #tpu.memory_space<hbm>>) target(%arg8 : memref<40x128xi32, #tpu.memory_space<vmem>>) target_semaphore(%run_scoped3A : memref<!tpu.dma_semaphore, #tpu.memory_space<semaphore_mem>>)
      %dma_wait3A_96 = arith.constant 0 : i32
      %dma_wait3A_97 = arith.constant 0 : i32
      %dma_wait3A_98 = tpu.memref_slice %arg4[%add3A, %dma_wait3A_96, %dma_wait3A_97] : memref<32x80x128xi32, #tpu.memory_space<hbm>> -> memref<1x40x128xi32, #tpu.memory_space<hbm>>
      %dma_wait3A_99 = tpu.memref_squeeze %dma_wait3A_98 : memref<1x40x128xi32, #tpu.memory_space<hbm>> -> memref<40x128xi32, #tpu.memory_space<hbm>>
      %dma_wait3A_100 = arith.constant 0 : i32
      %dma_wait3A_101 = arith.constant 0 : i32
      %dma_wait3A_102 = tpu.memref_slice %arg4[%add3A, %dma_wait3A_100, %dma_wait3A_101] : memref<32x80x128xi32, #tpu.memory_space<hbm>> -> memref<1x40x128xi32, #tpu.memory_space<hbm>>
      %dma_wait3A_103 = tpu.memref_squeeze %dma_wait3A_102 : memref<1x40x128xi32, #tpu.memory_space<hbm>> -> memref<40x128xi32, #tpu.memory_space<hbm>>
      tpu.wait_dma2 semaphore(%run_scoped3A : memref<!tpu.dma_semaphore, #tpu.memory_space<semaphore_mem>>) src(%dma_wait3A_103 : memref<40x128xi32, #tpu.memory_space<hbm>>) dst(%arg8 : memref<40x128xi32, #tpu.memory_space<vmem>>)
      tpu.yield
    }) : () -> ()
    %dma_start3A = arith.constant 0 : i32
    %dma_start3A_13 = arith.constant 0 : i32
    %dma_start3A_14 = arith.constant 0 : i32
    %dma_start3A_15 = arith.constant 0 : i32
    %dma_start3A_16 = arith.constant 0 : i32
    %dma_start3A_17 = tpu.memref_slice %arg9[%dma_start3A_13, %dma_start3A_15, %dma_start3A_16] : memref<2x128x128xf32, #tpu.memory_space<vmem>> -> memref<1x128x128xf32, #tpu.memory_space<vmem>>
    %dma_start3A_18 = tpu.memref_squeeze %dma_start3A_17 : memref<1x128x128xf32, #tpu.memory_space<vmem>> -> memref<128x128xf32, #tpu.memory_space<vmem>>
    %dma_start3A_19 = arith.constant 0 : i32
    %dma_start3A_20 = tpu.memref_slice %arg7[%dma_start3A, %dma_start3A_19] : memref<40x128xi32, #tpu.memory_space<vmem>> -> memref<1x128xi32, #tpu.memory_space<vmem>>
    %dma_start3A_21 = tpu.memref_squeeze %dma_start3A_20 : memref<1x128xi32, #tpu.memory_space<vmem>> -> memref<128xi32, #tpu.memory_space<vmem>>
    %dma_start3A_22 = arith.constant 0 : i32
    %dma_start3A_23 = arith.constant 0 : i32
    %dma_start3A_24 = tpu.memref_slice %arg2[%dma_start3A_22, %dma_start3A_23] : memref<10240x128xf32, #tpu.memory_space<hbm>> -> memref<10240x128xf32, #tpu.memory_space<hbm>>
    %dma_start3A_25 = tpu.memref_slice %arg10[%dma_start3A_14] : memref<2x!tpu.dma_semaphore, #tpu.memory_space<semaphore_mem>> -> memref<1x!tpu.dma_semaphore, #tpu.memory_space<semaphore_mem>>
    %dma_start3A_26 = tpu.memref_squeeze %dma_start3A_25 : memref<1x!tpu.dma_semaphore, #tpu.memory_space<semaphore_mem>> -> memref<!tpu.dma_semaphore, #tpu.memory_space<semaphore_mem>>
    tpu.enqueue_indirect_dma source(%dma_start3A_24 : memref<10240x128xf32, #tpu.memory_space<hbm>>) target(%dma_start3A_18 : memref<128x128xf32, #tpu.memory_space<vmem>>) offsets(%dma_start3A_21 : memref<128xi32, #tpu.memory_space<vmem>>) semaphore(%dma_start3A_26 : memref<!tpu.dma_semaphore, #tpu.memory_space<semaphore_mem>>)
    %scan3A_27 = arith.constant 0 : i32
    %scan3A_28 = arith.constant 0 : i32
    %scan3A_29 = arith.constant 20 : i32
    %scan3A_30 = arith.addi %scan3A_28, %scan3A_29 : i32
    %scan3A_31 = arith.constant 1 : i32
    scf.for %scan3A_88 = %scan3A_28 to %scan3A_30 step %scan3A_31  : i32 {
      %mul3A_89 = arith.constant 2 : i32
      %mul3A_90 = arith.muli %scan3A_88, %mul3A_89 : i32
      %add3A_91 = arith.constant 0 : i32
      %add3A_92 = arith.addi %mul3A_90, %add3A_91 : i32
      %dma_wait3A_93 = arith.constant 0 : i32
      %dma_wait3A_94 = arith.constant 0 : i32
      %dma_wait3A_95 = arith.constant 0 : i32
      %dma_wait3A_96 = arith.constant 0 : i32
      %dma_wait3A_97 = tpu.memref_slice %arg9[%dma_wait3A_93, %dma_wait3A_95, %dma_wait3A_96] : memref<2x128x128xf32, #tpu.memory_space<vmem>> -> memref<1x128x128xf32, #tpu.memory_space<vmem>>
      %dma_wait3A_98 = tpu.memref_squeeze %dma_wait3A_97 : memref<1x128x128xf32, #tpu.memory_space<vmem>> -> memref<128x128xf32, #tpu.memory_space<vmem>>
      %dma_wait3A_99 = arith.constant 0 : i32
      %dma_wait3A_100 = tpu.memref_slice %arg7[%add3A_92, %dma_wait3A_99] : memref<40x128xi32, #tpu.memory_space<vmem>> -> memref<1x128xi32, #tpu.memory_space<vmem>>
      %dma_wait3A_101 = tpu.memref_squeeze %dma_wait3A_100 : memref<1x128xi32, #tpu.memory_space<vmem>> -> memref<128xi32, #tpu.memory_space<vmem>>
      %dma_wait3A_102 = arith.constant 0 : i32
      %dma_wait3A_103 = arith.constant 0 : i32
      %dma_wait3A_104 = tpu.memref_slice %arg2[%dma_wait3A_102, %dma_wait3A_103] : memref<10240x128xf32, #tpu.memory_space<hbm>> -> memref<10240x128xf32, #tpu.memory_space<hbm>>
      %dma_wait3A_105 = tpu.memref_slice %arg10[%dma_wait3A_94] : memref<2x!tpu.dma_semaphore, #tpu.memory_space<semaphore_mem>> -> memref<1x!tpu.dma_semaphore, #tpu.memory_space<semaphore_mem>>
      %dma_wait3A_106 = tpu.memref_squeeze %dma_wait3A_105 : memref<1x!tpu.dma_semaphore, #tpu.memory_space<semaphore_mem>> -> memref<!tpu.dma_semaphore, #tpu.memory_space<semaphore_mem>>
      tpu.wait_indirect_dma semaphore(%dma_wait3A_106 : memref<!tpu.dma_semaphore, #tpu.memory_space<semaphore_mem>>) src(%dma_wait3A_104 : memref<10240x128xf32, #tpu.memory_space<hbm>>) dst(%dma_wait3A_98 : memref<128x128xf32, #tpu.memory_space<vmem>>)
      %dma_start3A_107 = arith.constant 0 : i32
      %dma_start3A_108 = arith.constant 0 : i32
      %dma_start3A_109 = arith.constant 0 : i32
      %dma_start3A_110 = arith.constant 0 : i32
      %dma_start3A_111 = tpu.memref_slice %arg9[%dma_start3A_107, %dma_start3A_109, %dma_start3A_110] : memref<2x128x128xf32, #tpu.memory_space<vmem>> -> memref<1x128x128xf32, #tpu.memory_space<vmem>>
      %dma_start3A_112 = tpu.memref_squeeze %dma_start3A_111 : memref<1x128x128xf32, #tpu.memory_space<vmem>> -> memref<128x128xf32, #tpu.memory_space<vmem>>
      %dma_start3A_113 = arith.constant 0 : i32
      %dma_start3A_114 = tpu.memref_slice %arg8[%add3A_92, %dma_start3A_113] : memref<40x128xi32, #tpu.memory_space<vmem>> -> memref<1x128xi32, #tpu.memory_space<vmem>>
      %dma_start3A_115 = tpu.memref_squeeze %dma_start3A_114 : memref<1x128xi32, #tpu.memory_space<vmem>> -> memref<128xi32, #tpu.memory_space<vmem>>
      %dma_start3A_116 = arith.constant 0 : i32
      %dma_start3A_117 = arith.constant 0 : i32
      %dma_start3A_118 = tpu.memref_slice %arg6[%dma_start3A_116, %dma_start3A_117] : memref<10240x128xf32, #tpu.memory_space<vmem_shared>> -> memref<10240x128xf32, #tpu.memory_space<vmem_shared>>
      %dma_start3A_119 = tpu.memref_slice %arg11[%dma_start3A_108] : memref<2x!tpu.dma_semaphore, #tpu.memory_space<semaphore_mem>> -> memref<1x!tpu.dma_semaphore, #tpu.memory_space<semaphore_mem>>
      %dma_start3A_120 = tpu.memref_squeeze %dma_start3A_119 : memref<1x!tpu.dma_semaphore, #tpu.memory_space<semaphore_mem>> -> memref<!tpu.dma_semaphore, #tpu.memory_space<semaphore_mem>>
      tpu.enqueue_indirect_dma source(%dma_start3A_112 : memref<128x128xf32, #tpu.memory_space<vmem>>) target(%dma_start3A_118 : memref<10240x128xf32, #tpu.memory_space<vmem_shared>>) offsets(%dma_start3A_115 : memref<128xi32, #tpu.memory_space<vmem>>) semaphore(%dma_start3A_120 : memref<!tpu.dma_semaphore, #tpu.memory_space<semaphore_mem>>) {add = true}
      %ge3A = arith.constant 1 : i32
      %ge3A_121 = arith.cmpi sge, %add3A_92, %ge3A : i32
      %convert_element_type3A = arith.extui %ge3A_121 : i1 to i32
      %cond3A = arith.constant 0 : i32
      %cond3A_122 = arith.cmpi ne, %convert_element_type3A, %cond3A : i32
      scf.if %cond3A_122 {
        %sub3A = arith.constant 1 : i32
        %sub3A_171 = arith.subi %add3A_92, %sub3A : i32
        %dma_wait3A_172 = arith.constant 1 : i32
        %dma_wait3A_173 = arith.constant 1 : i32
        %dma_wait3A_174 = arith.constant 0 : i32
        %dma_wait3A_175 = arith.constant 0 : i32
        %dma_wait3A_176 = tpu.memref_slice %arg9[%dma_wait3A_172, %dma_wait3A_174, %dma_wait3A_175] : memref<2x128x128xf32, #tpu.memory_space<vmem>> -> memref<1x128x128xf32, #tpu.memory_space<vmem>>
        %dma_wait3A_177 = tpu.memref_squeeze %dma_wait3A_176 : memref<1x128x128xf32, #tpu.memory_space<vmem>> -> memref<128x128xf32, #tpu.memory_space<vmem>>
        %dma_wait3A_178 = arith.constant 0 : i32
        %dma_wait3A_179 = tpu.memref_slice %arg8[%sub3A_171, %dma_wait3A_178] : memref<40x128xi32, #tpu.memory_space<vmem>> -> memref<1x128xi32, #tpu.memory_space<vmem>>
        %dma_wait3A_180 = tpu.memref_squeeze %dma_wait3A_179 : memref<1x128xi32, #tpu.memory_space<vmem>> -> memref<128xi32, #tpu.memory_space<vmem>>
        %dma_wait3A_181 = arith.constant 0 : i32
        %dma_wait3A_182 = arith.constant 0 : i32
        %dma_wait3A_183 = tpu.memref_slice %arg6[%dma_wait3A_181, %dma_wait3A_182] : memref<10240x128xf32, #tpu.memory_space<vmem_shared>> -> memref<10240x128xf32, #tpu.memory_space<vmem_shared>>
        %dma_wait3A_184 = tpu.memref_slice %arg11[%dma_wait3A_173] : memref<2x!tpu.dma_semaphore, #tpu.memory_space<semaphore_mem>> -> memref<1x!tpu.dma_semaphore, #tpu.memory_space<semaphore_mem>>
        %dma_wait3A_185 = tpu.memref_squeeze %dma_wait3A_184 : memref<1x!tpu.dma_semaphore, #tpu.memory_space<semaphore_mem>> -> memref<!tpu.dma_semaphore, #tpu.memory_space<semaphore_mem>>
        tpu.wait_indirect_dma semaphore(%dma_wait3A_185 : memref<!tpu.dma_semaphore, #tpu.memory_space<semaphore_mem>>) src(%dma_wait3A_177 : memref<128x128xf32, #tpu.memory_space<vmem>>) dst(%dma_wait3A_183 : memref<10240x128xf32, #tpu.memory_space<vmem_shared>>)
      } else {
      }
      %add3A_123 = arith.constant 1 : i32
      %add3A_124 = arith.addi %add3A_92, %add3A_123 : i32
      %lt3A = arith.constant 40 : i32
      %lt3A_125 = arith.cmpi slt, %add3A_124, %lt3A : i32
      %convert_element_type3A_126 = arith.extui %lt3A_125 : i1 to i32
      %cond3A_127 = arith.constant 0 : i32
      %cond3A_128 = arith.cmpi ne, %convert_element_type3A_126, %cond3A_127 : i32
      scf.if %cond3A_128 {
        %add3A_171 = arith.constant 1 : i32
        %add3A_172 = arith.addi %add3A_92, %add3A_171 : i32
        %dma_start3A_173 = arith.constant 1 : i32
        %dma_start3A_174 = arith.constant 1 : i32
        %dma_start3A_175 = arith.constant 0 : i32
        %dma_start3A_176 = arith.constant 0 : i32
        %dma_start3A_177 = tpu.memref_slice %arg9[%dma_start3A_173, %dma_start3A_175, %dma_start3A_176] : memref<2x128x128xf32, #tpu.memory_space<vmem>> -> memref<1x128x128xf32, #tpu.memory_space<vmem>>
        %dma_start3A_178 = tpu.memref_squeeze %dma_start3A_177 : memref<1x128x128xf32, #tpu.memory_space<vmem>> -> memref<128x128xf32, #tpu.memory_space<vmem>>
        %dma_start3A_179 = arith.constant 0 : i32
        %dma_start3A_180 = tpu.memref_slice %arg7[%add3A_172, %dma_start3A_179] : memref<40x128xi32, #tpu.memory_space<vmem>> -> memref<1x128xi32, #tpu.memory_space<vmem>>
        %dma_start3A_181 = tpu.memref_squeeze %dma_start3A_180 : memref<1x128xi32, #tpu.memory_space<vmem>> -> memref<128xi32, #tpu.memory_space<vmem>>
        %dma_start3A_182 = arith.constant 0 : i32
        %dma_start3A_183 = arith.constant 0 : i32
        %dma_start3A_184 = tpu.memref_slice %arg2[%dma_start3A_182, %dma_start3A_183] : memref<10240x128xf32, #tpu.memory_space<hbm>> -> memref<10240x128xf32, #tpu.memory_space<hbm>>
        %dma_start3A_185 = tpu.memref_slice %arg10[%dma_start3A_174] : memref<2x!tpu.dma_semaphore, #tpu.memory_space<semaphore_mem>> -> memref<1x!tpu.dma_semaphore, #tpu.memory_space<semaphore_mem>>
        %dma_start3A_186 = tpu.memref_squeeze %dma_start3A_185 : memref<1x!tpu.dma_semaphore, #tpu.memory_space<semaphore_mem>> -> memref<!tpu.dma_semaphore, #tpu.memory_space<semaphore_mem>>
        tpu.enqueue_indirect_dma source(%dma_start3A_184 : memref<10240x128xf32, #tpu.memory_space<hbm>>) target(%dma_start3A_178 : memref<128x128xf32, #tpu.memory_space<vmem>>) offsets(%dma_start3A_181 : memref<128xi32, #tpu.memory_space<vmem>>) semaphore(%dma_start3A_186 : memref<!tpu.dma_semaphore, #tpu.memory_space<semaphore_mem>>)
      } else {
      }
      %add3A_129 = arith.constant 1 : i32
      %add3A_130 = arith.addi %mul3A_90, %add3A_129 : i32
      %dma_wait3A_131 = arith.constant 1 : i32
      %dma_wait3A_132 = arith.constant 1 : i32
      %dma_wait3A_133 = arith.constant 0 : i32
      %dma_wait3A_134 = arith.constant 0 : i32
      %dma_wait3A_135 = tpu.memref_slice %arg9[%dma_wait3A_131, %dma_wait3A_133, %dma_wait3A_134] : memref<2x128x128xf32, #tpu.memory_space<vmem>> -> memref<1x128x128xf32, #tpu.memory_space<vmem>>
      %dma_wait3A_136 = tpu.memref_squeeze %dma_wait3A_135 : memref<1x128x128xf32, #tpu.memory_space<vmem>> -> memref<128x128xf32, #tpu.memory_space<vmem>>
      %dma_wait3A_137 = arith.constant 0 : i32
      %dma_wait3A_138 = tpu.memref_slice %arg7[%add3A_130, %dma_wait3A_137] : memref<40x128xi32, #tpu.memory_space<vmem>> -> memref<1x128xi32, #tpu.memory_space<vmem>>
      %dma_wait3A_139 = tpu.memref_squeeze %dma_wait3A_138 : memref<1x128xi32, #tpu.memory_space<vmem>> -> memref<128xi32, #tpu.memory_space<vmem>>
      %dma_wait3A_140 = arith.constant 0 : i32
      %dma_wait3A_141 = arith.constant 0 : i32
      %dma_wait3A_142 = tpu.memref_slice %arg2[%dma_wait3A_140, %dma_wait3A_141] : memref<10240x128xf32, #tpu.memory_space<hbm>> -> memref<10240x128xf32, #tpu.memory_space<hbm>>
      %dma_wait3A_143 = tpu.memref_slice %arg10[%dma_wait3A_132] : memref<2x!tpu.dma_semaphore, #tpu.memory_space<semaphore_mem>> -> memref<1x!tpu.dma_semaphore, #tpu.memory_space<semaphore_mem>>
      %dma_wait3A_144 = tpu.memref_squeeze %dma_wait3A_143 : memref<1x!tpu.dma_semaphore, #tpu.memory_space<semaphore_mem>> -> memref<!tpu.dma_semaphore, #tpu.memory_space<semaphore_mem>>
      tpu.wait_indirect_dma semaphore(%dma_wait3A_144 : memref<!tpu.dma_semaphore, #tpu.memory_space<semaphore_mem>>) src(%dma_wait3A_142 : memref<10240x128xf32, #tpu.memory_space<hbm>>) dst(%dma_wait3A_136 : memref<128x128xf32, #tpu.memory_space<vmem>>)
      %dma_start3A_145 = arith.constant 1 : i32
      %dma_start3A_146 = arith.constant 1 : i32
      %dma_start3A_147 = arith.constant 0 : i32
      %dma_start3A_148 = arith.constant 0 : i32
      %dma_start3A_149 = tpu.memref_slice %arg9[%dma_start3A_145, %dma_start3A_147, %dma_start3A_148] : memref<2x128x128xf32, #tpu.memory_space<vmem>> -> memref<1x128x128xf32, #tpu.memory_space<vmem>>
      %dma_start3A_150 = tpu.memref_squeeze %dma_start3A_149 : memref<1x128x128xf32, #tpu.memory_space<vmem>> -> memref<128x128xf32, #tpu.memory_space<vmem>>
      %dma_start3A_151 = arith.constant 0 : i32
      %dma_start3A_152 = tpu.memref_slice %arg8[%add3A_130, %dma_start3A_151] : memref<40x128xi32, #tpu.memory_space<vmem>> -> memref<1x128xi32, #tpu.memory_space<vmem>>
      %dma_start3A_153 = tpu.memref_squeeze %dma_start3A_152 : memref<1x128xi32, #tpu.memory_space<vmem>> -> memref<128xi32, #tpu.memory_space<vmem>>
      %dma_start3A_154 = arith.constant 0 : i32
      %dma_start3A_155 = arith.constant 0 : i32
      %dma_start3A_156 = tpu.memref_slice %arg6[%dma_start3A_154, %dma_start3A_155] : memref<10240x128xf32, #tpu.memory_space<vmem_shared>> -> memref<10240x128xf32, #tpu.memory_space<vmem_shared>>
      %dma_start3A_157 = tpu.memref_slice %arg11[%dma_start3A_146] : memref<2x!tpu.dma_semaphore, #tpu.memory_space<semaphore_mem>> -> memref<1x!tpu.dma_semaphore, #tpu.memory_space<semaphore_mem>>
      %dma_start3A_158 = tpu.memref_squeeze %dma_start3A_157 : memref<1x!tpu.dma_semaphore, #tpu.memory_space<semaphore_mem>> -> memref<!tpu.dma_semaphore, #tpu.memory_space<semaphore_mem>>
      tpu.enqueue_indirect_dma source(%dma_start3A_150 : memref<128x128xf32, #tpu.memory_space<vmem>>) target(%dma_start3A_156 : memref<10240x128xf32, #tpu.memory_space<vmem_shared>>) offsets(%dma_start3A_153 : memref<128xi32, #tpu.memory_space<vmem>>) semaphore(%dma_start3A_158 : memref<!tpu.dma_semaphore, #tpu.memory_space<semaphore_mem>>) {add = true}
      %ge3A_159 = arith.constant 1 : i32
      %ge3A_160 = arith.cmpi sge, %add3A_130, %ge3A_159 : i32
      %convert_element_type3A_161 = arith.extui %ge3A_160 : i1 to i32
      %cond3A_162 = arith.constant 0 : i32
      %cond3A_163 = arith.cmpi ne, %convert_element_type3A_161, %cond3A_162 : i32
      scf.if %cond3A_163 {
        %sub3A = arith.constant 1 : i32
        %sub3A_171 = arith.subi %add3A_130, %sub3A : i32
        %dma_wait3A_172 = arith.constant 0 : i32
        %dma_wait3A_173 = arith.constant 0 : i32
        %dma_wait3A_174 = arith.constant 0 : i32
        %dma_wait3A_175 = arith.constant 0 : i32
        %dma_wait3A_176 = tpu.memref_slice %arg9[%dma_wait3A_172, %dma_wait3A_174, %dma_wait3A_175] : memref<2x128x128xf32, #tpu.memory_space<vmem>> -> memref<1x128x128xf32, #tpu.memory_space<vmem>>
        %dma_wait3A_177 = tpu.memref_squeeze %dma_wait3A_176 : memref<1x128x128xf32, #tpu.memory_space<vmem>> -> memref<128x128xf32, #tpu.memory_space<vmem>>
        %dma_wait3A_178 = arith.constant 0 : i32
        %dma_wait3A_179 = tpu.memref_slice %arg8[%sub3A_171, %dma_wait3A_178] : memref<40x128xi32, #tpu.memory_space<vmem>> -> memref<1x128xi32, #tpu.memory_space<vmem>>
        %dma_wait3A_180 = tpu.memref_squeeze %dma_wait3A_179 : memref<1x128xi32, #tpu.memory_space<vmem>> -> memref<128xi32, #tpu.memory_space<vmem>>
        %dma_wait3A_181 = arith.constant 0 : i32
        %dma_wait3A_182 = arith.constant 0 : i32
        %dma_wait3A_183 = tpu.memref_slice %arg6[%dma_wait3A_181, %dma_wait3A_182] : memref<10240x128xf32, #tpu.memory_space<vmem_shared>> -> memref<10240x128xf32, #tpu.memory_space<vmem_shared>>
        %dma_wait3A_184 = tpu.memref_slice %arg11[%dma_wait3A_173] : memref<2x!tpu.dma_semaphore, #tpu.memory_space<semaphore_mem>> -> memref<1x!tpu.dma_semaphore, #tpu.memory_space<semaphore_mem>>
        %dma_wait3A_185 = tpu.memref_squeeze %dma_wait3A_184 : memref<1x!tpu.dma_semaphore, #tpu.memory_space<semaphore_mem>> -> memref<!tpu.dma_semaphore, #tpu.memory_space<semaphore_mem>>
        tpu.wait_indirect_dma semaphore(%dma_wait3A_185 : memref<!tpu.dma_semaphore, #tpu.memory_space<semaphore_mem>>) src(%dma_wait3A_177 : memref<128x128xf32, #tpu.memory_space<vmem>>) dst(%dma_wait3A_183 : memref<10240x128xf32, #tpu.memory_space<vmem_shared>>)
      } else {
      }
      %add3A_164 = arith.constant 1 : i32
      %add3A_165 = arith.addi %add3A_130, %add3A_164 : i32
      %lt3A_166 = arith.constant 40 : i32
      %lt3A_167 = arith.cmpi slt, %add3A_165, %lt3A_166 : i32
      %convert_element_type3A_168 = arith.extui %lt3A_167 : i1 to i32
      %cond3A_169 = arith.constant 0 : i32
      %cond3A_170 = arith.cmpi ne, %convert_element_type3A_168, %cond3A_169 : i32
      scf.if %cond3A_170 {
        %add3A_171 = arith.constant 1 : i32
        %add3A_172 = arith.addi %add3A_130, %add3A_171 : i32
        %dma_start3A_173 = arith.constant 0 : i32
        %dma_start3A_174 = arith.constant 0 : i32
        %dma_start3A_175 = arith.constant 0 : i32
        %dma_start3A_176 = arith.constant 0 : i32
        %dma_start3A_177 = tpu.memref_slice %arg9[%dma_start3A_173, %dma_start3A_175, %dma_start3A_176] : memref<2x128x128xf32, #tpu.memory_space<vmem>> -> memref<1x128x128xf32, #tpu.memory_space<vmem>>
        %dma_start3A_178 = tpu.memref_squeeze %dma_start3A_177 : memref<1x128x128xf32, #tpu.memory_space<vmem>> -> memref<128x128xf32, #tpu.memory_space<vmem>>
        %dma_start3A_179 = arith.constant 0 : i32
        %dma_start3A_180 = tpu.memref_slice %arg7[%add3A_172, %dma_start3A_179] : memref<40x128xi32, #tpu.memory_space<vmem>> -> memref<1x128xi32, #tpu.memory_space<vmem>>
        %dma_start3A_181 = tpu.memref_squeeze %dma_start3A_180 : memref<1x128xi32, #tpu.memory_space<vmem>> -> memref<128xi32, #tpu.memory_space<vmem>>
        %dma_start3A_182 = arith.constant 0 : i32
        %dma_start3A_183 = arith.constant 0 : i32
        %dma_start3A_184 = tpu.memref_slice %arg2[%dma_start3A_182, %dma_start3A_183] : memref<10240x128xf32, #tpu.memory_space<hbm>> -> memref<10240x128xf32, #tpu.memory_space<hbm>>
        %dma_start3A_185 = tpu.memref_slice %arg10[%dma_start3A_174] : memref<2x!tpu.dma_semaphore, #tpu.memory_space<semaphore_mem>> -> memref<1x!tpu.dma_semaphore, #tpu.memory_space<semaphore_mem>>
        %dma_start3A_186 = tpu.memref_squeeze %dma_start3A_185 : memref<1x!tpu.dma_semaphore, #tpu.memory_space<semaphore_mem>> -> memref<!tpu.dma_semaphore, #tpu.memory_space<semaphore_mem>>
        tpu.enqueue_indirect_dma source(%dma_start3A_184 : memref<10240x128xf32, #tpu.memory_space<hbm>>) target(%dma_start3A_178 : memref<128x128xf32, #tpu.memory_space<vmem>>) offsets(%dma_start3A_181 : memref<128xi32, #tpu.memory_space<vmem>>) semaphore(%dma_start3A_186 : memref<!tpu.dma_semaphore, #tpu.memory_space<semaphore_mem>>)
      } else {
      }
    }
    %scan3A_32 = arith.constant 20 : i32
    %dma_wait3A = arith.constant 1 : i32
    %dma_wait3A_33 = arith.constant 39 : i32
    %dma_wait3A_34 = arith.constant 1 : i32
    %dma_wait3A_35 = arith.constant 0 : i32
    %dma_wait3A_36 = arith.constant 0 : i32
    %dma_wait3A_37 = tpu.memref_slice %arg9[%dma_wait3A, %dma_wait3A_35, %dma_wait3A_36] : memref<2x128x128xf32, #tpu.memory_space<vmem>> -> memref<1x128x128xf32, #tpu.memory_space<vmem>>
    %dma_wait3A_38 = tpu.memref_squeeze %dma_wait3A_37 : memref<1x128x128xf32, #tpu.memory_space<vmem>> -> memref<128x128xf32, #tpu.memory_space<vmem>>
    %dma_wait3A_39 = arith.constant 0 : i32
    %dma_wait3A_40 = tpu.memref_slice %arg8[%dma_wait3A_33, %dma_wait3A_39] : memref<40x128xi32, #tpu.memory_space<vmem>> -> memref<1x128xi32, #tpu.memory_space<vmem>>
    %dma_wait3A_41 = tpu.memref_squeeze %dma_wait3A_40 : memref<1x128xi32, #tpu.memory_space<vmem>> -> memref<128xi32, #tpu.memory_space<vmem>>
    %dma_wait3A_42 = arith.constant 0 : i32
    %dma_wait3A_43 = arith.constant 0 : i32
    %dma_wait3A_44 = tpu.memref_slice %arg6[%dma_wait3A_42, %dma_wait3A_43] : memref<10240x128xf32, #tpu.memory_space<vmem_shared>> -> memref<10240x128xf32, #tpu.memory_space<vmem_shared>>
    %dma_wait3A_45 = tpu.memref_slice %arg11[%dma_wait3A_34] : memref<2x!tpu.dma_semaphore, #tpu.memory_space<semaphore_mem>> -> memref<1x!tpu.dma_semaphore, #tpu.memory_space<semaphore_mem>>
    %dma_wait3A_46 = tpu.memref_squeeze %dma_wait3A_45 : memref<1x!tpu.dma_semaphore, #tpu.memory_space<semaphore_mem>> -> memref<!tpu.dma_semaphore, #tpu.memory_space<semaphore_mem>>
    tpu.wait_indirect_dma semaphore(%dma_wait3A_46 : memref<!tpu.dma_semaphore, #tpu.memory_space<semaphore_mem>>) src(%dma_wait3A_38 : memref<128x128xf32, #tpu.memory_space<vmem>>) dst(%dma_wait3A_44 : memref<10240x128xf32, #tpu.memory_space<vmem_shared>>)
    "tpu.region"() ({
      %run_scoped3A = tpu.sem_alloc : memref<!tpu.dma_semaphore, #tpu.memory_space<semaphore_mem>>
      %dma_start3A_88 = arith.constant 40 : i32
      %dma_start3A_89 = arith.constant 0 : i32
      %dma_start3A_90 = tpu.memref_slice %arg3[%add3A, %dma_start3A_88, %dma_start3A_89] : memref<32x80x128xi32, #tpu.memory_space<hbm>> -> memref<1x40x128xi32, #tpu.memory_space<hbm>>
      %dma_start3A_91 = tpu.memref_squeeze %dma_start3A_90 : memref<1x40x128xi32, #tpu.memory_space<hbm>> -> memref<40x128xi32, #tpu.memory_space<hbm>>
      %dma_start3A_92 = arith.constant 40 : i32
      %dma_start3A_93 = arith.constant 0 : i32
      %dma_start3A_94 = tpu.memref_slice %arg3[%add3A, %dma_start3A_92, %dma_start3A_93] : memref<32x80x128xi32, #tpu.memory_space<hbm>> -> memref<1x40x128xi32, #tpu.memory_space<hbm>>
      %dma_start3A_95 = tpu.memref_squeeze %dma_start3A_94 : memref<1x40x128xi32, #tpu.memory_space<hbm>> -> memref<40x128xi32, #tpu.memory_space<hbm>>
      tpu.enqueue_dma source(%dma_start3A_95 : memref<40x128xi32, #tpu.memory_space<hbm>>) target(%arg7 : memref<40x128xi32, #tpu.memory_space<vmem>>) target_semaphore(%run_scoped3A : memref<!tpu.dma_semaphore, #tpu.memory_space<semaphore_mem>>)
      %dma_wait3A_96 = arith.constant 40 : i32
      %dma_wait3A_97 = arith.constant 0 : i32
      %dma_wait3A_98 = tpu.memref_slice %arg3[%add3A, %dma_wait3A_96, %dma_wait3A_97] : memref<32x80x128xi32, #tpu.memory_space<hbm>> -> memref<1x40x128xi32, #tpu.memory_space<hbm>>
      %dma_wait3A_99 = tpu.memref_squeeze %dma_wait3A_98 : memref<1x40x128xi32, #tpu.memory_space<hbm>> -> memref<40x128xi32, #tpu.memory_space<hbm>>
      %dma_wait3A_100 = arith.constant 40 : i32
      %dma_wait3A_101 = arith.constant 0 : i32
      %dma_wait3A_102 = tpu.memref_slice %arg3[%add3A, %dma_wait3A_100, %dma_wait3A_101] : memref<32x80x128xi32, #tpu.memory_space<hbm>> -> memref<1x40x128xi32, #tpu.memory_space<hbm>>
      %dma_wait3A_103 = tpu.memref_squeeze %dma_wait3A_102 : memref<1x40x128xi32, #tpu.memory_space<hbm>> -> memref<40x128xi32, #tpu.memory_space<hbm>>
      tpu.wait_dma2 semaphore(%run_scoped3A : memref<!tpu.dma_semaphore, #tpu.memory_space<semaphore_mem>>) src(%dma_wait3A_103 : memref<40x128xi32, #tpu.memory_space<hbm>>) dst(%arg7 : memref<40x128xi32, #tpu.memory_space<vmem>>)
      tpu.yield
    }) : () -> ()
    "tpu.region"() ({
      %run_scoped3A = tpu.sem_alloc : memref<!tpu.dma_semaphore, #tpu.memory_space<semaphore_mem>>
      %dma_start3A_88 = arith.constant 40 : i32
      %dma_start3A_89 = arith.constant 0 : i32
      %dma_start3A_90 = tpu.memref_slice %arg4[%add3A, %dma_start3A_88, %dma_start3A_89] : memref<32x80x128xi32, #tpu.memory_space<hbm>> -> memref<1x40x128xi32, #tpu.memory_space<hbm>>
      %dma_start3A_91 = tpu.memref_squeeze %dma_start3A_90 : memref<1x40x128xi32, #tpu.memory_space<hbm>> -> memref<40x128xi32, #tpu.memory_space<hbm>>
      %dma_start3A_92 = arith.constant 40 : i32
      %dma_start3A_93 = arith.constant 0 : i32
      %dma_start3A_94 = tpu.memref_slice %arg4[%add3A, %dma_start3A_92, %dma_start3A_93] : memref<32x80x128xi32, #tpu.memory_space<hbm>> -> memref<1x40x128xi32, #tpu.memory_space<hbm>>
      %dma_start3A_95 = tpu.memref_squeeze %dma_start3A_94 : memref<1x40x128xi32, #tpu.memory_space<hbm>> -> memref<40x128xi32, #tpu.memory_space<hbm>>
      tpu.enqueue_dma source(%dma_start3A_95 : memref<40x128xi32, #tpu.memory_space<hbm>>) target(%arg8 : memref<40x128xi32, #tpu.memory_space<vmem>>) target_semaphore(%run_scoped3A : memref<!tpu.dma_semaphore, #tpu.memory_space<semaphore_mem>>)
      %dma_wait3A_96 = arith.constant 40 : i32
      %dma_wait3A_97 = arith.constant 0 : i32
      %dma_wait3A_98 = tpu.memref_slice %arg4[%add3A, %dma_wait3A_96, %dma_wait3A_97] : memref<32x80x128xi32, #tpu.memory_space<hbm>> -> memref<1x40x128xi32, #tpu.memory_space<hbm>>
      %dma_wait3A_99 = tpu.memref_squeeze %dma_wait3A_98 : memref<1x40x128xi32, #tpu.memory_space<hbm>> -> memref<40x128xi32, #tpu.memory_space<hbm>>
      %dma_wait3A_100 = arith.constant 40 : i32
      %dma_wait3A_101 = arith.constant 0 : i32
      %dma_wait3A_102 = tpu.memref_slice %arg4[%add3A, %dma_wait3A_100, %dma_wait3A_101] : memref<32x80x128xi32, #tpu.memory_space<hbm>> -> memref<1x40x128xi32, #tpu.memory_space<hbm>>
      %dma_wait3A_103 = tpu.memref_squeeze %dma_wait3A_102 : memref<1x40x128xi32, #tpu.memory_space<hbm>> -> memref<40x128xi32, #tpu.memory_space<hbm>>
      tpu.wait_dma2 semaphore(%run_scoped3A : memref<!tpu.dma_semaphore, #tpu.memory_space<semaphore_mem>>) src(%dma_wait3A_103 : memref<40x128xi32, #tpu.memory_space<hbm>>) dst(%arg8 : memref<40x128xi32, #tpu.memory_space<vmem>>)
      tpu.yield
    }) : () -> ()
    %dma_start3A_47 = arith.constant 0 : i32
    %dma_start3A_48 = arith.constant 0 : i32
    %dma_start3A_49 = arith.constant 0 : i32
    %dma_start3A_50 = arith.constant 0 : i32
    %dma_start3A_51 = arith.constant 0 : i32
    %dma_start3A_52 = tpu.memref_slice %arg9[%dma_start3A_48, %dma_start3A_50, %dma_start3A_51] : memref<2x128x128xf32, #tpu.memory_space<vmem>> -> memref<1x128x128xf32, #tpu.memory_space<vmem>>
    %dma_start3A_53 = tpu.memref_squeeze %dma_start3A_52 : memref<1x128x128xf32, #tpu.memory_space<vmem>> -> memref<128x128xf32, #tpu.memory_space<vmem>>
    %dma_start3A_54 = arith.constant 0 : i32
    %dma_start3A_55 = tpu.memref_slice %arg7[%dma_start3A_47, %dma_start3A_54] : memref<40x128xi32, #tpu.memory_space<vmem>> -> memref<1x128xi32, #tpu.memory_space<vmem>>
    %dma_start3A_56 = tpu.memref_squeeze %dma_start3A_55 : memref<1x128xi32, #tpu.memory_space<vmem>> -> memref<128xi32, #tpu.memory_space<vmem>>
    %dma_start3A_57 = arith.constant 0 : i32
    %dma_start3A_58 = arith.constant 0 : i32
    %dma_start3A_59 = tpu.memref_slice %arg2[%dma_start3A_57, %dma_start3A_58] : memref<10240x128xf32, #tpu.memory_space<hbm>> -> memref<10240x128xf32, #tpu.memory_space<hbm>>
    %dma_start3A_60 = tpu.memref_slice %arg10[%dma_start3A_49] : memref<2x!tpu.dma_semaphore, #tpu.memory_space<semaphore_mem>> -> memref<1x!tpu.dma_semaphore, #tpu.memory_space<semaphore_mem>>
    %dma_start3A_61 = tpu.memref_squeeze %dma_start3A_60 : memref<1x!tpu.dma_semaphore, #tpu.memory_space<semaphore_mem>> -> memref<!tpu.dma_semaphore, #tpu.memory_space<semaphore_mem>>
    tpu.enqueue_indirect_dma source(%dma_start3A_59 : memref<10240x128xf32, #tpu.memory_space<hbm>>) target(%dma_start3A_53 : memref<128x128xf32, #tpu.memory_space<vmem>>) offsets(%dma_start3A_56 : memref<128xi32, #tpu.memory_space<vmem>>) semaphore(%dma_start3A_61 : memref<!tpu.dma_semaphore, #tpu.memory_space<semaphore_mem>>)
    %scan3A_62 = arith.constant 0 : i32
    %scan3A_63 = arith.constant 0 : i32
    %scan3A_64 = arith.constant 20 : i32
    %scan3A_65 = arith.addi %scan3A_63, %scan3A_64 : i32
    %scan3A_66 = arith.constant 1 : i32
    scf.for %scan3A_88 = %scan3A_63 to %scan3A_65 step %scan3A_66  : i32 {
      %mul3A_89 = arith.constant 2 : i32
      %mul3A_90 = arith.muli %scan3A_88, %mul3A_89 : i32
      %add3A_91 = arith.constant 0 : i32
      %add3A_92 = arith.addi %mul3A_90, %add3A_91 : i32
      %dma_wait3A_93 = arith.constant 0 : i32
      %dma_wait3A_94 = arith.constant 0 : i32
      %dma_wait3A_95 = arith.constant 0 : i32
      %dma_wait3A_96 = arith.constant 0 : i32
      %dma_wait3A_97 = tpu.memref_slice %arg9[%dma_wait3A_93, %dma_wait3A_95, %dma_wait3A_96] : memref<2x128x128xf32, #tpu.memory_space<vmem>> -> memref<1x128x128xf32, #tpu.memory_space<vmem>>
      %dma_wait3A_98 = tpu.memref_squeeze %dma_wait3A_97 : memref<1x128x128xf32, #tpu.memory_space<vmem>> -> memref<128x128xf32, #tpu.memory_space<vmem>>
      %dma_wait3A_99 = arith.constant 0 : i32
      %dma_wait3A_100 = tpu.memref_slice %arg7[%add3A_92, %dma_wait3A_99] : memref<40x128xi32, #tpu.memory_space<vmem>> -> memref<1x128xi32, #tpu.memory_space<vmem>>
      %dma_wait3A_101 = tpu.memref_squeeze %dma_wait3A_100 : memref<1x128xi32, #tpu.memory_space<vmem>> -> memref<128xi32, #tpu.memory_space<vmem>>
      %dma_wait3A_102 = arith.constant 0 : i32
      %dma_wait3A_103 = arith.constant 0 : i32
      %dma_wait3A_104 = tpu.memref_slice %arg2[%dma_wait3A_102, %dma_wait3A_103] : memref<10240x128xf32, #tpu.memory_space<hbm>> -> memref<10240x128xf32, #tpu.memory_space<hbm>>
      %dma_wait3A_105 = tpu.memref_slice %arg10[%dma_wait3A_94] : memref<2x!tpu.dma_semaphore, #tpu.memory_space<semaphore_mem>> -> memref<1x!tpu.dma_semaphore, #tpu.memory_space<semaphore_mem>>
      %dma_wait3A_106 = tpu.memref_squeeze %dma_wait3A_105 : memref<1x!tpu.dma_semaphore, #tpu.memory_space<semaphore_mem>> -> memref<!tpu.dma_semaphore, #tpu.memory_space<semaphore_mem>>
      tpu.wait_indirect_dma semaphore(%dma_wait3A_106 : memref<!tpu.dma_semaphore, #tpu.memory_space<semaphore_mem>>) src(%dma_wait3A_104 : memref<10240x128xf32, #tpu.memory_space<hbm>>) dst(%dma_wait3A_98 : memref<128x128xf32, #tpu.memory_space<vmem>>)
      %dma_start3A_107 = arith.constant 0 : i32
      %dma_start3A_108 = arith.constant 0 : i32
      %dma_start3A_109 = arith.constant 0 : i32
      %dma_start3A_110 = arith.constant 0 : i32
      %dma_start3A_111 = tpu.memref_slice %arg9[%dma_start3A_107, %dma_start3A_109, %dma_start3A_110] : memref<2x128x128xf32, #tpu.memory_space<vmem>> -> memref<1x128x128xf32, #tpu.memory_space<vmem>>
      %dma_start3A_112 = tpu.memref_squeeze %dma_start3A_111 : memref<1x128x128xf32, #tpu.memory_space<vmem>> -> memref<128x128xf32, #tpu.memory_space<vmem>>
      %dma_start3A_113 = arith.constant 0 : i32
      %dma_start3A_114 = tpu.memref_slice %arg8[%add3A_92, %dma_start3A_113] : memref<40x128xi32, #tpu.memory_space<vmem>> -> memref<1x128xi32, #tpu.memory_space<vmem>>
      %dma_start3A_115 = tpu.memref_squeeze %dma_start3A_114 : memref<1x128xi32, #tpu.memory_space<vmem>> -> memref<128xi32, #tpu.memory_space<vmem>>
      %dma_start3A_116 = arith.constant 0 : i32
      %dma_start3A_117 = arith.constant 0 : i32
      %dma_start3A_118 = tpu.memref_slice %arg6[%dma_start3A_116, %dma_start3A_117] : memref<10240x128xf32, #tpu.memory_space<vmem_shared>> -> memref<10240x128xf32, #tpu.memory_space<vmem_shared>>
      %dma_start3A_119 = tpu.memref_slice %arg11[%dma_start3A_108] : memref<2x!tpu.dma_semaphore, #tpu.memory_space<semaphore_mem>> -> memref<1x!tpu.dma_semaphore, #tpu.memory_space<semaphore_mem>>
      %dma_start3A_120 = tpu.memref_squeeze %dma_start3A_119 : memref<1x!tpu.dma_semaphore, #tpu.memory_space<semaphore_mem>> -> memref<!tpu.dma_semaphore, #tpu.memory_space<semaphore_mem>>
      tpu.enqueue_indirect_dma source(%dma_start3A_112 : memref<128x128xf32, #tpu.memory_space<vmem>>) target(%dma_start3A_118 : memref<10240x128xf32, #tpu.memory_space<vmem_shared>>) offsets(%dma_start3A_115 : memref<128xi32, #tpu.memory_space<vmem>>) semaphore(%dma_start3A_120 : memref<!tpu.dma_semaphore, #tpu.memory_space<semaphore_mem>>) {add = true}
      %ge3A = arith.constant 1 : i32
      %ge3A_121 = arith.cmpi sge, %add3A_92, %ge3A : i32
      %convert_element_type3A = arith.extui %ge3A_121 : i1 to i32
      %cond3A = arith.constant 0 : i32
      %cond3A_122 = arith.cmpi ne, %convert_element_type3A, %cond3A : i32
      scf.if %cond3A_122 {
        %sub3A = arith.constant 1 : i32
        %sub3A_171 = arith.subi %add3A_92, %sub3A : i32
        %dma_wait3A_172 = arith.constant 1 : i32
        %dma_wait3A_173 = arith.constant 1 : i32
        %dma_wait3A_174 = arith.constant 0 : i32
        %dma_wait3A_175 = arith.constant 0 : i32
        %dma_wait3A_176 = tpu.memref_slice %arg9[%dma_wait3A_172, %dma_wait3A_174, %dma_wait3A_175] : memref<2x128x128xf32, #tpu.memory_space<vmem>> -> memref<1x128x128xf32, #tpu.memory_space<vmem>>
        %dma_wait3A_177 = tpu.memref_squeeze %dma_wait3A_176 : memref<1x128x128xf32, #tpu.memory_space<vmem>> -> memref<128x128xf32, #tpu.memory_space<vmem>>
        %dma_wait3A_178 = arith.constant 0 : i32
        %dma_wait3A_179 = tpu.memref_slice %arg8[%sub3A_171, %dma_wait3A_178] : memref<40x128xi32, #tpu.memory_space<vmem>> -> memref<1x128xi32, #tpu.memory_space<vmem>>
        %dma_wait3A_180 = tpu.memref_squeeze %dma_wait3A_179 : memref<1x128xi32, #tpu.memory_space<vmem>> -> memref<128xi32, #tpu.memory_space<vmem>>
        %dma_wait3A_181 = arith.constant 0 : i32
        %dma_wait3A_182 = arith.constant 0 : i32
        %dma_wait3A_183 = tpu.memref_slice %arg6[%dma_wait3A_181, %dma_wait3A_182] : memref<10240x128xf32, #tpu.memory_space<vmem_shared>> -> memref<10240x128xf32, #tpu.memory_space<vmem_shared>>
        %dma_wait3A_184 = tpu.memref_slice %arg11[%dma_wait3A_173] : memref<2x!tpu.dma_semaphore, #tpu.memory_space<semaphore_mem>> -> memref<1x!tpu.dma_semaphore, #tpu.memory_space<semaphore_mem>>
        %dma_wait3A_185 = tpu.memref_squeeze %dma_wait3A_184 : memref<1x!tpu.dma_semaphore, #tpu.memory_space<semaphore_mem>> -> memref<!tpu.dma_semaphore, #tpu.memory_space<semaphore_mem>>
        tpu.wait_indirect_dma semaphore(%dma_wait3A_185 : memref<!tpu.dma_semaphore, #tpu.memory_space<semaphore_mem>>) src(%dma_wait3A_177 : memref<128x128xf32, #tpu.memory_space<vmem>>) dst(%dma_wait3A_183 : memref<10240x128xf32, #tpu.memory_space<vmem_shared>>)
      } else {
      }
      %add3A_123 = arith.constant 1 : i32
      %add3A_124 = arith.addi %add3A_92, %add3A_123 : i32
      %lt3A = arith.constant 40 : i32
      %lt3A_125 = arith.cmpi slt, %add3A_124, %lt3A : i32
      %convert_element_type3A_126 = arith.extui %lt3A_125 : i1 to i32
      %cond3A_127 = arith.constant 0 : i32
      %cond3A_128 = arith.cmpi ne, %convert_element_type3A_126, %cond3A_127 : i32
      scf.if %cond3A_128 {
        %add3A_171 = arith.constant 1 : i32
        %add3A_172 = arith.addi %add3A_92, %add3A_171 : i32
        %dma_start3A_173 = arith.constant 1 : i32
        %dma_start3A_174 = arith.constant 1 : i32
        %dma_start3A_175 = arith.constant 0 : i32
        %dma_start3A_176 = arith.constant 0 : i32
        %dma_start3A_177 = tpu.memref_slice %arg9[%dma_start3A_173, %dma_start3A_175, %dma_start3A_176] : memref<2x128x128xf32, #tpu.memory_space<vmem>> -> memref<1x128x128xf32, #tpu.memory_space<vmem>>
        %dma_start3A_178 = tpu.memref_squeeze %dma_start3A_177 : memref<1x128x128xf32, #tpu.memory_space<vmem>> -> memref<128x128xf32, #tpu.memory_space<vmem>>
        %dma_start3A_179 = arith.constant 0 : i32
        %dma_start3A_180 = tpu.memref_slice %arg7[%add3A_172, %dma_start3A_179] : memref<40x128xi32, #tpu.memory_space<vmem>> -> memref<1x128xi32, #tpu.memory_space<vmem>>
        %dma_start3A_181 = tpu.memref_squeeze %dma_start3A_180 : memref<1x128xi32, #tpu.memory_space<vmem>> -> memref<128xi32, #tpu.memory_space<vmem>>
        %dma_start3A_182 = arith.constant 0 : i32
        %dma_start3A_183 = arith.constant 0 : i32
        %dma_start3A_184 = tpu.memref_slice %arg2[%dma_start3A_182, %dma_start3A_183] : memref<10240x128xf32, #tpu.memory_space<hbm>> -> memref<10240x128xf32, #tpu.memory_space<hbm>>
        %dma_start3A_185 = tpu.memref_slice %arg10[%dma_start3A_174] : memref<2x!tpu.dma_semaphore, #tpu.memory_space<semaphore_mem>> -> memref<1x!tpu.dma_semaphore, #tpu.memory_space<semaphore_mem>>
        %dma_start3A_186 = tpu.memref_squeeze %dma_start3A_185 : memref<1x!tpu.dma_semaphore, #tpu.memory_space<semaphore_mem>> -> memref<!tpu.dma_semaphore, #tpu.memory_space<semaphore_mem>>
        tpu.enqueue_indirect_dma source(%dma_start3A_184 : memref<10240x128xf32, #tpu.memory_space<hbm>>) target(%dma_start3A_178 : memref<128x128xf32, #tpu.memory_space<vmem>>) offsets(%dma_start3A_181 : memref<128xi32, #tpu.memory_space<vmem>>) semaphore(%dma_start3A_186 : memref<!tpu.dma_semaphore, #tpu.memory_space<semaphore_mem>>)
      } else {
      }
      %add3A_129 = arith.constant 1 : i32
      %add3A_130 = arith.addi %mul3A_90, %add3A_129 : i32
      %dma_wait3A_131 = arith.constant 1 : i32
      %dma_wait3A_132 = arith.constant 1 : i32
      %dma_wait3A_133 = arith.constant 0 : i32
      %dma_wait3A_134 = arith.constant 0 : i32
      %dma_wait3A_135 = tpu.memref_slice %arg9[%dma_wait3A_131, %dma_wait3A_133, %dma_wait3A_134] : memref<2x128x128xf32, #tpu.memory_space<vmem>> -> memref<1x128x128xf32, #tpu.memory_space<vmem>>
      %dma_wait3A_136 = tpu.memref_squeeze %dma_wait3A_135 : memref<1x128x128xf32, #tpu.memory_space<vmem>> -> memref<128x128xf32, #tpu.memory_space<vmem>>
      %dma_wait3A_137 = arith.constant 0 : i32
      %dma_wait3A_138 = tpu.memref_slice %arg7[%add3A_130, %dma_wait3A_137] : memref<40x128xi32, #tpu.memory_space<vmem>> -> memref<1x128xi32, #tpu.memory_space<vmem>>
      %dma_wait3A_139 = tpu.memref_squeeze %dma_wait3A_138 : memref<1x128xi32, #tpu.memory_space<vmem>> -> memref<128xi32, #tpu.memory_space<vmem>>
      %dma_wait3A_140 = arith.constant 0 : i32
      %dma_wait3A_141 = arith.constant 0 : i32
      %dma_wait3A_142 = tpu.memref_slice %arg2[%dma_wait3A_140, %dma_wait3A_141] : memref<10240x128xf32, #tpu.memory_space<hbm>> -> memref<10240x128xf32, #tpu.memory_space<hbm>>
      %dma_wait3A_143 = tpu.memref_slice %arg10[%dma_wait3A_132] : memref<2x!tpu.dma_semaphore, #tpu.memory_space<semaphore_mem>> -> memref<1x!tpu.dma_semaphore, #tpu.memory_space<semaphore_mem>>
      %dma_wait3A_144 = tpu.memref_squeeze %dma_wait3A_143 : memref<1x!tpu.dma_semaphore, #tpu.memory_space<semaphore_mem>> -> memref<!tpu.dma_semaphore, #tpu.memory_space<semaphore_mem>>
      tpu.wait_indirect_dma semaphore(%dma_wait3A_144 : memref<!tpu.dma_semaphore, #tpu.memory_space<semaphore_mem>>) src(%dma_wait3A_142 : memref<10240x128xf32, #tpu.memory_space<hbm>>) dst(%dma_wait3A_136 : memref<128x128xf32, #tpu.memory_space<vmem>>)
      %dma_start3A_145 = arith.constant 1 : i32
      %dma_start3A_146 = arith.constant 1 : i32
      %dma_start3A_147 = arith.constant 0 : i32
      %dma_start3A_148 = arith.constant 0 : i32
      %dma_start3A_149 = tpu.memref_slice %arg9[%dma_start3A_145, %dma_start3A_147, %dma_start3A_148] : memref<2x128x128xf32, #tpu.memory_space<vmem>> -> memref<1x128x128xf32, #tpu.memory_space<vmem>>
      %dma_start3A_150 = tpu.memref_squeeze %dma_start3A_149 : memref<1x128x128xf32, #tpu.memory_space<vmem>> -> memref<128x128xf32, #tpu.memory_space<vmem>>
      %dma_start3A_151 = arith.constant 0 : i32
      %dma_start3A_152 = tpu.memref_slice %arg8[%add3A_130, %dma_start3A_151] : memref<40x128xi32, #tpu.memory_space<vmem>> -> memref<1x128xi32, #tpu.memory_space<vmem>>
      %dma_start3A_153 = tpu.memref_squeeze %dma_start3A_152 : memref<1x128xi32, #tpu.memory_space<vmem>> -> memref<128xi32, #tpu.memory_space<vmem>>
      %dma_start3A_154 = arith.constant 0 : i32
      %dma_start3A_155 = arith.constant 0 : i32
      %dma_start3A_156 = tpu.memref_slice %arg6[%dma_start3A_154, %dma_start3A_155] : memref<10240x128xf32, #tpu.memory_space<vmem_shared>> -> memref<10240x128xf32, #tpu.memory_space<vmem_shared>>
      %dma_start3A_157 = tpu.memref_slice %arg11[%dma_start3A_146] : memref<2x!tpu.dma_semaphore, #tpu.memory_space<semaphore_mem>> -> memref<1x!tpu.dma_semaphore, #tpu.memory_space<semaphore_mem>>
      %dma_start3A_158 = tpu.memref_squeeze %dma_start3A_157 : memref<1x!tpu.dma_semaphore, #tpu.memory_space<semaphore_mem>> -> memref<!tpu.dma_semaphore, #tpu.memory_space<semaphore_mem>>
      tpu.enqueue_indirect_dma source(%dma_start3A_150 : memref<128x128xf32, #tpu.memory_space<vmem>>) target(%dma_start3A_156 : memref<10240x128xf32, #tpu.memory_space<vmem_shared>>) offsets(%dma_start3A_153 : memref<128xi32, #tpu.memory_space<vmem>>) semaphore(%dma_start3A_158 : memref<!tpu.dma_semaphore, #tpu.memory_space<semaphore_mem>>) {add = true}
      %ge3A_159 = arith.constant 1 : i32
      %ge3A_160 = arith.cmpi sge, %add3A_130, %ge3A_159 : i32
      %convert_element_type3A_161 = arith.extui %ge3A_160 : i1 to i32
      %cond3A_162 = arith.constant 0 : i32
      %cond3A_163 = arith.cmpi ne, %convert_element_type3A_161, %cond3A_162 : i32
      scf.if %cond3A_163 {
        %sub3A = arith.constant 1 : i32
        %sub3A_171 = arith.subi %add3A_130, %sub3A : i32
        %dma_wait3A_172 = arith.constant 0 : i32
        %dma_wait3A_173 = arith.constant 0 : i32
        %dma_wait3A_174 = arith.constant 0 : i32
        %dma_wait3A_175 = arith.constant 0 : i32
        %dma_wait3A_176 = tpu.memref_slice %arg9[%dma_wait3A_172, %dma_wait3A_174, %dma_wait3A_175] : memref<2x128x128xf32, #tpu.memory_space<vmem>> -> memref<1x128x128xf32, #tpu.memory_space<vmem>>
        %dma_wait3A_177 = tpu.memref_squeeze %dma_wait3A_176 : memref<1x128x128xf32, #tpu.memory_space<vmem>> -> memref<128x128xf32, #tpu.memory_space<vmem>>
        %dma_wait3A_178 = arith.constant 0 : i32
        %dma_wait3A_179 = tpu.memref_slice %arg8[%sub3A_171, %dma_wait3A_178] : memref<40x128xi32, #tpu.memory_space<vmem>> -> memref<1x128xi32, #tpu.memory_space<vmem>>
        %dma_wait3A_180 = tpu.memref_squeeze %dma_wait3A_179 : memref<1x128xi32, #tpu.memory_space<vmem>> -> memref<128xi32, #tpu.memory_space<vmem>>
        %dma_wait3A_181 = arith.constant 0 : i32
        %dma_wait3A_182 = arith.constant 0 : i32
        %dma_wait3A_183 = tpu.memref_slice %arg6[%dma_wait3A_181, %dma_wait3A_182] : memref<10240x128xf32, #tpu.memory_space<vmem_shared>> -> memref<10240x128xf32, #tpu.memory_space<vmem_shared>>
        %dma_wait3A_184 = tpu.memref_slice %arg11[%dma_wait3A_173] : memref<2x!tpu.dma_semaphore, #tpu.memory_space<semaphore_mem>> -> memref<1x!tpu.dma_semaphore, #tpu.memory_space<semaphore_mem>>
        %dma_wait3A_185 = tpu.memref_squeeze %dma_wait3A_184 : memref<1x!tpu.dma_semaphore, #tpu.memory_space<semaphore_mem>> -> memref<!tpu.dma_semaphore, #tpu.memory_space<semaphore_mem>>
        tpu.wait_indirect_dma semaphore(%dma_wait3A_185 : memref<!tpu.dma_semaphore, #tpu.memory_space<semaphore_mem>>) src(%dma_wait3A_177 : memref<128x128xf32, #tpu.memory_space<vmem>>) dst(%dma_wait3A_183 : memref<10240x128xf32, #tpu.memory_space<vmem_shared>>)
      } else {
      }
      %add3A_164 = arith.constant 1 : i32
      %add3A_165 = arith.addi %add3A_130, %add3A_164 : i32
      %lt3A_166 = arith.constant 40 : i32
      %lt3A_167 = arith.cmpi slt, %add3A_165, %lt3A_166 : i32
      %convert_element_type3A_168 = arith.extui %lt3A_167 : i1 to i32
      %cond3A_169 = arith.constant 0 : i32
      %cond3A_170 = arith.cmpi ne, %convert_element_type3A_168, %cond3A_169 : i32
      scf.if %cond3A_170 {
        %add3A_171 = arith.constant 1 : i32
        %add3A_172 = arith.addi %add3A_130, %add3A_171 : i32
        %dma_start3A_173 = arith.constant 0 : i32
        %dma_start3A_174 = arith.constant 0 : i32
        %dma_start3A_175 = arith.constant 0 : i32
        %dma_start3A_176 = arith.constant 0 : i32
        %dma_start3A_177 = tpu.memref_slice %arg9[%dma_start3A_173, %dma_start3A_175, %dma_start3A_176] : memref<2x128x128xf32, #tpu.memory_space<vmem>> -> memref<1x128x128xf32, #tpu.memory_space<vmem>>
        %dma_start3A_178 = tpu.memref_squeeze %dma_start3A_177 : memref<1x128x128xf32, #tpu.memory_space<vmem>> -> memref<128x128xf32, #tpu.memory_space<vmem>>
        %dma_start3A_179 = arith.constant 0 : i32
        %dma_start3A_180 = tpu.memref_slice %arg7[%add3A_172, %dma_start3A_179] : memref<40x128xi32, #tpu.memory_space<vmem>> -> memref<1x128xi32, #tpu.memory_space<vmem>>
        %dma_start3A_181 = tpu.memref_squeeze %dma_start3A_180 : memref<1x128xi32, #tpu.memory_space<vmem>> -> memref<128xi32, #tpu.memory_space<vmem>>
        %dma_start3A_182 = arith.constant 0 : i32
        %dma_start3A_183 = arith.constant 0 : i32
        %dma_start3A_184 = tpu.memref_slice %arg2[%dma_start3A_182, %dma_start3A_183] : memref<10240x128xf32, #tpu.memory_space<hbm>> -> memref<10240x128xf32, #tpu.memory_space<hbm>>
        %dma_start3A_185 = tpu.memref_slice %arg10[%dma_start3A_174] : memref<2x!tpu.dma_semaphore, #tpu.memory_space<semaphore_mem>> -> memref<1x!tpu.dma_semaphore, #tpu.memory_space<semaphore_mem>>
        %dma_start3A_186 = tpu.memref_squeeze %dma_start3A_185 : memref<1x!tpu.dma_semaphore, #tpu.memory_space<semaphore_mem>> -> memref<!tpu.dma_semaphore, #tpu.memory_space<semaphore_mem>>
        tpu.enqueue_indirect_dma source(%dma_start3A_184 : memref<10240x128xf32, #tpu.memory_space<hbm>>) target(%dma_start3A_178 : memref<128x128xf32, #tpu.memory_space<vmem>>) offsets(%dma_start3A_181 : memref<128xi32, #tpu.memory_space<vmem>>) semaphore(%dma_start3A_186 : memref<!tpu.dma_semaphore, #tpu.memory_space<semaphore_mem>>)
      } else {
      }
    }
    %scan3A_67 = arith.constant 20 : i32
    %dma_wait3A_68 = arith.constant 1 : i32
    %dma_wait3A_69 = arith.constant 39 : i32
    %dma_wait3A_70 = arith.constant 1 : i32
    %dma_wait3A_71 = arith.constant 0 : i32
    %dma_wait3A_72 = arith.constant 0 : i32
    %dma_wait3A_73 = tpu.memref_slice %arg9[%dma_wait3A_68, %dma_wait3A_71, %dma_wait3A_72] : memref<2x128x128xf32, #tpu.memory_space<vmem>> -> memref<1x128x128xf32, #tpu.memory_space<vmem>>
    %dma_wait3A_74 = tpu.memref_squeeze %dma_wait3A_73 : memref<1x128x128xf32, #tpu.memory_space<vmem>> -> memref<128x128xf32, #tpu.memory_space<vmem>>
    %dma_wait3A_75 = arith.constant 0 : i32
    %dma_wait3A_76 = tpu.memref_slice %arg8[%dma_wait3A_69, %dma_wait3A_75] : memref<40x128xi32, #tpu.memory_space<vmem>> -> memref<1x128xi32, #tpu.memory_space<vmem>>
    %dma_wait3A_77 = tpu.memref_squeeze %dma_wait3A_76 : memref<1x128xi32, #tpu.memory_space<vmem>> -> memref<128xi32, #tpu.memory_space<vmem>>
    %dma_wait3A_78 = arith.constant 0 : i32
    %dma_wait3A_79 = arith.constant 0 : i32
    %dma_wait3A_80 = tpu.memref_slice %arg6[%dma_wait3A_78, %dma_wait3A_79] : memref<10240x128xf32, #tpu.memory_space<vmem_shared>> -> memref<10240x128xf32, #tpu.memory_space<vmem_shared>>
    %dma_wait3A_81 = tpu.memref_slice %arg11[%dma_wait3A_70] : memref<2x!tpu.dma_semaphore, #tpu.memory_space<semaphore_mem>> -> memref<1x!tpu.dma_semaphore, #tpu.memory_space<semaphore_mem>>
    %dma_wait3A_82 = tpu.memref_squeeze %dma_wait3A_81 : memref<1x!tpu.dma_semaphore, #tpu.memory_space<semaphore_mem>> -> memref<!tpu.dma_semaphore, #tpu.memory_space<semaphore_mem>>
    tpu.wait_indirect_dma semaphore(%dma_wait3A_82 : memref<!tpu.dma_semaphore, #tpu.memory_space<semaphore_mem>>) src(%dma_wait3A_74 : memref<128x128xf32, #tpu.memory_space<vmem>>) dst(%dma_wait3A_80 : memref<10240x128xf32, #tpu.memory_space<vmem_shared>>)
    %barrier3A_83 = arith.constant 0 : index
    tpu.barrier barrier_id(%barrier3A_83)
    %mul3A_84 = arith.constant 640 : i32
    %mul3A_85 = arith.muli %arg1, %mul3A_84 : i32
    %mul3A_86 = arith.constant 640 : i32
    %mul3A_87 = arith.muli %arg1, %mul3A_86 : i32
    "tpu.region"() ({
      %run_scoped3A = tpu.sem_alloc : memref<!tpu.dma_semaphore, #tpu.memory_space<semaphore_mem>>
      %dma_start3A_88 = arith.constant 0 : i32
      %dma_start3A_89 = tpu.memref_slice %arg5[%arg0, %mul3A_87, %dma_start3A_88] : memref<2x10240x128xf32, #tpu.memory_space<hbm>> -> memref<1x640x128xf32, #tpu.memory_space<hbm>>
      %dma_start3A_90 = tpu.memref_squeeze %dma_start3A_89 : memref<1x640x128xf32, #tpu.memory_space<hbm>> -> memref<640x128xf32, #tpu.memory_space<hbm>>
      %dma_start3A_91 = arith.constant 0 : i32
      %dma_start3A_92 = tpu.memref_slice %arg6[%mul3A_85, %dma_start3A_91] : memref<10240x128xf32, #tpu.memory_space<vmem_shared>> -> memref<640x128xf32, #tpu.memory_space<vmem_shared>>
      tpu.enqueue_dma source(%dma_start3A_92 : memref<640x128xf32, #tpu.memory_space<vmem_shared>>) target(%dma_start3A_90 : memref<640x128xf32, #tpu.memory_space<hbm>>) target_semaphore(%run_scoped3A : memref<!tpu.dma_semaphore, #tpu.memory_space<semaphore_mem>>)
      %dma_wait3A_93 = arith.constant 0 : i32
      %dma_wait3A_94 = tpu.memref_slice %arg5[%arg0, %mul3A_87, %dma_wait3A_93] : memref<2x10240x128xf32, #tpu.memory_space<hbm>> -> memref<1x640x128xf32, #tpu.memory_space<hbm>>
      %dma_wait3A_95 = tpu.memref_squeeze %dma_wait3A_94 : memref<1x640x128xf32, #tpu.memory_space<hbm>> -> memref<640x128xf32, #tpu.memory_space<hbm>>
      %dma_wait3A_96 = arith.constant 0 : i32
      %dma_wait3A_97 = tpu.memref_slice %arg6[%mul3A_85, %dma_wait3A_96] : memref<10240x128xf32, #tpu.memory_space<vmem_shared>> -> memref<640x128xf32, #tpu.memory_space<vmem_shared>>
      tpu.wait_dma2 semaphore(%run_scoped3A : memref<!tpu.dma_semaphore, #tpu.memory_space<semaphore_mem>>) src(%dma_wait3A_97 : memref<640x128xf32, #tpu.memory_space<vmem_shared>>) dst(%dma_wait3A_95 : memref<640x128xf32, #tpu.memory_space<hbm>>)
      tpu.yield
    }) : () -> ()
    return
  }
}

#map = affine_map<(d0, d1) -> (0, 0)>
#map1 = affine_map<(d0, d1) -> (0, 0, 0)>
module attributes {stable_mosaic.version = 14 : i64} {
  func.func @run(%arg0: i32, %arg1: i32, %arg2: memref<10240x64xf32, #tpu.memory_space<hbm>>, %arg3: memref<32x80x128xi32, #tpu.memory_space<hbm>>, %arg4: memref<32x80x128xi32, #tpu.memory_space<hbm>>, %arg5: memref<2x10240x64xf32, #tpu.memory_space<hbm>>, %arg6: memref<10240x64xf32, #tpu.memory_space<vmem_shared>>, %arg7: memref<80x128xi32, #tpu.memory_space<vmem>>, %arg8: memref<80x128xi32, #tpu.memory_space<vmem>>, %arg9: memref<4x128x64xf32, #tpu.memory_space<vmem>>, %arg10: memref<4x!tpu.dma_semaphore, #tpu.memory_space<semaphore_mem>>, %arg11: memref<4x!tpu.dma_semaphore, #tpu.memory_space<semaphore_mem>>) attributes {dimension_semantics = [#tpu.dimension_semantics<core_parallel>, #tpu.dimension_semantics<subcore_parallel>], iteration_bounds = array<i64: 2, 16>, scalar_prefetch = 0 : i64, scratch_operands = 6 : i64, tpu.core_type = #tpu.core_type<sc_vector_subcore>, window_params = [{transform_indices = #map}, {transform_indices = #map1}, {transform_indices = #map1}, {transform_indices = #map1}]} {
    %mul3A = arith.constant 16 : i32
    %mul3A_0 = arith.muli %arg0, %mul3A : i32
    %add3A = arith.addi %mul3A_0, %arg1 : i32
    %broadcast_in_dim3A = arith.constant 0.000000e+00 : f32
    %broadcast_in_dim3A_1 = vector.broadcast %broadcast_in_dim3A : f32 to vector<16xf32>
    %scan3A = arith.constant 0 : i32
    %scan3A_2 = arith.constant 0 : i32
    %scan3A_3 = arith.constant 128 : i32
    %scan3A_4 = arith.addi %scan3A_2, %scan3A_3 : i32
    %scan3A_5 = arith.constant 1 : i32
    scf.for %scan3A_82 = %scan3A_2 to %scan3A_4 step %scan3A_5  : i32 {
      %swap3A = arith.constant 0 : i32
      %swap3A_83 = arith.index_cast %swap3A : i32 to index
      %swap3A_84 = arith.index_cast %scan3A_82 : i32 to index
      %swap3A_85 = arith.constant 0 : index
      %swap3A_86 = tpu.vector_load %arg9[%swap3A_83, %swap3A_84, %swap3A_85] {strides = array<i32>} : memref<4x128x64xf32, #tpu.memory_space<vmem>>, vector<1x1x16xf32>,
      %swap3A_87 = vector.shape_cast %swap3A_86 : vector<1x1x16xf32> to vector<16xf32>
      %swap3A_88 = vector.shape_cast %broadcast_in_dim3A_1 : vector<16xf32> to vector<1x1x16xf32>
      tpu.vector_store %arg9[%swap3A_83, %swap3A_84, %swap3A_85], %swap3A_88 {strides = array<i32>} : memref<4x128x64xf32, #tpu.memory_space<vmem>>, vector<1x1x16xf32>,
      %swap3A_89 = arith.constant 0 : i32
      %swap3A_90 = arith.index_cast %swap3A_89 : i32 to index
      %swap3A_91 = arith.index_cast %scan3A_82 : i32 to index
      %swap3A_92 = arith.constant 16 : index
      %swap3A_93 = tpu.vector_load %arg9[%swap3A_90, %swap3A_91, %swap3A_92] {strides = array<i32>} : memref<4x128x64xf32, #tpu.memory_space<vmem>>, vector<1x1x16xf32>,
      %swap3A_94 = vector.shape_cast %swap3A_93 : vector<1x1x16xf32> to vector<16xf32>
      %swap3A_95 = vector.shape_cast %broadcast_in_dim3A_1 : vector<16xf32> to vector<1x1x16xf32>
      tpu.vector_store %arg9[%swap3A_90, %swap3A_91, %swap3A_92], %swap3A_95 {strides = array<i32>} : memref<4x128x64xf32, #tpu.memory_space<vmem>>, vector<1x1x16xf32>,
      %swap3A_96 = arith.constant 0 : i32
      %swap3A_97 = arith.index_cast %swap3A_96 : i32 to index
      %swap3A_98 = arith.index_cast %scan3A_82 : i32 to index
      %swap3A_99 = arith.constant 32 : index
      %swap3A_100 = tpu.vector_load %arg9[%swap3A_97, %swap3A_98, %swap3A_99] {strides = array<i32>} : memref<4x128x64xf32, #tpu.memory_space<vmem>>, vector<1x1x16xf32>,
      %swap3A_101 = vector.shape_cast %swap3A_100 : vector<1x1x16xf32> to vector<16xf32>
      %swap3A_102 = vector.shape_cast %broadcast_in_dim3A_1 : vector<16xf32> to vector<1x1x16xf32>
      tpu.vector_store %arg9[%swap3A_97, %swap3A_98, %swap3A_99], %swap3A_102 {strides = array<i32>} : memref<4x128x64xf32, #tpu.memory_space<vmem>>, vector<1x1x16xf32>,
      %swap3A_103 = arith.constant 0 : i32
      %swap3A_104 = arith.index_cast %swap3A_103 : i32 to index
      %swap3A_105 = arith.index_cast %scan3A_82 : i32 to index
      %swap3A_106 = arith.constant 48 : index
      %swap3A_107 = tpu.vector_load %arg9[%swap3A_104, %swap3A_105, %swap3A_106] {strides = array<i32>} : memref<4x128x64xf32, #tpu.memory_space<vmem>>, vector<1x1x16xf32>,
      %swap3A_108 = vector.shape_cast %swap3A_107 : vector<1x1x16xf32> to vector<16xf32>
      %swap3A_109 = vector.shape_cast %broadcast_in_dim3A_1 : vector<16xf32> to vector<1x1x16xf32>
      tpu.vector_store %arg9[%swap3A_104, %swap3A_105, %swap3A_106], %swap3A_109 {strides = array<i32>} : memref<4x128x64xf32, #tpu.memory_space<vmem>>, vector<1x1x16xf32>,
    }
    %scan3A_6 = arith.constant 128 : i32
    %scan3A_7 = arith.constant 0 : i32
    %scan3A_8 = arith.constant 0 : i32
    %scan3A_9 = arith.constant 5 : i32
    %scan3A_10 = arith.addi %scan3A_8, %scan3A_9 : i32
    %scan3A_11 = arith.constant 1 : i32
    scf.for %scan3A_82 = %scan3A_8 to %scan3A_10 step %scan3A_11  : i32 {
      %mul3A_83 = arith.constant 640 : i32
      %mul3A_84 = arith.muli %arg1, %mul3A_83 : i32
      %mul3A_85 = arith.constant 128 : i32
      %mul3A_86 = arith.muli %scan3A_82, %mul3A_85 : i32
      %add3A_87 = arith.addi %mul3A_84, %mul3A_86 : i32
      %run_scoped3A = arith.constant 0 : i32
      "tpu.region"() ({
        %run_scoped3A_88 = tpu.sem_alloc : memref<!tpu.dma_semaphore, #tpu.memory_space<semaphore_mem>>
        %dma_start3A_89 = arith.constant 0 : i32
        %dma_start3A_90 = arith.constant 0 : i32
        %dma_start3A_91 = tpu.memref_slice %arg9[%run_scoped3A, %dma_start3A_89, %dma_start3A_90] : memref<4x128x64xf32, #tpu.memory_space<vmem>> -> memref<1x128x64xf32, #tpu.memory_space<vmem>>
        %dma_start3A_92 = tpu.memref_squeeze %dma_start3A_91 : memref<1x128x64xf32, #tpu.memory_space<vmem>> -> memref<128x64xf32, #tpu.memory_space<vmem>>
        %dma_start3A_93 = arith.constant 0 : i32
        %dma_start3A_94 = tpu.memref_slice %arg6[%add3A_87, %dma_start3A_93] : memref<10240x64xf32, #tpu.memory_space<vmem_shared>> -> memref<128x64xf32, #tpu.memory_space<vmem_shared>>
        %dma_start3A_95 = arith.constant 0 : i32
        %dma_start3A_96 = tpu.memref_slice %arg6[%add3A_87, %dma_start3A_95] : memref<10240x64xf32, #tpu.memory_space<vmem_shared>> -> memref<128x64xf32, #tpu.memory_space<vmem_shared>>
        %dma_start3A_97 = arith.constant 0 : i32
        %dma_start3A_98 = arith.constant 0 : i32
        %dma_start3A_99 = tpu.memref_slice %arg9[%run_scoped3A, %dma_start3A_97, %dma_start3A_98] : memref<4x128x64xf32, #tpu.memory_space<vmem>> -> memref<1x128x64xf32, #tpu.memory_space<vmem>>
        %dma_start3A_100 = tpu.memref_squeeze %dma_start3A_99 : memref<1x128x64xf32, #tpu.memory_space<vmem>> -> memref<128x64xf32, #tpu.memory_space<vmem>>
        tpu.enqueue_dma source(%dma_start3A_100 : memref<128x64xf32, #tpu.memory_space<vmem>>) target(%dma_start3A_96 : memref<128x64xf32, #tpu.memory_space<vmem_shared>>) target_semaphore(%run_scoped3A_88 : memref<!tpu.dma_semaphore, #tpu.memory_space<semaphore_mem>>)
        %dma_wait3A_101 = arith.constant 0 : i32
        %dma_wait3A_102 = arith.constant 0 : i32
        %dma_wait3A_103 = tpu.memref_slice %arg9[%run_scoped3A, %dma_wait3A_101, %dma_wait3A_102] : memref<4x128x64xf32, #tpu.memory_space<vmem>> -> memref<1x128x64xf32, #tpu.memory_space<vmem>>
        %dma_wait3A_104 = tpu.memref_squeeze %dma_wait3A_103 : memref<1x128x64xf32, #tpu.memory_space<vmem>> -> memref<128x64xf32, #tpu.memory_space<vmem>>
        %dma_wait3A_105 = arith.constant 0 : i32
        %dma_wait3A_106 = tpu.memref_slice %arg6[%add3A_87, %dma_wait3A_105] : memref<10240x64xf32, #tpu.memory_space<vmem_shared>> -> memref<128x64xf32, #tpu.memory_space<vmem_shared>>
        %dma_wait3A_107 = arith.constant 0 : i32
        %dma_wait3A_108 = tpu.memref_slice %arg6[%add3A_87, %dma_wait3A_107] : memref<10240x64xf32, #tpu.memory_space<vmem_shared>> -> memref<128x64xf32, #tpu.memory_space<vmem_shared>>
        %dma_wait3A_109 = arith.constant 0 : i32
        %dma_wait3A_110 = arith.constant 0 : i32
        %dma_wait3A_111 = tpu.memref_slice %arg9[%run_scoped3A, %dma_wait3A_109, %dma_wait3A_110] : memref<4x128x64xf32, #tpu.memory_space<vmem>> -> memref<1x128x64xf32, #tpu.memory_space<vmem>>
        %dma_wait3A_112 = tpu.memref_squeeze %dma_wait3A_111 : memref<1x128x64xf32, #tpu.memory_space<vmem>> -> memref<128x64xf32, #tpu.memory_space<vmem>>
        tpu.wait_dma2 semaphore(%run_scoped3A_88 : memref<!tpu.dma_semaphore, #tpu.memory_space<semaphore_mem>>) src(%dma_wait3A_112 : memref<128x64xf32, #tpu.memory_space<vmem>>) dst(%dma_wait3A_108 : memref<128x64xf32, #tpu.memory_space<vmem_shared>>)
        tpu.yield
      }) : () -> ()
    }
    %scan3A_12 = arith.constant 5 : i32
    %barrier3A = arith.constant 0 : index
    tpu.barrier barrier_id(%barrier3A)
    "tpu.region"() ({
      %run_scoped3A = tpu.sem_alloc : memref<!tpu.dma_semaphore, #tpu.memory_space<semaphore_mem>>
      %dma_start3A_82 = arith.constant 0 : i32
      %dma_start3A_83 = arith.constant 0 : i32
      %dma_start3A_84 = tpu.memref_slice %arg3[%add3A, %dma_start3A_82, %dma_start3A_83] : memref<32x80x128xi32, #tpu.memory_space<hbm>> -> memref<1x80x128xi32, #tpu.memory_space<hbm>>
      %dma_start3A_85 = tpu.memref_squeeze %dma_start3A_84 : memref<1x80x128xi32, #tpu.memory_space<hbm>> -> memref<80x128xi32, #tpu.memory_space<hbm>>
      %dma_start3A_86 = arith.constant 0 : i32
      %dma_start3A_87 = arith.constant 0 : i32
      %dma_start3A_88 = tpu.memref_slice %arg3[%add3A, %dma_start3A_86, %dma_start3A_87] : memref<32x80x128xi32, #tpu.memory_space<hbm>> -> memref<1x80x128xi32, #tpu.memory_space<hbm>>
      %dma_start3A_89 = tpu.memref_squeeze %dma_start3A_88 : memref<1x80x128xi32, #tpu.memory_space<hbm>> -> memref<80x128xi32, #tpu.memory_space<hbm>>
      tpu.enqueue_dma source(%dma_start3A_89 : memref<80x128xi32, #tpu.memory_space<hbm>>) target(%arg7 : memref<80x128xi32, #tpu.memory_space<vmem>>) target_semaphore(%run_scoped3A : memref<!tpu.dma_semaphore, #tpu.memory_space<semaphore_mem>>)
      %dma_wait3A_90 = arith.constant 0 : i32
      %dma_wait3A_91 = arith.constant 0 : i32
      %dma_wait3A_92 = tpu.memref_slice %arg3[%add3A, %dma_wait3A_90, %dma_wait3A_91] : memref<32x80x128xi32, #tpu.memory_space<hbm>> -> memref<1x80x128xi32, #tpu.memory_space<hbm>>
      %dma_wait3A_93 = tpu.memref_squeeze %dma_wait3A_92 : memref<1x80x128xi32, #tpu.memory_space<hbm>> -> memref<80x128xi32, #tpu.memory_space<hbm>>
      %dma_wait3A_94 = arith.constant 0 : i32
      %dma_wait3A_95 = arith.constant 0 : i32
      %dma_wait3A_96 = tpu.memref_slice %arg3[%add3A, %dma_wait3A_94, %dma_wait3A_95] : memref<32x80x128xi32, #tpu.memory_space<hbm>> -> memref<1x80x128xi32, #tpu.memory_space<hbm>>
      %dma_wait3A_97 = tpu.memref_squeeze %dma_wait3A_96 : memref<1x80x128xi32, #tpu.memory_space<hbm>> -> memref<80x128xi32, #tpu.memory_space<hbm>>
      tpu.wait_dma2 semaphore(%run_scoped3A : memref<!tpu.dma_semaphore, #tpu.memory_space<semaphore_mem>>) src(%dma_wait3A_97 : memref<80x128xi32, #tpu.memory_space<hbm>>) dst(%arg7 : memref<80x128xi32, #tpu.memory_space<vmem>>)
      tpu.yield
    }) : () -> ()
    "tpu.region"() ({
      %run_scoped3A = tpu.sem_alloc : memref<!tpu.dma_semaphore, #tpu.memory_space<semaphore_mem>>
      %dma_start3A_82 = arith.constant 0 : i32
      %dma_start3A_83 = arith.constant 0 : i32
      %dma_start3A_84 = tpu.memref_slice %arg4[%add3A, %dma_start3A_82, %dma_start3A_83] : memref<32x80x128xi32, #tpu.memory_space<hbm>> -> memref<1x80x128xi32, #tpu.memory_space<hbm>>
      %dma_start3A_85 = tpu.memref_squeeze %dma_start3A_84 : memref<1x80x128xi32, #tpu.memory_space<hbm>> -> memref<80x128xi32, #tpu.memory_space<hbm>>
      %dma_start3A_86 = arith.constant 0 : i32
      %dma_start3A_87 = arith.constant 0 : i32
      %dma_start3A_88 = tpu.memref_slice %arg4[%add3A, %dma_start3A_86, %dma_start3A_87] : memref<32x80x128xi32, #tpu.memory_space<hbm>> -> memref<1x80x128xi32, #tpu.memory_space<hbm>>
      %dma_start3A_89 = tpu.memref_squeeze %dma_start3A_88 : memref<1x80x128xi32, #tpu.memory_space<hbm>> -> memref<80x128xi32, #tpu.memory_space<hbm>>
      tpu.enqueue_dma source(%dma_start3A_89 : memref<80x128xi32, #tpu.memory_space<hbm>>) target(%arg8 : memref<80x128xi32, #tpu.memory_space<vmem>>) target_semaphore(%run_scoped3A : memref<!tpu.dma_semaphore, #tpu.memory_space<semaphore_mem>>)
      %dma_wait3A_90 = arith.constant 0 : i32
      %dma_wait3A_91 = arith.constant 0 : i32
      %dma_wait3A_92 = tpu.memref_slice %arg4[%add3A, %dma_wait3A_90, %dma_wait3A_91] : memref<32x80x128xi32, #tpu.memory_space<hbm>> -> memref<1x80x128xi32, #tpu.memory_space<hbm>>
      %dma_wait3A_93 = tpu.memref_squeeze %dma_wait3A_92 : memref<1x80x128xi32, #tpu.memory_space<hbm>> -> memref<80x128xi32, #tpu.memory_space<hbm>>
      %dma_wait3A_94 = arith.constant 0 : i32
      %dma_wait3A_95 = arith.constant 0 : i32
      %dma_wait3A_96 = tpu.memref_slice %arg4[%add3A, %dma_wait3A_94, %dma_wait3A_95] : memref<32x80x128xi32, #tpu.memory_space<hbm>> -> memref<1x80x128xi32, #tpu.memory_space<hbm>>
      %dma_wait3A_97 = tpu.memref_squeeze %dma_wait3A_96 : memref<1x80x128xi32, #tpu.memory_space<hbm>> -> memref<80x128xi32, #tpu.memory_space<hbm>>
      tpu.wait_dma2 semaphore(%run_scoped3A : memref<!tpu.dma_semaphore, #tpu.memory_space<semaphore_mem>>) src(%dma_wait3A_97 : memref<80x128xi32, #tpu.memory_space<hbm>>) dst(%arg8 : memref<80x128xi32, #tpu.memory_space<vmem>>)
      tpu.yield
    }) : () -> ()
    %dma_start3A = arith.constant 0 : i32
    %dma_start3A_13 = arith.constant 0 : i32
    %dma_start3A_14 = arith.constant 0 : i32
    %dma_start3A_15 = arith.constant 0 : i32
    %dma_start3A_16 = arith.constant 0 : i32
    %dma_start3A_17 = tpu.memref_slice %arg9[%dma_start3A_13, %dma_start3A_15, %dma_start3A_16] : memref<4x128x64xf32, #tpu.memory_space<vmem>> -> memref<1x128x64xf32, #tpu.memory_space<vmem>>
    %dma_start3A_18 = tpu.memref_squeeze %dma_start3A_17 : memref<1x128x64xf32, #tpu.memory_space<vmem>> -> memref<128x64xf32, #tpu.memory_space<vmem>>
    %dma_start3A_19 = arith.constant 0 : i32
    %dma_start3A_20 = tpu.memref_slice %arg7[%dma_start3A, %dma_start3A_19] : memref<80x128xi32, #tpu.memory_space<vmem>> -> memref<1x128xi32, #tpu.memory_space<vmem>>
    %dma_start3A_21 = tpu.memref_squeeze %dma_start3A_20 : memref<1x128xi32, #tpu.memory_space<vmem>> -> memref<128xi32, #tpu.memory_space<vmem>>
    %dma_start3A_22 = arith.constant 0 : i32
    %dma_start3A_23 = arith.constant 0 : i32
    %dma_start3A_24 = tpu.memref_slice %arg2[%dma_start3A_22, %dma_start3A_23] : memref<10240x64xf32, #tpu.memory_space<hbm>> -> memref<10240x64xf32, #tpu.memory_space<hbm>>
    %dma_start3A_25 = tpu.memref_slice %arg10[%dma_start3A_14] : memref<4x!tpu.dma_semaphore, #tpu.memory_space<semaphore_mem>> -> memref<1x!tpu.dma_semaphore, #tpu.memory_space<semaphore_mem>>
    %dma_start3A_26 = tpu.memref_squeeze %dma_start3A_25 : memref<1x!tpu.dma_semaphore, #tpu.memory_space<semaphore_mem>> -> memref<!tpu.dma_semaphore, #tpu.memory_space<semaphore_mem>>
    tpu.enqueue_indirect_dma source(%dma_start3A_24 : memref<10240x64xf32, #tpu.memory_space<hbm>>) target(%dma_start3A_18 : memref<128x64xf32, #tpu.memory_space<vmem>>) offsets(%dma_start3A_21 : memref<128xi32, #tpu.memory_space<vmem>>) semaphore(%dma_start3A_26 : memref<!tpu.dma_semaphore, #tpu.memory_space<semaphore_mem>>)
    %dma_start3A_27 = arith.constant 1 : i32
    %dma_start3A_28 = arith.constant 1 : i32
    %dma_start3A_29 = arith.constant 1 : i32
    %dma_start3A_30 = arith.constant 0 : i32
    %dma_start3A_31 = arith.constant 0 : i32
    %dma_start3A_32 = tpu.memref_slice %arg9[%dma_start3A_28, %dma_start3A_30, %dma_start3A_31] : memref<4x128x64xf32, #tpu.memory_space<vmem>> -> memref<1x128x64xf32, #tpu.memory_space<vmem>>
    %dma_start3A_33 = tpu.memref_squeeze %dma_start3A_32 : memref<1x128x64xf32, #tpu.memory_space<vmem>> -> memref<128x64xf32, #tpu.memory_space<vmem>>
    %dma_start3A_34 = arith.constant 0 : i32
    %dma_start3A_35 = tpu.memref_slice %arg7[%dma_start3A_27, %dma_start3A_34] : memref<80x128xi32, #tpu.memory_space<vmem>> -> memref<1x128xi32, #tpu.memory_space<vmem>>
    %dma_start3A_36 = tpu.memref_squeeze %dma_start3A_35 : memref<1x128xi32, #tpu.memory_space<vmem>> -> memref<128xi32, #tpu.memory_space<vmem>>
    %dma_start3A_37 = arith.constant 0 : i32
    %dma_start3A_38 = arith.constant 0 : i32
    %dma_start3A_39 = tpu.memref_slice %arg2[%dma_start3A_37, %dma_start3A_38] : memref<10240x64xf32, #tpu.memory_space<hbm>> -> memref<10240x64xf32, #tpu.memory_space<hbm>>
    %dma_start3A_40 = tpu.memref_slice %arg10[%dma_start3A_29] : memref<4x!tpu.dma_semaphore, #tpu.memory_space<semaphore_mem>> -> memref<1x!tpu.dma_semaphore, #tpu.memory_space<semaphore_mem>>
    %dma_start3A_41 = tpu.memref_squeeze %dma_start3A_40 : memref<1x!tpu.dma_semaphore, #tpu.memory_space<semaphore_mem>> -> memref<!tpu.dma_semaphore, #tpu.memory_space<semaphore_mem>>
    tpu.enqueue_indirect_dma source(%dma_start3A_39 : memref<10240x64xf32, #tpu.memory_space<hbm>>) target(%dma_start3A_33 : memref<128x64xf32, #tpu.memory_space<vmem>>) offsets(%dma_start3A_36 : memref<128xi32, #tpu.memory_space<vmem>>) semaphore(%dma_start3A_41 : memref<!tpu.dma_semaphore, #tpu.memory_space<semaphore_mem>>)
    %scan3A_42 = arith.constant 0 : i32
    %scan3A_43 = arith.constant 0 : i32
    %scan3A_44 = arith.constant 20 : i32
    %scan3A_45 = arith.addi %scan3A_43, %scan3A_44 : i32
    %scan3A_46 = arith.constant 1 : i32
    scf.for %scan3A_82 = %scan3A_43 to %scan3A_45 step %scan3A_46  : i32 {
      %mul3A_83 = arith.constant 4 : i32
      %mul3A_84 = arith.muli %scan3A_82, %mul3A_83 : i32
      %add3A_85 = arith.constant 0 : i32
      %add3A_86 = arith.addi %mul3A_84, %add3A_85 : i32
      %dma_wait3A_87 = arith.constant 0 : i32
      %dma_wait3A_88 = arith.constant 0 : i32
      %dma_wait3A_89 = arith.constant 0 : i32
      %dma_wait3A_90 = arith.constant 0 : i32
      %dma_wait3A_91 = tpu.memref_slice %arg9[%dma_wait3A_87, %dma_wait3A_89, %dma_wait3A_90] : memref<4x128x64xf32, #tpu.memory_space<vmem>> -> memref<1x128x64xf32, #tpu.memory_space<vmem>>
      %dma_wait3A_92 = tpu.memref_squeeze %dma_wait3A_91 : memref<1x128x64xf32, #tpu.memory_space<vmem>> -> memref<128x64xf32, #tpu.memory_space<vmem>>
      %dma_wait3A_93 = arith.constant 0 : i32
      %dma_wait3A_94 = tpu.memref_slice %arg7[%add3A_86, %dma_wait3A_93] : memref<80x128xi32, #tpu.memory_space<vmem>> -> memref<1x128xi32, #tpu.memory_space<vmem>>
      %dma_wait3A_95 = tpu.memref_squeeze %dma_wait3A_94 : memref<1x128xi32, #tpu.memory_space<vmem>> -> memref<128xi32, #tpu.memory_space<vmem>>
      %dma_wait3A_96 = arith.constant 0 : i32
      %dma_wait3A_97 = arith.constant 0 : i32
      %dma_wait3A_98 = tpu.memref_slice %arg2[%dma_wait3A_96, %dma_wait3A_97] : memref<10240x64xf32, #tpu.memory_space<hbm>> -> memref<10240x64xf32, #tpu.memory_space<hbm>>
      %dma_wait3A_99 = tpu.memref_slice %arg10[%dma_wait3A_88] : memref<4x!tpu.dma_semaphore, #tpu.memory_space<semaphore_mem>> -> memref<1x!tpu.dma_semaphore, #tpu.memory_space<semaphore_mem>>
      %dma_wait3A_100 = tpu.memref_squeeze %dma_wait3A_99 : memref<1x!tpu.dma_semaphore, #tpu.memory_space<semaphore_mem>> -> memref<!tpu.dma_semaphore, #tpu.memory_space<semaphore_mem>>
      tpu.wait_indirect_dma semaphore(%dma_wait3A_100 : memref<!tpu.dma_semaphore, #tpu.memory_space<semaphore_mem>>) src(%dma_wait3A_98 : memref<10240x64xf32, #tpu.memory_space<hbm>>) dst(%dma_wait3A_92 : memref<128x64xf32, #tpu.memory_space<vmem>>)
      %dma_start3A_101 = arith.constant 0 : i32
      %dma_start3A_102 = arith.constant 0 : i32
      %dma_start3A_103 = arith.constant 0 : i32
      %dma_start3A_104 = arith.constant 0 : i32
      %dma_start3A_105 = tpu.memref_slice %arg9[%dma_start3A_101, %dma_start3A_103, %dma_start3A_104] : memref<4x128x64xf32, #tpu.memory_space<vmem>> -> memref<1x128x64xf32, #tpu.memory_space<vmem>>
      %dma_start3A_106 = tpu.memref_squeeze %dma_start3A_105 : memref<1x128x64xf32, #tpu.memory_space<vmem>> -> memref<128x64xf32, #tpu.memory_space<vmem>>
      %dma_start3A_107 = arith.constant 0 : i32
      %dma_start3A_108 = tpu.memref_slice %arg8[%add3A_86, %dma_start3A_107] : memref<80x128xi32, #tpu.memory_space<vmem>> -> memref<1x128xi32, #tpu.memory_space<vmem>>
      %dma_start3A_109 = tpu.memref_squeeze %dma_start3A_108 : memref<1x128xi32, #tpu.memory_space<vmem>> -> memref<128xi32, #tpu.memory_space<vmem>>
      %dma_start3A_110 = arith.constant 0 : i32
      %dma_start3A_111 = arith.constant 0 : i32
      %dma_start3A_112 = tpu.memref_slice %arg6[%dma_start3A_110, %dma_start3A_111] : memref<10240x64xf32, #tpu.memory_space<vmem_shared>> -> memref<10240x64xf32, #tpu.memory_space<vmem_shared>>
      %dma_start3A_113 = tpu.memref_slice %arg11[%dma_start3A_102] : memref<4x!tpu.dma_semaphore, #tpu.memory_space<semaphore_mem>> -> memref<1x!tpu.dma_semaphore, #tpu.memory_space<semaphore_mem>>
      %dma_start3A_114 = tpu.memref_squeeze %dma_start3A_113 : memref<1x!tpu.dma_semaphore, #tpu.memory_space<semaphore_mem>> -> memref<!tpu.dma_semaphore, #tpu.memory_space<semaphore_mem>>
      tpu.enqueue_indirect_dma source(%dma_start3A_106 : memref<128x64xf32, #tpu.memory_space<vmem>>) target(%dma_start3A_112 : memref<10240x64xf32, #tpu.memory_space<vmem_shared>>) offsets(%dma_start3A_109 : memref<128xi32, #tpu.memory_space<vmem>>) semaphore(%dma_start3A_114 : memref<!tpu.dma_semaphore, #tpu.memory_space<semaphore_mem>>) {add = true}
      %ge3A = arith.constant 2 : i32
      %ge3A_115 = arith.cmpi sge, %add3A_86, %ge3A : i32
      %convert_element_type3A = arith.extui %ge3A_115 : i1 to i32
      %cond3A = arith.constant 0 : i32
      %cond3A_116 = arith.cmpi ne, %convert_element_type3A, %cond3A : i32
      scf.if %cond3A_116 {
        %sub3A = arith.constant 2 : i32
        %sub3A_249 = arith.subi %add3A_86, %sub3A : i32
        %dma_wait3A_250 = arith.constant 2 : i32
        %dma_wait3A_251 = arith.constant 2 : i32
        %dma_wait3A_252 = arith.constant 0 : i32
        %dma_wait3A_253 = arith.constant 0 : i32
        %dma_wait3A_254 = tpu.memref_slice %arg9[%dma_wait3A_250, %dma_wait3A_252, %dma_wait3A_253] : memref<4x128x64xf32, #tpu.memory_space<vmem>> -> memref<1x128x64xf32, #tpu.memory_space<vmem>>
        %dma_wait3A_255 = tpu.memref_squeeze %dma_wait3A_254 : memref<1x128x64xf32, #tpu.memory_space<vmem>> -> memref<128x64xf32, #tpu.memory_space<vmem>>
        %dma_wait3A_256 = arith.constant 0 : i32
        %dma_wait3A_257 = tpu.memref_slice %arg8[%sub3A_249, %dma_wait3A_256] : memref<80x128xi32, #tpu.memory_space<vmem>> -> memref<1x128xi32, #tpu.memory_space<vmem>>
        %dma_wait3A_258 = tpu.memref_squeeze %dma_wait3A_257 : memref<1x128xi32, #tpu.memory_space<vmem>> -> memref<128xi32, #tpu.memory_space<vmem>>
        %dma_wait3A_259 = arith.constant 0 : i32
        %dma_wait3A_260 = arith.constant 0 : i32
        %dma_wait3A_261 = tpu.memref_slice %arg6[%dma_wait3A_259, %dma_wait3A_260] : memref<10240x64xf32, #tpu.memory_space<vmem_shared>> -> memref<10240x64xf32, #tpu.memory_space<vmem_shared>>
        %dma_wait3A_262 = tpu.memref_slice %arg11[%dma_wait3A_251] : memref<4x!tpu.dma_semaphore, #tpu.memory_space<semaphore_mem>> -> memref<1x!tpu.dma_semaphore, #tpu.memory_space<semaphore_mem>>
        %dma_wait3A_263 = tpu.memref_squeeze %dma_wait3A_262 : memref<1x!tpu.dma_semaphore, #tpu.memory_space<semaphore_mem>> -> memref<!tpu.dma_semaphore, #tpu.memory_space<semaphore_mem>>
        tpu.wait_indirect_dma semaphore(%dma_wait3A_263 : memref<!tpu.dma_semaphore, #tpu.memory_space<semaphore_mem>>) src(%dma_wait3A_255 : memref<128x64xf32, #tpu.memory_space<vmem>>) dst(%dma_wait3A_261 : memref<10240x64xf32, #tpu.memory_space<vmem_shared>>)
      } else {
      }
      %add3A_117 = arith.constant 2 : i32
      %add3A_118 = arith.addi %add3A_86, %add3A_117 : i32
      %lt3A = arith.constant 80 : i32
      %lt3A_119 = arith.cmpi slt, %add3A_118, %lt3A : i32
      %convert_element_type3A_120 = arith.extui %lt3A_119 : i1 to i32
      %cond3A_121 = arith.constant 0 : i32
      %cond3A_122 = arith.cmpi ne, %convert_element_type3A_120, %cond3A_121 : i32
      scf.if %cond3A_122 {
        %add3A_249 = arith.constant 2 : i32
        %add3A_250 = arith.addi %add3A_86, %add3A_249 : i32
        %dma_start3A_251 = arith.constant 2 : i32
        %dma_start3A_252 = arith.constant 2 : i32
        %dma_start3A_253 = arith.constant 0 : i32
        %dma_start3A_254 = arith.constant 0 : i32
        %dma_start3A_255 = tpu.memref_slice %arg9[%dma_start3A_251, %dma_start3A_253, %dma_start3A_254] : memref<4x128x64xf32, #tpu.memory_space<vmem>> -> memref<1x128x64xf32, #tpu.memory_space<vmem>>
        %dma_start3A_256 = tpu.memref_squeeze %dma_start3A_255 : memref<1x128x64xf32, #tpu.memory_space<vmem>> -> memref<128x64xf32, #tpu.memory_space<vmem>>
        %dma_start3A_257 = arith.constant 0 : i32
        %dma_start3A_258 = tpu.memref_slice %arg7[%add3A_250, %dma_start3A_257] : memref<80x128xi32, #tpu.memory_space<vmem>> -> memref<1x128xi32, #tpu.memory_space<vmem>>
        %dma_start3A_259 = tpu.memref_squeeze %dma_start3A_258 : memref<1x128xi32, #tpu.memory_space<vmem>> -> memref<128xi32, #tpu.memory_space<vmem>>
        %dma_start3A_260 = arith.constant 0 : i32
        %dma_start3A_261 = arith.constant 0 : i32
        %dma_start3A_262 = tpu.memref_slice %arg2[%dma_start3A_260, %dma_start3A_261] : memref<10240x64xf32, #tpu.memory_space<hbm>> -> memref<10240x64xf32, #tpu.memory_space<hbm>>
        %dma_start3A_263 = tpu.memref_slice %arg10[%dma_start3A_252] : memref<4x!tpu.dma_semaphore, #tpu.memory_space<semaphore_mem>> -> memref<1x!tpu.dma_semaphore, #tpu.memory_space<semaphore_mem>>
        %dma_start3A_264 = tpu.memref_squeeze %dma_start3A_263 : memref<1x!tpu.dma_semaphore, #tpu.memory_space<semaphore_mem>> -> memref<!tpu.dma_semaphore, #tpu.memory_space<semaphore_mem>>
        tpu.enqueue_indirect_dma source(%dma_start3A_262 : memref<10240x64xf32, #tpu.memory_space<hbm>>) target(%dma_start3A_256 : memref<128x64xf32, #tpu.memory_space<vmem>>) offsets(%dma_start3A_259 : memref<128xi32, #tpu.memory_space<vmem>>) semaphore(%dma_start3A_264 : memref<!tpu.dma_semaphore, #tpu.memory_space<semaphore_mem>>)
      } else {
      }
      %add3A_123 = arith.constant 1 : i32
      %add3A_124 = arith.addi %mul3A_84, %add3A_123 : i32
      %dma_wait3A_125 = arith.constant 1 : i32
      %dma_wait3A_126 = arith.constant 1 : i32
      %dma_wait3A_127 = arith.constant 0 : i32
      %dma_wait3A_128 = arith.constant 0 : i32
      %dma_wait3A_129 = tpu.memref_slice %arg9[%dma_wait3A_125, %dma_wait3A_127, %dma_wait3A_128] : memref<4x128x64xf32, #tpu.memory_space<vmem>> -> memref<1x128x64xf32, #tpu.memory_space<vmem>>
      %dma_wait3A_130 = tpu.memref_squeeze %dma_wait3A_129 : memref<1x128x64xf32, #tpu.memory_space<vmem>> -> memref<128x64xf32, #tpu.memory_space<vmem>>
      %dma_wait3A_131 = arith.constant 0 : i32
      %dma_wait3A_132 = tpu.memref_slice %arg7[%add3A_124, %dma_wait3A_131] : memref<80x128xi32, #tpu.memory_space<vmem>> -> memref<1x128xi32, #tpu.memory_space<vmem>>
      %dma_wait3A_133 = tpu.memref_squeeze %dma_wait3A_132 : memref<1x128xi32, #tpu.memory_space<vmem>> -> memref<128xi32, #tpu.memory_space<vmem>>
      %dma_wait3A_134 = arith.constant 0 : i32
      %dma_wait3A_135 = arith.constant 0 : i32
      %dma_wait3A_136 = tpu.memref_slice %arg2[%dma_wait3A_134, %dma_wait3A_135] : memref<10240x64xf32, #tpu.memory_space<hbm>> -> memref<10240x64xf32, #tpu.memory_space<hbm>>
      %dma_wait3A_137 = tpu.memref_slice %arg10[%dma_wait3A_126] : memref<4x!tpu.dma_semaphore, #tpu.memory_space<semaphore_mem>> -> memref<1x!tpu.dma_semaphore, #tpu.memory_space<semaphore_mem>>
      %dma_wait3A_138 = tpu.memref_squeeze %dma_wait3A_137 : memref<1x!tpu.dma_semaphore, #tpu.memory_space<semaphore_mem>> -> memref<!tpu.dma_semaphore, #tpu.memory_space<semaphore_mem>>
      tpu.wait_indirect_dma semaphore(%dma_wait3A_138 : memref<!tpu.dma_semaphore, #tpu.memory_space<semaphore_mem>>) src(%dma_wait3A_136 : memref<10240x64xf32, #tpu.memory_space<hbm>>) dst(%dma_wait3A_130 : memref<128x64xf32, #tpu.memory_space<vmem>>)
      %dma_start3A_139 = arith.constant 1 : i32
      %dma_start3A_140 = arith.constant 1 : i32
      %dma_start3A_141 = arith.constant 0 : i32
      %dma_start3A_142 = arith.constant 0 : i32
      %dma_start3A_143 = tpu.memref_slice %arg9[%dma_start3A_139, %dma_start3A_141, %dma_start3A_142] : memref<4x128x64xf32, #tpu.memory_space<vmem>> -> memref<1x128x64xf32, #tpu.memory_space<vmem>>
      %dma_start3A_144 = tpu.memref_squeeze %dma_start3A_143 : memref<1x128x64xf32, #tpu.memory_space<vmem>> -> memref<128x64xf32, #tpu.memory_space<vmem>>
      %dma_start3A_145 = arith.constant 0 : i32
      %dma_start3A_146 = tpu.memref_slice %arg8[%add3A_124, %dma_start3A_145] : memref<80x128xi32, #tpu.memory_space<vmem>> -> memref<1x128xi32, #tpu.memory_space<vmem>>
      %dma_start3A_147 = tpu.memref_squeeze %dma_start3A_146 : memref<1x128xi32, #tpu.memory_space<vmem>> -> memref<128xi32, #tpu.memory_space<vmem>>
      %dma_start3A_148 = arith.constant 0 : i32
      %dma_start3A_149 = arith.constant 0 : i32
      %dma_start3A_150 = tpu.memref_slice %arg6[%dma_start3A_148, %dma_start3A_149] : memref<10240x64xf32, #tpu.memory_space<vmem_shared>> -> memref<10240x64xf32, #tpu.memory_space<vmem_shared>>
      %dma_start3A_151 = tpu.memref_slice %arg11[%dma_start3A_140] : memref<4x!tpu.dma_semaphore, #tpu.memory_space<semaphore_mem>> -> memref<1x!tpu.dma_semaphore, #tpu.memory_space<semaphore_mem>>
      %dma_start3A_152 = tpu.memref_squeeze %dma_start3A_151 : memref<1x!tpu.dma_semaphore, #tpu.memory_space<semaphore_mem>> -> memref<!tpu.dma_semaphore, #tpu.memory_space<semaphore_mem>>
      tpu.enqueue_indirect_dma source(%dma_start3A_144 : memref<128x64xf32, #tpu.memory_space<vmem>>) target(%dma_start3A_150 : memref<10240x64xf32, #tpu.memory_space<vmem_shared>>) offsets(%dma_start3A_147 : memref<128xi32, #tpu.memory_space<vmem>>) semaphore(%dma_start3A_152 : memref<!tpu.dma_semaphore, #tpu.memory_space<semaphore_mem>>) {add = true}
      %ge3A_153 = arith.constant 2 : i32
      %ge3A_154 = arith.cmpi sge, %add3A_124, %ge3A_153 : i32
      %convert_element_type3A_155 = arith.extui %ge3A_154 : i1 to i32
      %cond3A_156 = arith.constant 0 : i32
      %cond3A_157 = arith.cmpi ne, %convert_element_type3A_155, %cond3A_156 : i32
      scf.if %cond3A_157 {
        %sub3A = arith.constant 2 : i32
        %sub3A_249 = arith.subi %add3A_124, %sub3A : i32
        %dma_wait3A_250 = arith.constant 3 : i32
        %dma_wait3A_251 = arith.constant 3 : i32
        %dma_wait3A_252 = arith.constant 0 : i32
        %dma_wait3A_253 = arith.constant 0 : i32
        %dma_wait3A_254 = tpu.memref_slice %arg9[%dma_wait3A_250, %dma_wait3A_252, %dma_wait3A_253] : memref<4x128x64xf32, #tpu.memory_space<vmem>> -> memref<1x128x64xf32, #tpu.memory_space<vmem>>
        %dma_wait3A_255 = tpu.memref_squeeze %dma_wait3A_254 : memref<1x128x64xf32, #tpu.memory_space<vmem>> -> memref<128x64xf32, #tpu.memory_space<vmem>>
        %dma_wait3A_256 = arith.constant 0 : i32
        %dma_wait3A_257 = tpu.memref_slice %arg8[%sub3A_249, %dma_wait3A_256] : memref<80x128xi32, #tpu.memory_space<vmem>> -> memref<1x128xi32, #tpu.memory_space<vmem>>
        %dma_wait3A_258 = tpu.memref_squeeze %dma_wait3A_257 : memref<1x128xi32, #tpu.memory_space<vmem>> -> memref<128xi32, #tpu.memory_space<vmem>>
        %dma_wait3A_259 = arith.constant 0 : i32
        %dma_wait3A_260 = arith.constant 0 : i32
        %dma_wait3A_261 = tpu.memref_slice %arg6[%dma_wait3A_259, %dma_wait3A_260] : memref<10240x64xf32, #tpu.memory_space<vmem_shared>> -> memref<10240x64xf32, #tpu.memory_space<vmem_shared>>
        %dma_wait3A_262 = tpu.memref_slice %arg11[%dma_wait3A_251] : memref<4x!tpu.dma_semaphore, #tpu.memory_space<semaphore_mem>> -> memref<1x!tpu.dma_semaphore, #tpu.memory_space<semaphore_mem>>
        %dma_wait3A_263 = tpu.memref_squeeze %dma_wait3A_262 : memref<1x!tpu.dma_semaphore, #tpu.memory_space<semaphore_mem>> -> memref<!tpu.dma_semaphore, #tpu.memory_space<semaphore_mem>>
        tpu.wait_indirect_dma semaphore(%dma_wait3A_263 : memref<!tpu.dma_semaphore, #tpu.memory_space<semaphore_mem>>) src(%dma_wait3A_255 : memref<128x64xf32, #tpu.memory_space<vmem>>) dst(%dma_wait3A_261 : memref<10240x64xf32, #tpu.memory_space<vmem_shared>>)
      } else {
      }
      %add3A_158 = arith.constant 2 : i32
      %add3A_159 = arith.addi %add3A_124, %add3A_158 : i32
      %lt3A_160 = arith.constant 80 : i32
      %lt3A_161 = arith.cmpi slt, %add3A_159, %lt3A_160 : i32
      %convert_element_type3A_162 = arith.extui %lt3A_161 : i1 to i32
      %cond3A_163 = arith.constant 0 : i32
      %cond3A_164 = arith.cmpi ne, %convert_element_type3A_162, %cond3A_163 : i32
      scf.if %cond3A_164 {
        %add3A_249 = arith.constant 2 : i32
        %add3A_250 = arith.addi %add3A_124, %add3A_249 : i32
        %dma_start3A_251 = arith.constant 3 : i32
        %dma_start3A_252 = arith.constant 3 : i32
        %dma_start3A_253 = arith.constant 0 : i32
        %dma_start3A_254 = arith.constant 0 : i32
        %dma_start3A_255 = tpu.memref_slice %arg9[%dma_start3A_251, %dma_start3A_253, %dma_start3A_254] : memref<4x128x64xf32, #tpu.memory_space<vmem>> -> memref<1x128x64xf32, #tpu.memory_space<vmem>>
        %dma_start3A_256 = tpu.memref_squeeze %dma_start3A_255 : memref<1x128x64xf32, #tpu.memory_space<vmem>> -> memref<128x64xf32, #tpu.memory_space<vmem>>
        %dma_start3A_257 = arith.constant 0 : i32
        %dma_start3A_258 = tpu.memref_slice %arg7[%add3A_250, %dma_start3A_257] : memref<80x128xi32, #tpu.memory_space<vmem>> -> memref<1x128xi32, #tpu.memory_space<vmem>>
        %dma_start3A_259 = tpu.memref_squeeze %dma_start3A_258 : memref<1x128xi32, #tpu.memory_space<vmem>> -> memref<128xi32, #tpu.memory_space<vmem>>
        %dma_start3A_260 = arith.constant 0 : i32
        %dma_start3A_261 = arith.constant 0 : i32
        %dma_start3A_262 = tpu.memref_slice %arg2[%dma_start3A_260, %dma_start3A_261] : memref<10240x64xf32, #tpu.memory_space<hbm>> -> memref<10240x64xf32, #tpu.memory_space<hbm>>
        %dma_start3A_263 = tpu.memref_slice %arg10[%dma_start3A_252] : memref<4x!tpu.dma_semaphore, #tpu.memory_space<semaphore_mem>> -> memref<1x!tpu.dma_semaphore, #tpu.memory_space<semaphore_mem>>
        %dma_start3A_264 = tpu.memref_squeeze %dma_start3A_263 : memref<1x!tpu.dma_semaphore, #tpu.memory_space<semaphore_mem>> -> memref<!tpu.dma_semaphore, #tpu.memory_space<semaphore_mem>>
        tpu.enqueue_indirect_dma source(%dma_start3A_262 : memref<10240x64xf32, #tpu.memory_space<hbm>>) target(%dma_start3A_256 : memref<128x64xf32, #tpu.memory_space<vmem>>) offsets(%dma_start3A_259 : memref<128xi32, #tpu.memory_space<vmem>>) semaphore(%dma_start3A_264 : memref<!tpu.dma_semaphore, #tpu.memory_space<semaphore_mem>>)
      } else {
      }
      %add3A_165 = arith.constant 2 : i32
      %add3A_166 = arith.addi %mul3A_84, %add3A_165 : i32
      %dma_wait3A_167 = arith.constant 2 : i32
      %dma_wait3A_168 = arith.constant 2 : i32
      %dma_wait3A_169 = arith.constant 0 : i32
      %dma_wait3A_170 = arith.constant 0 : i32
      %dma_wait3A_171 = tpu.memref_slice %arg9[%dma_wait3A_167, %dma_wait3A_169, %dma_wait3A_170] : memref<4x128x64xf32, #tpu.memory_space<vmem>> -> memref<1x128x64xf32, #tpu.memory_space<vmem>>
      %dma_wait3A_172 = tpu.memref_squeeze %dma_wait3A_171 : memref<1x128x64xf32, #tpu.memory_space<vmem>> -> memref<128x64xf32, #tpu.memory_space<vmem>>
      %dma_wait3A_173 = arith.constant 0 : i32
      %dma_wait3A_174 = tpu.memref_slice %arg7[%add3A_166, %dma_wait3A_173] : memref<80x128xi32, #tpu.memory_space<vmem>> -> memref<1x128xi32, #tpu.memory_space<vmem>>
      %dma_wait3A_175 = tpu.memref_squeeze %dma_wait3A_174 : memref<1x128xi32, #tpu.memory_space<vmem>> -> memref<128xi32, #tpu.memory_space<vmem>>
      %dma_wait3A_176 = arith.constant 0 : i32
      %dma_wait3A_177 = arith.constant 0 : i32
      %dma_wait3A_178 = tpu.memref_slice %arg2[%dma_wait3A_176, %dma_wait3A_177] : memref<10240x64xf32, #tpu.memory_space<hbm>> -> memref<10240x64xf32, #tpu.memory_space<hbm>>
      %dma_wait3A_179 = tpu.memref_slice %arg10[%dma_wait3A_168] : memref<4x!tpu.dma_semaphore, #tpu.memory_space<semaphore_mem>> -> memref<1x!tpu.dma_semaphore, #tpu.memory_space<semaphore_mem>>
      %dma_wait3A_180 = tpu.memref_squeeze %dma_wait3A_179 : memref<1x!tpu.dma_semaphore, #tpu.memory_space<semaphore_mem>> -> memref<!tpu.dma_semaphore, #tpu.memory_space<semaphore_mem>>
      tpu.wait_indirect_dma semaphore(%dma_wait3A_180 : memref<!tpu.dma_semaphore, #tpu.memory_space<semaphore_mem>>) src(%dma_wait3A_178 : memref<10240x64xf32, #tpu.memory_space<hbm>>) dst(%dma_wait3A_172 : memref<128x64xf32, #tpu.memory_space<vmem>>)
      %dma_start3A_181 = arith.constant 2 : i32
      %dma_start3A_182 = arith.constant 2 : i32
      %dma_start3A_183 = arith.constant 0 : i32
      %dma_start3A_184 = arith.constant 0 : i32
      %dma_start3A_185 = tpu.memref_slice %arg9[%dma_start3A_181, %dma_start3A_183, %dma_start3A_184] : memref<4x128x64xf32, #tpu.memory_space<vmem>> -> memref<1x128x64xf32, #tpu.memory_space<vmem>>
      %dma_start3A_186 = tpu.memref_squeeze %dma_start3A_185 : memref<1x128x64xf32, #tpu.memory_space<vmem>> -> memref<128x64xf32, #tpu.memory_space<vmem>>
      %dma_start3A_187 = arith.constant 0 : i32
      %dma_start3A_188 = tpu.memref_slice %arg8[%add3A_166, %dma_start3A_187] : memref<80x128xi32, #tpu.memory_space<vmem>> -> memref<1x128xi32, #tpu.memory_space<vmem>>
      %dma_start3A_189 = tpu.memref_squeeze %dma_start3A_188 : memref<1x128xi32, #tpu.memory_space<vmem>> -> memref<128xi32, #tpu.memory_space<vmem>>
      %dma_start3A_190 = arith.constant 0 : i32
      %dma_start3A_191 = arith.constant 0 : i32
      %dma_start3A_192 = tpu.memref_slice %arg6[%dma_start3A_190, %dma_start3A_191] : memref<10240x64xf32, #tpu.memory_space<vmem_shared>> -> memref<10240x64xf32, #tpu.memory_space<vmem_shared>>
      %dma_start3A_193 = tpu.memref_slice %arg11[%dma_start3A_182] : memref<4x!tpu.dma_semaphore, #tpu.memory_space<semaphore_mem>> -> memref<1x!tpu.dma_semaphore, #tpu.memory_space<semaphore_mem>>
      %dma_start3A_194 = tpu.memref_squeeze %dma_start3A_193 : memref<1x!tpu.dma_semaphore, #tpu.memory_space<semaphore_mem>> -> memref<!tpu.dma_semaphore, #tpu.memory_space<semaphore_mem>>
      tpu.enqueue_indirect_dma source(%dma_start3A_186 : memref<128x64xf32, #tpu.memory_space<vmem>>) target(%dma_start3A_192 : memref<10240x64xf32, #tpu.memory_space<vmem_shared>>) offsets(%dma_start3A_189 : memref<128xi32, #tpu.memory_space<vmem>>) semaphore(%dma_start3A_194 : memref<!tpu.dma_semaphore, #tpu.memory_space<semaphore_mem>>) {add = true}
      %ge3A_195 = arith.constant 2 : i32
      %ge3A_196 = arith.cmpi sge, %add3A_166, %ge3A_195 : i32
      %convert_element_type3A_197 = arith.extui %ge3A_196 : i1 to i32
      %cond3A_198 = arith.constant 0 : i32
      %cond3A_199 = arith.cmpi ne, %convert_element_type3A_197, %cond3A_198 : i32
      scf.if %cond3A_199 {
        %sub3A = arith.constant 2 : i32
        %sub3A_249 = arith.subi %add3A_166, %sub3A : i32
        %dma_wait3A_250 = arith.constant 0 : i32
        %dma_wait3A_251 = arith.constant 0 : i32
        %dma_wait3A_252 = arith.constant 0 : i32
        %dma_wait3A_253 = arith.constant 0 : i32
        %dma_wait3A_254 = tpu.memref_slice %arg9[%dma_wait3A_250, %dma_wait3A_252, %dma_wait3A_253] : memref<4x128x64xf32, #tpu.memory_space<vmem>> -> memref<1x128x64xf32, #tpu.memory_space<vmem>>
        %dma_wait3A_255 = tpu.memref_squeeze %dma_wait3A_254 : memref<1x128x64xf32, #tpu.memory_space<vmem>> -> memref<128x64xf32, #tpu.memory_space<vmem>>
        %dma_wait3A_256 = arith.constant 0 : i32
        %dma_wait3A_257 = tpu.memref_slice %arg8[%sub3A_249, %dma_wait3A_256] : memref<80x128xi32, #tpu.memory_space<vmem>> -> memref<1x128xi32, #tpu.memory_space<vmem>>
        %dma_wait3A_258 = tpu.memref_squeeze %dma_wait3A_257 : memref<1x128xi32, #tpu.memory_space<vmem>> -> memref<128xi32, #tpu.memory_space<vmem>>
        %dma_wait3A_259 = arith.constant 0 : i32
        %dma_wait3A_260 = arith.constant 0 : i32
        %dma_wait3A_261 = tpu.memref_slice %arg6[%dma_wait3A_259, %dma_wait3A_260] : memref<10240x64xf32, #tpu.memory_space<vmem_shared>> -> memref<10240x64xf32, #tpu.memory_space<vmem_shared>>
        %dma_wait3A_262 = tpu.memref_slice %arg11[%dma_wait3A_251] : memref<4x!tpu.dma_semaphore, #tpu.memory_space<semaphore_mem>> -> memref<1x!tpu.dma_semaphore, #tpu.memory_space<semaphore_mem>>
        %dma_wait3A_263 = tpu.memref_squeeze %dma_wait3A_262 : memref<1x!tpu.dma_semaphore, #tpu.memory_space<semaphore_mem>> -> memref<!tpu.dma_semaphore, #tpu.memory_space<semaphore_mem>>
        tpu.wait_indirect_dma semaphore(%dma_wait3A_263 : memref<!tpu.dma_semaphore, #tpu.memory_space<semaphore_mem>>) src(%dma_wait3A_255 : memref<128x64xf32, #tpu.memory_space<vmem>>) dst(%dma_wait3A_261 : memref<10240x64xf32, #tpu.memory_space<vmem_shared>>)
      } else {
      }
      %add3A_200 = arith.constant 2 : i32
      %add3A_201 = arith.addi %add3A_166, %add3A_200 : i32
      %lt3A_202 = arith.constant 80 : i32
      %lt3A_203 = arith.cmpi slt, %add3A_201, %lt3A_202 : i32
      %convert_element_type3A_204 = arith.extui %lt3A_203 : i1 to i32
      %cond3A_205 = arith.constant 0 : i32
      %cond3A_206 = arith.cmpi ne, %convert_element_type3A_204, %cond3A_205 : i32
      scf.if %cond3A_206 {
        %add3A_249 = arith.constant 2 : i32
        %add3A_250 = arith.addi %add3A_166, %add3A_249 : i32
        %dma_start3A_251 = arith.constant 0 : i32
        %dma_start3A_252 = arith.constant 0 : i32
        %dma_start3A_253 = arith.constant 0 : i32
        %dma_start3A_254 = arith.constant 0 : i32
        %dma_start3A_255 = tpu.memref_slice %arg9[%dma_start3A_251, %dma_start3A_253, %dma_start3A_254] : memref<4x128x64xf32, #tpu.memory_space<vmem>> -> memref<1x128x64xf32, #tpu.memory_space<vmem>>
        %dma_start3A_256 = tpu.memref_squeeze %dma_start3A_255 : memref<1x128x64xf32, #tpu.memory_space<vmem>> -> memref<128x64xf32, #tpu.memory_space<vmem>>
        %dma_start3A_257 = arith.constant 0 : i32
        %dma_start3A_258 = tpu.memref_slice %arg7[%add3A_250, %dma_start3A_257] : memref<80x128xi32, #tpu.memory_space<vmem>> -> memref<1x128xi32, #tpu.memory_space<vmem>>
        %dma_start3A_259 = tpu.memref_squeeze %dma_start3A_258 : memref<1x128xi32, #tpu.memory_space<vmem>> -> memref<128xi32, #tpu.memory_space<vmem>>
        %dma_start3A_260 = arith.constant 0 : i32
        %dma_start3A_261 = arith.constant 0 : i32
        %dma_start3A_262 = tpu.memref_slice %arg2[%dma_start3A_260, %dma_start3A_261] : memref<10240x64xf32, #tpu.memory_space<hbm>> -> memref<10240x64xf32, #tpu.memory_space<hbm>>
        %dma_start3A_263 = tpu.memref_slice %arg10[%dma_start3A_252] : memref<4x!tpu.dma_semaphore, #tpu.memory_space<semaphore_mem>> -> memref<1x!tpu.dma_semaphore, #tpu.memory_space<semaphore_mem>>
        %dma_start3A_264 = tpu.memref_squeeze %dma_start3A_263 : memref<1x!tpu.dma_semaphore, #tpu.memory_space<semaphore_mem>> -> memref<!tpu.dma_semaphore, #tpu.memory_space<semaphore_mem>>
        tpu.enqueue_indirect_dma source(%dma_start3A_262 : memref<10240x64xf32, #tpu.memory_space<hbm>>) target(%dma_start3A_256 : memref<128x64xf32, #tpu.memory_space<vmem>>) offsets(%dma_start3A_259 : memref<128xi32, #tpu.memory_space<vmem>>) semaphore(%dma_start3A_264 : memref<!tpu.dma_semaphore, #tpu.memory_space<semaphore_mem>>)
      } else {
      }
      %add3A_207 = arith.constant 3 : i32
      %add3A_208 = arith.addi %mul3A_84, %add3A_207 : i32
      %dma_wait3A_209 = arith.constant 3 : i32
      %dma_wait3A_210 = arith.constant 3 : i32
      %dma_wait3A_211 = arith.constant 0 : i32
      %dma_wait3A_212 = arith.constant 0 : i32
      %dma_wait3A_213 = tpu.memref_slice %arg9[%dma_wait3A_209, %dma_wait3A_211, %dma_wait3A_212] : memref<4x128x64xf32, #tpu.memory_space<vmem>> -> memref<1x128x64xf32, #tpu.memory_space<vmem>>
      %dma_wait3A_214 = tpu.memref_squeeze %dma_wait3A_213 : memref<1x128x64xf32, #tpu.memory_space<vmem>> -> memref<128x64xf32, #tpu.memory_space<vmem>>
      %dma_wait3A_215 = arith.constant 0 : i32
      %dma_wait3A_216 = tpu.memref_slice %arg7[%add3A_208, %dma_wait3A_215] : memref<80x128xi32, #tpu.memory_space<vmem>> -> memref<1x128xi32, #tpu.memory_space<vmem>>
      %dma_wait3A_217 = tpu.memref_squeeze %dma_wait3A_216 : memref<1x128xi32, #tpu.memory_space<vmem>> -> memref<128xi32, #tpu.memory_space<vmem>>
      %dma_wait3A_218 = arith.constant 0 : i32
      %dma_wait3A_219 = arith.constant 0 : i32
      %dma_wait3A_220 = tpu.memref_slice %arg2[%dma_wait3A_218, %dma_wait3A_219] : memref<10240x64xf32, #tpu.memory_space<hbm>> -> memref<10240x64xf32, #tpu.memory_space<hbm>>
      %dma_wait3A_221 = tpu.memref_slice %arg10[%dma_wait3A_210] : memref<4x!tpu.dma_semaphore, #tpu.memory_space<semaphore_mem>> -> memref<1x!tpu.dma_semaphore, #tpu.memory_space<semaphore_mem>>
      %dma_wait3A_222 = tpu.memref_squeeze %dma_wait3A_221 : memref<1x!tpu.dma_semaphore, #tpu.memory_space<semaphore_mem>> -> memref<!tpu.dma_semaphore, #tpu.memory_space<semaphore_mem>>
      tpu.wait_indirect_dma semaphore(%dma_wait3A_222 : memref<!tpu.dma_semaphore, #tpu.memory_space<semaphore_mem>>) src(%dma_wait3A_220 : memref<10240x64xf32, #tpu.memory_space<hbm>>) dst(%dma_wait3A_214 : memref<128x64xf32, #tpu.memory_space<vmem>>)
      %dma_start3A_223 = arith.constant 3 : i32
      %dma_start3A_224 = arith.constant 3 : i32
      %dma_start3A_225 = arith.constant 0 : i32
      %dma_start3A_226 = arith.constant 0 : i32
      %dma_start3A_227 = tpu.memref_slice %arg9[%dma_start3A_223, %dma_start3A_225, %dma_start3A_226] : memref<4x128x64xf32, #tpu.memory_space<vmem>> -> memref<1x128x64xf32, #tpu.memory_space<vmem>>
      %dma_start3A_228 = tpu.memref_squeeze %dma_start3A_227 : memref<1x128x64xf32, #tpu.memory_space<vmem>> -> memref<128x64xf32, #tpu.memory_space<vmem>>
      %dma_start3A_229 = arith.constant 0 : i32
      %dma_start3A_230 = tpu.memref_slice %arg8[%add3A_208, %dma_start3A_229] : memref<80x128xi32, #tpu.memory_space<vmem>> -> memref<1x128xi32, #tpu.memory_space<vmem>>
      %dma_start3A_231 = tpu.memref_squeeze %dma_start3A_230 : memref<1x128xi32, #tpu.memory_space<vmem>> -> memref<128xi32, #tpu.memory_space<vmem>>
      %dma_start3A_232 = arith.constant 0 : i32
      %dma_start3A_233 = arith.constant 0 : i32
      %dma_start3A_234 = tpu.memref_slice %arg6[%dma_start3A_232, %dma_start3A_233] : memref<10240x64xf32, #tpu.memory_space<vmem_shared>> -> memref<10240x64xf32, #tpu.memory_space<vmem_shared>>
      %dma_start3A_235 = tpu.memref_slice %arg11[%dma_start3A_224] : memref<4x!tpu.dma_semaphore, #tpu.memory_space<semaphore_mem>> -> memref<1x!tpu.dma_semaphore, #tpu.memory_space<semaphore_mem>>
      %dma_start3A_236 = tpu.memref_squeeze %dma_start3A_235 : memref<1x!tpu.dma_semaphore, #tpu.memory_space<semaphore_mem>> -> memref<!tpu.dma_semaphore, #tpu.memory_space<semaphore_mem>>
      tpu.enqueue_indirect_dma source(%dma_start3A_228 : memref<128x64xf32, #tpu.memory_space<vmem>>) target(%dma_start3A_234 : memref<10240x64xf32, #tpu.memory_space<vmem_shared>>) offsets(%dma_start3A_231 : memref<128xi32, #tpu.memory_space<vmem>>) semaphore(%dma_start3A_236 : memref<!tpu.dma_semaphore, #tpu.memory_space<semaphore_mem>>) {add = true}
      %ge3A_237 = arith.constant 2 : i32
      %ge3A_238 = arith.cmpi sge, %add3A_208, %ge3A_237 : i32
      %convert_element_type3A_239 = arith.extui %ge3A_238 : i1 to i32
      %cond3A_240 = arith.constant 0 : i32
      %cond3A_241 = arith.cmpi ne, %convert_element_type3A_239, %cond3A_240 : i32
      scf.if %cond3A_241 {
        %sub3A = arith.constant 2 : i32
        %sub3A_249 = arith.subi %add3A_208, %sub3A : i32
        %dma_wait3A_250 = arith.constant 1 : i32
        %dma_wait3A_251 = arith.constant 1 : i32
        %dma_wait3A_252 = arith.constant 0 : i32
        %dma_wait3A_253 = arith.constant 0 : i32
        %dma_wait3A_254 = tpu.memref_slice %arg9[%dma_wait3A_250, %dma_wait3A_252, %dma_wait3A_253] : memref<4x128x64xf32, #tpu.memory_space<vmem>> -> memref<1x128x64xf32, #tpu.memory_space<vmem>>
        %dma_wait3A_255 = tpu.memref_squeeze %dma_wait3A_254 : memref<1x128x64xf32, #tpu.memory_space<vmem>> -> memref<128x64xf32, #tpu.memory_space<vmem>>
        %dma_wait3A_256 = arith.constant 0 : i32
        %dma_wait3A_257 = tpu.memref_slice %arg8[%sub3A_249, %dma_wait3A_256] : memref<80x128xi32, #tpu.memory_space<vmem>> -> memref<1x128xi32, #tpu.memory_space<vmem>>
        %dma_wait3A_258 = tpu.memref_squeeze %dma_wait3A_257 : memref<1x128xi32, #tpu.memory_space<vmem>> -> memref<128xi32, #tpu.memory_space<vmem>>
        %dma_wait3A_259 = arith.constant 0 : i32
        %dma_wait3A_260 = arith.constant 0 : i32
        %dma_wait3A_261 = tpu.memref_slice %arg6[%dma_wait3A_259, %dma_wait3A_260] : memref<10240x64xf32, #tpu.memory_space<vmem_shared>> -> memref<10240x64xf32, #tpu.memory_space<vmem_shared>>
        %dma_wait3A_262 = tpu.memref_slice %arg11[%dma_wait3A_251] : memref<4x!tpu.dma_semaphore, #tpu.memory_space<semaphore_mem>> -> memref<1x!tpu.dma_semaphore, #tpu.memory_space<semaphore_mem>>
        %dma_wait3A_263 = tpu.memref_squeeze %dma_wait3A_262 : memref<1x!tpu.dma_semaphore, #tpu.memory_space<semaphore_mem>> -> memref<!tpu.dma_semaphore, #tpu.memory_space<semaphore_mem>>
        tpu.wait_indirect_dma semaphore(%dma_wait3A_263 : memref<!tpu.dma_semaphore, #tpu.memory_space<semaphore_mem>>) src(%dma_wait3A_255 : memref<128x64xf32, #tpu.memory_space<vmem>>) dst(%dma_wait3A_261 : memref<10240x64xf32, #tpu.memory_space<vmem_shared>>)
      } else {
      }
      %add3A_242 = arith.constant 2 : i32
      %add3A_243 = arith.addi %add3A_208, %add3A_242 : i32
      %lt3A_244 = arith.constant 80 : i32
      %lt3A_245 = arith.cmpi slt, %add3A_243, %lt3A_244 : i32
      %convert_element_type3A_246 = arith.extui %lt3A_245 : i1 to i32
      %cond3A_247 = arith.constant 0 : i32
      %cond3A_248 = arith.cmpi ne, %convert_element_type3A_246, %cond3A_247 : i32
      scf.if %cond3A_248 {
        %add3A_249 = arith.constant 2 : i32
        %add3A_250 = arith.addi %add3A_208, %add3A_249 : i32
        %dma_start3A_251 = arith.constant 1 : i32
        %dma_start3A_252 = arith.constant 1 : i32
        %dma_start3A_253 = arith.constant 0 : i32
        %dma_start3A_254 = arith.constant 0 : i32
        %dma_start3A_255 = tpu.memref_slice %arg9[%dma_start3A_251, %dma_start3A_253, %dma_start3A_254] : memref<4x128x64xf32, #tpu.memory_space<vmem>> -> memref<1x128x64xf32, #tpu.memory_space<vmem>>
        %dma_start3A_256 = tpu.memref_squeeze %dma_start3A_255 : memref<1x128x64xf32, #tpu.memory_space<vmem>> -> memref<128x64xf32, #tpu.memory_space<vmem>>
        %dma_start3A_257 = arith.constant 0 : i32
        %dma_start3A_258 = tpu.memref_slice %arg7[%add3A_250, %dma_start3A_257] : memref<80x128xi32, #tpu.memory_space<vmem>> -> memref<1x128xi32, #tpu.memory_space<vmem>>
        %dma_start3A_259 = tpu.memref_squeeze %dma_start3A_258 : memref<1x128xi32, #tpu.memory_space<vmem>> -> memref<128xi32, #tpu.memory_space<vmem>>
        %dma_start3A_260 = arith.constant 0 : i32
        %dma_start3A_261 = arith.constant 0 : i32
        %dma_start3A_262 = tpu.memref_slice %arg2[%dma_start3A_260, %dma_start3A_261] : memref<10240x64xf32, #tpu.memory_space<hbm>> -> memref<10240x64xf32, #tpu.memory_space<hbm>>
        %dma_start3A_263 = tpu.memref_slice %arg10[%dma_start3A_252] : memref<4x!tpu.dma_semaphore, #tpu.memory_space<semaphore_mem>> -> memref<1x!tpu.dma_semaphore, #tpu.memory_space<semaphore_mem>>
        %dma_start3A_264 = tpu.memref_squeeze %dma_start3A_263 : memref<1x!tpu.dma_semaphore, #tpu.memory_space<semaphore_mem>> -> memref<!tpu.dma_semaphore, #tpu.memory_space<semaphore_mem>>
        tpu.enqueue_indirect_dma source(%dma_start3A_262 : memref<10240x64xf32, #tpu.memory_space<hbm>>) target(%dma_start3A_256 : memref<128x64xf32, #tpu.memory_space<vmem>>) offsets(%dma_start3A_259 : memref<128xi32, #tpu.memory_space<vmem>>) semaphore(%dma_start3A_264 : memref<!tpu.dma_semaphore, #tpu.memory_space<semaphore_mem>>)
      } else {
      }
    }
    %scan3A_47 = arith.constant 20 : i32
    %dma_wait3A = arith.constant 2 : i32
    %dma_wait3A_48 = arith.constant 78 : i32
    %dma_wait3A_49 = arith.constant 2 : i32
    %dma_wait3A_50 = arith.constant 0 : i32
    %dma_wait3A_51 = arith.constant 0 : i32
    %dma_wait3A_52 = tpu.memref_slice %arg9[%dma_wait3A, %dma_wait3A_50, %dma_wait3A_51] : memref<4x128x64xf32, #tpu.memory_space<vmem>> -> memref<1x128x64xf32, #tpu.memory_space<vmem>>
    %dma_wait3A_53 = tpu.memref_squeeze %dma_wait3A_52 : memref<1x128x64xf32, #tpu.memory_space<vmem>> -> memref<128x64xf32, #tpu.memory_space<vmem>>
    %dma_wait3A_54 = arith.constant 0 : i32
    %dma_wait3A_55 = tpu.memref_slice %arg8[%dma_wait3A_48, %dma_wait3A_54] : memref<80x128xi32, #tpu.memory_space<vmem>> -> memref<1x128xi32, #tpu.memory_space<vmem>>
    %dma_wait3A_56 = tpu.memref_squeeze %dma_wait3A_55 : memref<1x128xi32, #tpu.memory_space<vmem>> -> memref<128xi32, #tpu.memory_space<vmem>>
    %dma_wait3A_57 = arith.constant 0 : i32
    %dma_wait3A_58 = arith.constant 0 : i32
    %dma_wait3A_59 = tpu.memref_slice %arg6[%dma_wait3A_57, %dma_wait3A_58] : memref<10240x64xf32, #tpu.memory_space<vmem_shared>> -> memref<10240x64xf32, #tpu.memory_space<vmem_shared>>
    %dma_wait3A_60 = tpu.memref_slice %arg11[%dma_wait3A_49] : memref<4x!tpu.dma_semaphore, #tpu.memory_space<semaphore_mem>> -> memref<1x!tpu.dma_semaphore, #tpu.memory_space<semaphore_mem>>
    %dma_wait3A_61 = tpu.memref_squeeze %dma_wait3A_60 : memref<1x!tpu.dma_semaphore, #tpu.memory_space<semaphore_mem>> -> memref<!tpu.dma_semaphore, #tpu.memory_space<semaphore_mem>>
    tpu.wait_indirect_dma semaphore(%dma_wait3A_61 : memref<!tpu.dma_semaphore, #tpu.memory_space<semaphore_mem>>) src(%dma_wait3A_53 : memref<128x64xf32, #tpu.memory_space<vmem>>) dst(%dma_wait3A_59 : memref<10240x64xf32, #tpu.memory_space<vmem_shared>>)
    %dma_wait3A_62 = arith.constant 3 : i32
    %dma_wait3A_63 = arith.constant 79 : i32
    %dma_wait3A_64 = arith.constant 3 : i32
    %dma_wait3A_65 = arith.constant 0 : i32
    %dma_wait3A_66 = arith.constant 0 : i32
    %dma_wait3A_67 = tpu.memref_slice %arg9[%dma_wait3A_62, %dma_wait3A_65, %dma_wait3A_66] : memref<4x128x64xf32, #tpu.memory_space<vmem>> -> memref<1x128x64xf32, #tpu.memory_space<vmem>>
    %dma_wait3A_68 = tpu.memref_squeeze %dma_wait3A_67 : memref<1x128x64xf32, #tpu.memory_space<vmem>> -> memref<128x64xf32, #tpu.memory_space<vmem>>
    %dma_wait3A_69 = arith.constant 0 : i32
    %dma_wait3A_70 = tpu.memref_slice %arg8[%dma_wait3A_63, %dma_wait3A_69] : memref<80x128xi32, #tpu.memory_space<vmem>> -> memref<1x128xi32, #tpu.memory_space<vmem>>
    %dma_wait3A_71 = tpu.memref_squeeze %dma_wait3A_70 : memref<1x128xi32, #tpu.memory_space<vmem>> -> memref<128xi32, #tpu.memory_space<vmem>>
    %dma_wait3A_72 = arith.constant 0 : i32
    %dma_wait3A_73 = arith.constant 0 : i32
    %dma_wait3A_74 = tpu.memref_slice %arg6[%dma_wait3A_72, %dma_wait3A_73] : memref<10240x64xf32, #tpu.memory_space<vmem_shared>> -> memref<10240x64xf32, #tpu.memory_space<vmem_shared>>
    %dma_wait3A_75 = tpu.memref_slice %arg11[%dma_wait3A_64] : memref<4x!tpu.dma_semaphore, #tpu.memory_space<semaphore_mem>> -> memref<1x!tpu.dma_semaphore, #tpu.memory_space<semaphore_mem>>
    %dma_wait3A_76 = tpu.memref_squeeze %dma_wait3A_75 : memref<1x!tpu.dma_semaphore, #tpu.memory_space<semaphore_mem>> -> memref<!tpu.dma_semaphore, #tpu.memory_space<semaphore_mem>>
    tpu.wait_indirect_dma semaphore(%dma_wait3A_76 : memref<!tpu.dma_semaphore, #tpu.memory_space<semaphore_mem>>) src(%dma_wait3A_68 : memref<128x64xf32, #tpu.memory_space<vmem>>) dst(%dma_wait3A_74 : memref<10240x64xf32, #tpu.memory_space<vmem_shared>>)
    %barrier3A_77 = arith.constant 0 : index
    tpu.barrier barrier_id(%barrier3A_77)
    %mul3A_78 = arith.constant 640 : i32
    %mul3A_79 = arith.muli %arg1, %mul3A_78 : i32
    %mul3A_80 = arith.constant 640 : i32
    %mul3A_81 = arith.muli %arg1, %mul3A_80 : i32
    "tpu.region"() ({
      %run_scoped3A = tpu.sem_alloc : memref<!tpu.dma_semaphore, #tpu.memory_space<semaphore_mem>>
      %dma_start3A_82 = arith.constant 0 : i32
      %dma_start3A_83 = tpu.memref_slice %arg5[%arg0, %mul3A_81, %dma_start3A_82] : memref<2x10240x64xf32, #tpu.memory_space<hbm>> -> memref<1x640x64xf32, #tpu.memory_space<hbm>>
      %dma_start3A_84 = tpu.memref_squeeze %dma_start3A_83 : memref<1x640x64xf32, #tpu.memory_space<hbm>> -> memref<640x64xf32, #tpu.memory_space<hbm>>
      %dma_start3A_85 = arith.constant 0 : i32
      %dma_start3A_86 = tpu.memref_slice %arg6[%mul3A_79, %dma_start3A_85] : memref<10240x64xf32, #tpu.memory_space<vmem_shared>> -> memref<640x64xf32, #tpu.memory_space<vmem_shared>>
      tpu.enqueue_dma source(%dma_start3A_86 : memref<640x64xf32, #tpu.memory_space<vmem_shared>>) target(%dma_start3A_84 : memref<640x64xf32, #tpu.memory_space<hbm>>) target_semaphore(%run_scoped3A : memref<!tpu.dma_semaphore, #tpu.memory_space<semaphore_mem>>)
      %dma_wait3A_87 = arith.constant 0 : i32
      %dma_wait3A_88 = tpu.memref_slice %arg5[%arg0, %mul3A_81, %dma_wait3A_87] : memref<2x10240x64xf32, #tpu.memory_space<hbm>> -> memref<1x640x64xf32, #tpu.memory_space<hbm>>
      %dma_wait3A_89 = tpu.memref_squeeze %dma_wait3A_88 : memref<1x640x64xf32, #tpu.memory_space<hbm>> -> memref<640x64xf32, #tpu.memory_space<hbm>>
      %dma_wait3A_90 = arith.constant 0 : i32
      %dma_wait3A_91 = tpu.memref_slice %arg6[%mul3A_79, %dma_wait3A_90] : memref<10240x64xf32, #tpu.memory_space<vmem_shared>> -> memref<640x64xf32, #tpu.memory_space<vmem_shared>>
      tpu.wait_dma2 semaphore(%run_scoped3A : memref<!tpu.dma_semaphore, #tpu.memory_space<semaphore_mem>>) src(%dma_wait3A_91 : memref<640x64xf32, #tpu.memory_space<vmem_shared>>) dst(%dma_wait3A_89 : memref<640x64xf32, #tpu.memory_space<hbm>>)
      tpu.yield
    }) : () -> ()
    return
  }
}

module attributes {stable_mosaic.version = 14 : i64} {
  func.func @_enc_body(%arg0: i32, %arg1: memref<1024x128xf32, #tpu.memory_space<vmem>>, %arg2: memref<1024x128xf32, #tpu.memory_space<vmem>>, %arg3: memref<1024x128xf32, #tpu.memory_space<vmem>>, %arg4: memref<1x64xf32, #tpu.memory_space<vmem>>, %arg5: memref<1x64xf32, #tpu.memory_space<vmem>>, %arg6: memref<1x64xf32, #tpu.memory_space<vmem>>, %arg7: memref<128x64xf32, #tpu.memory_space<vmem>>, %arg8: memref<64x64xf32, #tpu.memory_space<vmem>>, %arg9: memref<1x64xf32, #tpu.memory_space<vmem>>, %arg10: memref<1x64xf32, #tpu.memory_space<vmem>>, %arg11: memref<1024x64xf32, #tpu.memory_space<vmem>>, %arg12: memref<1024x1xf32, #tpu.memory_space<vmem>>) attributes {dimension_semantics = [#tpu.dimension_semantics<arbitrary>], iteration_bounds = array<i64: 10>, scalar_prefetch = 0 : i64, scratch_operands = 0 : i64, tpu.core_type = #tpu.core_type<tc>, window_params = [{transform_indices = @transform_0, window_bounds = array<i64: 1024, 128>}, {transform_indices = @transform_1, window_bounds = array<i64: 1024, 128>}, {transform_indices = @transform_2, window_bounds = array<i64: 1024, 128>}, {pipeline_mode = #tpu.pipeline_mode<synchronous>, transform_indices = @transform_3, window_bounds = array<i64: 1, 64>}, {pipeline_mode = #tpu.pipeline_mode<synchronous>, transform_indices = @transform_4, window_bounds = array<i64: 1, 64>}, {pipeline_mode = #tpu.pipeline_mode<synchronous>, transform_indices = @transform_5, window_bounds = array<i64: 1, 64>}, {pipeline_mode = #tpu.pipeline_mode<synchronous>, transform_indices = @transform_6, window_bounds = array<i64: 128, 64>}, {pipeline_mode = #tpu.pipeline_mode<synchronous>, transform_indices = @transform_7, window_bounds = array<i64: 64, 64>}, {pipeline_mode = #tpu.pipeline_mode<synchronous>, transform_indices = @transform_8, window_bounds = array<i64: 1, 64>}, {pipeline_mode = #tpu.pipeline_mode<synchronous>, transform_indices = @transform_9, window_bounds = array<i64: 1, 64>}, {transform_indices = @transform_10, window_bounds = array<i64: 1024, 64>}, {transform_indices = @transform_11, window_bounds = array<i64: 1024, 1>}]} {
    %get3A = arith.constant 0 : index
    %get3A_0 = arith.constant 0 : index
    %get3A_1 = vector.load %arg1[%get3A, %get3A_0] : memref<1024x128xf32, #tpu.memory_space<vmem>>, vector<1024x128xf32>
    %get3A_2 = arith.constant 0 : index
    %get3A_3 = arith.constant 0 : index
    %get3A_4 = vector.load %arg2[%get3A_2, %get3A_3] : memref<1024x128xf32, #tpu.memory_space<vmem>>, vector<1024x128xf32>
    %add3A = arith.addf %get3A_1, %get3A_4 : vector<1024x128xf32>
    %get3A_5 = arith.constant 0 : index
    %get3A_6 = arith.constant 0 : index
    %get3A_7 = vector.load %arg3[%get3A_5, %get3A_6] : memref<1024x128xf32, #tpu.memory_space<vmem>>, vector<1024x128xf32>
    %add3A_8 = arith.addf %add3A, %get3A_7 : vector<1024x128xf32>
    %get3A_9 = arith.constant 0 : index
    %get3A_10 = arith.constant 0 : index
    %get3A_11 = vector.load %arg7[%get3A_9, %get3A_10] : memref<128x64xf32, #tpu.memory_space<vmem>>, vector<128x64xf32>
    %convert_element_type3A = arith.truncf %add3A_8 : vector<1024x128xf32> to vector<1024x128xbf16>
    %convert_element_type3A_12 = arith.truncf %get3A_11 : vector<128x64xf32> to vector<128x64xbf16>
    %dot_general3A = arith.constant dense<0.000000e+00> : vector<1024x64xf32>
    %dot_general3A_13 = tpu.matmul %convert_element_type3A, %convert_element_type3A_12, %dot_general3A {dimension_numbers = #tpu.dot_dimension_numbers<[1], [0], [0], [1], [0, 0, 1, 1], [], []>, transpose_lhs_hint = false} : vector<1024x128xbf16>, vector<128x64xbf16>, vector<1024x64xf32> -> vector<1024x64xf32>
    %get3A_14 = arith.constant 0 : index
    %get3A_15 = arith.constant 0 : index
    %get3A_16 = vector.load %arg4[%get3A_14, %get3A_15] : memref<1x64xf32, #tpu.memory_space<vmem>>, vector<1x64xf32>
    %add3A_17 = vector.broadcast %get3A_16 : vector<1x64xf32> to vector<1024x64xf32>
    %add3A_18 = arith.addf %dot_general3A_13, %add3A_17 : vector<1024x64xf32>
    %get3A_19 = arith.constant 0 : index
    %get3A_20 = arith.constant 0 : index
    %get3A_21 = vector.load %arg5[%get3A_19, %get3A_20] : memref<1x64xf32, #tpu.memory_space<vmem>>, vector<1x64xf32>
    %mul3A = arith.constant 0.999994993 : f32
    %mul3A_22 = vector.broadcast %mul3A : f32 to vector<1024x64xf32>
    %mul3A_23 = arith.mulf %add3A_18, %mul3A_22 : vector<1024x64xf32>
    %mul3A_24 = vector.broadcast %get3A_21 : vector<1x64xf32> to vector<1024x64xf32>
    %mul3A_25 = arith.mulf %mul3A_24, %mul3A_23 : vector<1024x64xf32>
    %get3A_26 = arith.constant 0 : index
    %get3A_27 = arith.constant 0 : index
    %get3A_28 = vector.load %arg6[%get3A_26, %get3A_27] : memref<1x64xf32, #tpu.memory_space<vmem>>, vector<1x64xf32>
    %add3A_29 = vector.broadcast %get3A_28 : vector<1x64xf32> to vector<1024x64xf32>
    %add3A_30 = arith.addf %mul3A_25, %add3A_29 : vector<1024x64xf32>
    %gt3A = arith.constant 0.000000e+00 : f32
    %gt3A_31 = vector.broadcast %gt3A : f32 to vector<1024x64xf32>
    %gt3A_32 = arith.cmpf ogt, %add3A_30, %gt3A_31 : vector<1024x64xf32>
    %min3A = arith.constant 0.000000e+00 : f32
    %min3A_33 = vector.broadcast %min3A : f32 to vector<1024x64xf32>
    %min3A_34 = arith.minimumf %add3A_30, %min3A_33 : vector<1024x64xf32>
    %exp3A = math.exp %min3A_34 : vector<1024x64xf32>
    %sub3A = arith.constant 1.000000e+00 : f32
    %sub3A_35 = vector.broadcast %sub3A : f32 to vector<1024x64xf32>
    %sub3A_36 = arith.subf %exp3A, %sub3A_35 : vector<1024x64xf32>
    %select_n3A = arith.select %gt3A_32, %add3A_30, %sub3A_36 : vector<1024x64xi1>, vector<1024x64xf32>
    %get3A_37 = arith.constant 0 : index
    %get3A_38 = arith.constant 0 : index
    %get3A_39 = vector.load %arg8[%get3A_37, %get3A_38] : memref<64x64xf32, #tpu.memory_space<vmem>>, vector<64x64xf32>
    %convert_element_type3A_40 = arith.truncf %select_n3A : vector<1024x64xf32> to vector<1024x64xbf16>
    %convert_element_type3A_41 = arith.truncf %get3A_39 : vector<64x64xf32> to vector<64x64xbf16>
    %dot_general3A_42 = arith.constant dense<0.000000e+00> : vector<1024x64xf32>
    %dot_general3A_43 = tpu.matmul %convert_element_type3A_40, %convert_element_type3A_41, %dot_general3A_42 {dimension_numbers = #tpu.dot_dimension_numbers<[1], [0], [0], [1], [0, 0, 1, 1], [], []>, transpose_lhs_hint = false} : vector<1024x64xbf16>, vector<64x64xbf16>, vector<1024x64xf32> -> vector<1024x64xf32>
    %get3A_44 = arith.constant 0 : index
    %get3A_45 = arith.constant 0 : index
    %get3A_46 = vector.load %arg9[%get3A_44, %get3A_45] : memref<1x64xf32, #tpu.memory_space<vmem>>, vector<1x64xf32>
    %add3A_47 = vector.broadcast %get3A_46 : vector<1x64xf32> to vector<1024x64xf32>
    %add3A_48 = arith.addf %dot_general3A_43, %add3A_47 : vector<1024x64xf32>
    %gt3A_49 = arith.constant 0.000000e+00 : f32
    %gt3A_50 = vector.broadcast %gt3A_49 : f32 to vector<1024x64xf32>
    %gt3A_51 = arith.cmpf ogt, %add3A_48, %gt3A_50 : vector<1024x64xf32>
    %min3A_52 = arith.constant 0.000000e+00 : f32
    %min3A_53 = vector.broadcast %min3A_52 : f32 to vector<1024x64xf32>
    %min3A_54 = arith.minimumf %add3A_48, %min3A_53 : vector<1024x64xf32>
    %exp3A_55 = math.exp %min3A_54 : vector<1024x64xf32>
    %sub3A_56 = arith.constant 1.000000e+00 : f32
    %sub3A_57 = vector.broadcast %sub3A_56 : f32 to vector<1024x64xf32>
    %sub3A_58 = arith.subf %exp3A_55, %sub3A_57 : vector<1024x64xf32>
    %select_n3A_59 = arith.select %gt3A_51, %add3A_48, %sub3A_58 : vector<1024x64xi1>, vector<1024x64xf32>
    %swap3A = arith.constant 0 : index
    %swap3A_60 = arith.constant 0 : index
    %swap3A_61 = vector.load %arg11[%swap3A, %swap3A_60] : memref<1024x64xf32, #tpu.memory_space<vmem>>, vector<1024x64xf32>
    tpu.vector_store %arg11[%swap3A, %swap3A_60], %select_n3A_59 {strides = array<i32>} : memref<1024x64xf32, #tpu.memory_space<vmem>>, vector<1024x64xf32>,
    %get3A_62 = arith.constant 0 : index
    %get3A_63 = arith.constant 0 : index
    %get3A_64 = vector.load %arg10[%get3A_62, %get3A_63] : memref<1x64xf32, #tpu.memory_space<vmem>>, vector<1x64xf32>
    %mul3A_65 = arith.mulf %get3A_64, %get3A_64 : vector<1x64xf32>
    %reduce_sum3A = vector.shape_cast %mul3A_65 : vector<1x64xf32> to vector<1x1x64xf32>
    %reduce_sum3A_66 = arith.constant dense<0.000000e+00> : vector<1xf32>
    %reduce_sum3A_67 = vector.multi_reduction <add>, %reduce_sum3A, %reduce_sum3A_66 [1, 2] : vector<1x1x64xf32> to vector<1xf32>
    %reduce_sum3A_68 = vector.shape_cast %reduce_sum3A_67 : vector<1xf32> to vector<1x1x1xf32>
    %reduce_sum3A_69 = vector.extract %reduce_sum3A_68[0, 0, 0] : f32 from vector<1x1x1xf32>
    %sqrt3A = math.sqrt %reduce_sum3A_69 : f32
    %add3A_70 = arith.constant 1.000000e-16 : f32
    %add3A_71 = arith.addf %sqrt3A, %add3A_70 : f32
    %div3A = arith.constant 1.000000e+00 : f32
    %div3A_72 = arith.divf %div3A, %add3A_71 : f32
    %reshape3A = vector.shape_cast %get3A_64 : vector<1x64xf32> to vector<64x1xf32>
    %convert_element_type3A_73 = arith.truncf %select_n3A_59 : vector<1024x64xf32> to vector<1024x64xbf16>
    %convert_element_type3A_74 = arith.truncf %reshape3A : vector<64x1xf32> to vector<64x1xbf16>
    %dot_general3A_75 = arith.constant dense<0.000000e+00> : vector<1024x1xf32>
    %dot_general3A_76 = tpu.matmul %convert_element_type3A_73, %convert_element_type3A_74, %dot_general3A_75 {dimension_numbers = #tpu.dot_dimension_numbers<[1], [0], [0], [1], [0, 0, 1, 1], [], []>, transpose_lhs_hint = false} : vector<1024x64xbf16>, vector<64x1xbf16>, vector<1024x1xf32> -> vector<1024x1xf32>
    %mul3A_77 = vector.broadcast %div3A_72 : f32 to vector<1024x1xf32>
    %mul3A_78 = arith.mulf %dot_general3A_76, %mul3A_77 : vector<1024x1xf32>
    %swap3A_79 = arith.constant 0 : index
    %swap3A_80 = arith.constant 0 : index
    %swap3A_81 = vector.load %arg12[%swap3A_79, %swap3A_80] : memref<1024x1xf32, #tpu.memory_space<vmem>>, vector<1024x1xf32>
    tpu.vector_store %arg12[%swap3A_79, %swap3A_80], %mul3A_78 {strides = array<i32>} : memref<1024x1xf32, #tpu.memory_space<vmem>>, vector<1024x1xf32>,
    return
  }
  func.func @transform_0(%arg0: i32) -> (i32, i32) {
    %c0_i32 = arith.constant 0 : i32
    %c0_i32_0 = arith.constant 0 : i32
    return %arg0, %c0_i32 : i32, i32
  }
  func.func @transform_1(%arg0: i32) -> (i32, i32) {
    %c0_i32 = arith.constant 0 : i32
    %c0_i32_0 = arith.constant 0 : i32
    return %arg0, %c0_i32 : i32, i32
  }
  func.func @transform_2(%arg0: i32) -> (i32, i32) {
    %c0_i32 = arith.constant 0 : i32
    %c0_i32_0 = arith.constant 0 : i32
    return %arg0, %c0_i32 : i32, i32
  }
  func.func @transform_3(%arg0: i32) -> (i32, i32) {
    %c0_i32 = arith.constant 0 : i32
    %c0_i32_0 = arith.constant 0 : i32
    %c0_i32_1 = arith.constant 0 : i32
    return %c0_i32, %c0_i32_0 : i32, i32
  }
  func.func @transform_4(%arg0: i32) -> (i32, i32) {
    %c0_i32 = arith.constant 0 : i32
    %c0_i32_0 = arith.constant 0 : i32
    %c0_i32_1 = arith.constant 0 : i32
    return %c0_i32, %c0_i32_0 : i32, i32
  }
  func.func @transform_5(%arg0: i32) -> (i32, i32) {
    %c0_i32 = arith.constant 0 : i32
    %c0_i32_0 = arith.constant 0 : i32
    %c0_i32_1 = arith.constant 0 : i32
    return %c0_i32, %c0_i32_0 : i32, i32
  }
  func.func @transform_6(%arg0: i32) -> (i32, i32) {
    %c0_i32 = arith.constant 0 : i32
    %c0_i32_0 = arith.constant 0 : i32
    %c0_i32_1 = arith.constant 0 : i32
    return %c0_i32, %c0_i32_0 : i32, i32
  }
  func.func @transform_7(%arg0: i32) -> (i32, i32) {
    %c0_i32 = arith.constant 0 : i32
    %c0_i32_0 = arith.constant 0 : i32
    %c0_i32_1 = arith.constant 0 : i32
    return %c0_i32, %c0_i32_0 : i32, i32
  }
  func.func @transform_8(%arg0: i32) -> (i32, i32) {
    %c0_i32 = arith.constant 0 : i32
    %c0_i32_0 = arith.constant 0 : i32
    %c0_i32_1 = arith.constant 0 : i32
    return %c0_i32, %c0_i32_0 : i32, i32
  }
  func.func @transform_9(%arg0: i32) -> (i32, i32) {
    %c0_i32 = arith.constant 0 : i32
    %c0_i32_0 = arith.constant 0 : i32
    %c0_i32_1 = arith.constant 0 : i32
    return %c0_i32, %c0_i32_0 : i32, i32
  }
  func.func @transform_10(%arg0: i32) -> (i32, i32) {
    %c0_i32 = arith.constant 0 : i32
    %c0_i32_0 = arith.constant 0 : i32
    return %arg0, %c0_i32 : i32, i32
  }
  func.func @transform_11(%arg0: i32) -> (i32, i32) {
    %c0_i32 = arith.constant 0 : i32
    %c0_i32_0 = arith.constant 0 : i32
    return %arg0, %c0_i32 : i32, i32
  }
}

module attributes {stable_mosaic.version = 14 : i64} {
  func.func @_thresh_body(%arg0: memref<80x128xf32, #tpu.memory_space<vmem>>, %arg1: memref<1x1xf32, #tpu.memory_space<smem>>) attributes {dimension_semantics = [], scalar_prefetch = 0 : i64, scratch_operands = 0 : i64, tpu.core_type = #tpu.core_type<tc>} {
    %get3A = arith.constant 0 : index
    %get3A_0 = arith.constant 0 : index
    %get3A_1 = vector.load %arg0[%get3A, %get3A_0] : memref<80x128xf32, #tpu.memory_space<vmem>>, vector<80x128xf32>
    %bitcast_convert_type3A = tpu.bitcast %get3A_1 : vector<80x128xf32> -> vector<80x128xi32>
    %ge3A = arith.constant -2147483648 : i32
    %ge3A_2 = vector.broadcast %ge3A : i32 to vector<80x128xi32>
    %ge3A_3 = arith.cmpi uge, %bitcast_convert_type3A, %ge3A_2 : vector<80x128xi32>
    %not3A = arith.constant dense<-1> : vector<80x128xi32>
    %not3A_4 = arith.xori %bitcast_convert_type3A, %not3A : vector<80x128xi32>
    %or3A = arith.constant -2147483648 : i32
    %or3A_5 = vector.broadcast %or3A : i32 to vector<80x128xi32>
    %or3A_6 = arith.ori %bitcast_convert_type3A, %or3A_5 : vector<80x128xi32>
    %select_n3A = arith.select %ge3A_3, %not3A_4, %or3A_6 : vector<80x128xi1>, vector<80x128xi32>
    %iota3A = tpu.iota {dimensions = array<i32: 0>} : vector<80x128xi32>
    %mul3A = arith.constant 128 : i32
    %mul3A_7 = vector.broadcast %mul3A : i32 to vector<80x128xi32>
    %mul3A_8 = arith.muli %iota3A, %mul3A_7 : vector<80x128xi32>
    %iota3A_9 = tpu.iota {dimensions = array<i32: 1>} : vector<80x128xi32>
    %add3A = arith.addi %mul3A_8, %iota3A_9 : vector<80x128xi32>
    %lt3A = arith.constant 10000 : i32
    %lt3A_10 = vector.broadcast %lt3A : i32 to vector<80x128xi32>
    %lt3A_11 = arith.cmpi slt, %add3A, %lt3A_10 : vector<80x128xi32>
    %jit3A = arith.constant 0 : i32
    %broadcast_in_dim3A = vector.broadcast %jit3A : i32 to vector<80x128xi32>
    %select_n3A_12 = arith.select %lt3A_11, %select_n3A, %broadcast_in_dim3A : vector<80x128xi1>, vector<80x128xi32>
    %scan3A = arith.constant 0 : i32
    %scan3A_13 = arith.constant 0 : i32
    %scan3A_14 = arith.constant 32 : i32
    %scan3A_15 = arith.addi %scan3A_13, %scan3A_14 : i32
    %scan3A_16 = arith.constant 1 : i32
    %scan3A_17 = scf.for %scan3A_28 = %scan3A_13 to %scan3A_15 step %scan3A_16 iter_args(%scan3A_29 = %scan3A) -> (i32)  : i32 {
      %sub3A = arith.constant 31 : i32
      %sub3A_30 = arith.subi %sub3A, %scan3A_28 : i32
      %shift_left3A = arith.constant 1 : i32
      %shift_left3A_31 = arith.shli %shift_left3A, %sub3A_30 : i32
      %or3A_32 = arith.ori %scan3A_29, %shift_left3A_31 : i32
      %ge3A_33 = vector.broadcast %or3A_32 : i32 to vector<80x128xi32>
      %ge3A_34 = arith.cmpi uge, %select_n3A_12, %ge3A_33 : vector<80x128xi32>
      %convert_element_type3A = arith.extui %ge3A_34 : vector<80x128xi1> to vector<80x128xi32>
      %reduce_sum3A = vector.shape_cast %convert_element_type3A : vector<80x128xi32> to vector<1x80x128xi32>
      %reduce_sum3A_35 = arith.constant dense<0> : vector<1xi32>
      %reduce_sum3A_36 = vector.multi_reduction <add>, %reduce_sum3A, %reduce_sum3A_35 [1, 2] : vector<1x80x128xi32> to vector<1xi32>
      %reduce_sum3A_37 = vector.shape_cast %reduce_sum3A_36 : vector<1xi32> to vector<1x1x1xi32>
      %reduce_sum3A_38 = vector.extract %reduce_sum3A_37[0, 0, 0] : i32 from vector<1x1x1xi32>
      %ge3A_39 = arith.constant 5000 : i32
      %ge3A_40 = arith.cmpi sge, %reduce_sum3A_38, %ge3A_39 : i32
      %select_n3A_41 = arith.select %ge3A_40, %or3A_32, %scan3A_29 : i32
      scf.yield %select_n3A_41 : i32
    }
    %scan3A_18 = arith.constant 32 : i32
    %ge3A_19 = arith.constant -2147483648 : i32
    %ge3A_20 = arith.cmpi uge, %scan3A_17, %ge3A_19 : i32
    %xor3A = arith.constant -2147483648 : i32
    %xor3A_21 = arith.xori %scan3A_17, %xor3A : i32
    %not3A_22 = arith.constant -1 : i32
    %not3A_23 = arith.xori %scan3A_17, %not3A_22 : i32
    %select_n3A_24 = arith.select %ge3A_20, %xor3A_21, %not3A_23 : i32
    %bitcast_convert_type3A_25 = arith.bitcast %select_n3A_24 : i32 to f32
    %swap3A = arith.constant 0 : index
    %swap3A_26 = arith.constant 0 : index
    %swap3A_27 = memref.load %arg1[%swap3A, %swap3A_26] : memref<1x1xf32, #tpu.memory_space<smem>>
    memref.store %bitcast_convert_type3A_25, %arg1[%swap3A, %swap3A_26] : memref<1x1xf32, #tpu.memory_space<smem>>
    return
  }
}

module attributes {stable_mosaic.version = 14 : i64} {
  func.func @_pool_body(%arg0: i32, %arg1: memref<1024x64xf32, #tpu.memory_space<vmem>>, %arg2: memref<1024x1xf32, #tpu.memory_space<vmem>>, %arg3: memref<1x1xf32, #tpu.memory_space<smem>>, %arg4: memref<1024x64xf32, #tpu.memory_space<vmem>>) attributes {dimension_semantics = [#tpu.dimension_semantics<arbitrary>], iteration_bounds = array<i64: 10>, scalar_prefetch = 0 : i64, scratch_operands = 0 : i64, tpu.core_type = #tpu.core_type<tc>, window_params = [{transform_indices = @transform_0, window_bounds = array<i64: 1024, 64>}, {transform_indices = @transform_1, window_bounds = array<i64: 1024, 1>}, {transform_indices = @transform_2, window_bounds = array<i64: 1, 1>}, {transform_indices = @transform_3, window_bounds = array<i64: 1024, 64>}]} {
    %get3A = arith.constant 0 : index
    %get3A_0 = arith.constant 0 : index
    %get3A_1 = memref.load %arg3[%get3A, %get3A_0] : memref<1x1xf32, #tpu.memory_space<smem>>
    %get3A_2 = arith.constant 0 : index
    %get3A_3 = arith.constant 0 : index
    %get3A_4 = vector.load %arg2[%get3A_2, %get3A_3] : memref<1024x1xf32, #tpu.memory_space<vmem>>, vector<1024x1xf32>
    %ge3A = vector.broadcast %get3A_1 : f32 to vector<1024x1xf32>
    %ge3A_5 = arith.cmpf oge, %get3A_4, %ge3A : vector<1024x1xf32>
    %get3A_6 = arith.constant 0 : index
    %get3A_7 = arith.constant 0 : index
    %get3A_8 = vector.load %arg1[%get3A_6, %get3A_7] : memref<1024x64xf32, #tpu.memory_space<vmem>>, vector<1024x64xf32>
    %tanh3A = math.tanh %get3A_4 : vector<1024x1xf32>
    %mul3A = vector.broadcast %tanh3A : vector<1024x1xf32> to vector<1024x64xf32>
    %mul3A_9 = arith.mulf %get3A_8, %mul3A : vector<1024x64xf32>
    %jit3A = arith.constant 0.000000e+00 : f32
    %broadcast_in_dim3A = vector.shape_cast %ge3A_5 : vector<1024x1xi1> to vector<1024x1xi1>
    %broadcast_in_dim3A_10 = vector.broadcast %broadcast_in_dim3A : vector<1024x1xi1> to vector<1024x64xi1>
    %broadcast_in_dim3A_11 = vector.broadcast %jit3A : f32 to vector<1024x64xf32>
    %select_n3A = arith.select %broadcast_in_dim3A_10, %mul3A_9, %broadcast_in_dim3A_11 : vector<1024x64xi1>, vector<1024x64xf32>
    %swap3A = arith.constant 0 : index
    %swap3A_12 = arith.constant 0 : index
    %swap3A_13 = vector.load %arg4[%swap3A, %swap3A_12] : memref<1024x64xf32, #tpu.memory_space<vmem>>, vector<1024x64xf32>
    tpu.vector_store %arg4[%swap3A, %swap3A_12], %select_n3A {strides = array<i32>} : memref<1024x64xf32, #tpu.memory_space<vmem>>, vector<1024x64xf32>,
    return
  }
  func.func @transform_0(%arg0: i32) -> (i32, i32) {
    %c0_i32 = arith.constant 0 : i32
    %c0_i32_0 = arith.constant 0 : i32
    return %arg0, %c0_i32 : i32, i32
  }
  func.func @transform_1(%arg0: i32) -> (i32, i32) {
    %c0_i32 = arith.constant 0 : i32
    %c0_i32_0 = arith.constant 0 : i32
    return %arg0, %c0_i32 : i32, i32
  }
  func.func @transform_2(%arg0: i32) -> (i32, i32) {
    %c0_i32 = arith.constant 0 : i32
    %c0_i32_0 = arith.constant 0 : i32
    %c0_i32_1 = arith.constant 0 : i32
    return %c0_i32, %c0_i32_0 : i32, i32
  }
  func.func @transform_3(%arg0: i32) -> (i32, i32) {
    %c0_i32 = arith.constant 0 : i32
    %c0_i32_0 = arith.constant 0 : i32
    return %arg0, %c0_i32 : i32, i32
  }
}

module attributes {stable_mosaic.version = 14 : i64} {
  func.func @_bott_body(%arg0: i32, %arg1: memref<1024x64xf32, #tpu.memory_space<vmem>>, %arg2: memref<1024x64xf32, #tpu.memory_space<vmem>>, %arg3: memref<1024x64xf32, #tpu.memory_space<vmem>>, %arg4: memref<1x64xf32, #tpu.memory_space<vmem>>, %arg5: memref<64x64xf32, #tpu.memory_space<vmem>>, %arg6: memref<64x64xf32, #tpu.memory_space<vmem>>, %arg7: memref<1x64xf32, #tpu.memory_space<vmem>>, %arg8: memref<1024x1xf32, #tpu.memory_space<vmem>>, %arg9: memref<1x1xf32, #tpu.memory_space<smem>>, %arg10: memref<1024x64xf32, #tpu.memory_space<vmem>>) attributes {dimension_semantics = [#tpu.dimension_semantics<arbitrary>], iteration_bounds = array<i64: 10>, scalar_prefetch = 0 : i64, scratch_operands = 0 : i64, tpu.core_type = #tpu.core_type<tc>, window_params = [{transform_indices = @transform_0, window_bounds = array<i64: 1024, 64>}, {transform_indices = @transform_1, window_bounds = array<i64: 1024, 64>}, {transform_indices = @transform_2, window_bounds = array<i64: 1024, 64>}, {pipeline_mode = #tpu.pipeline_mode<synchronous>, transform_indices = @transform_3, window_bounds = array<i64: 1, 64>}, {pipeline_mode = #tpu.pipeline_mode<synchronous>, transform_indices = @transform_4, window_bounds = array<i64: 64, 64>}, {pipeline_mode = #tpu.pipeline_mode<synchronous>, transform_indices = @transform_5, window_bounds = array<i64: 64, 64>}, {pipeline_mode = #tpu.pipeline_mode<synchronous>, transform_indices = @transform_6, window_bounds = array<i64: 1, 64>}, {transform_indices = @transform_7, window_bounds = array<i64: 1024, 1>}, {transform_indices = @transform_8, window_bounds = array<i64: 1, 1>}, {transform_indices = @transform_9, window_bounds = array<i64: 1024, 64>}]} {
    %get3A = arith.constant 0 : index
    %get3A_0 = arith.constant 0 : index
    %get3A_1 = memref.load %arg9[%get3A, %get3A_0] : memref<1x1xf32, #tpu.memory_space<smem>>
    %get3A_2 = arith.constant 0 : index
    %get3A_3 = arith.constant 0 : index
    %get3A_4 = vector.load %arg1[%get3A_2, %get3A_3] : memref<1024x64xf32, #tpu.memory_space<vmem>>, vector<1024x64xf32>
    %get3A_5 = arith.constant 0 : index
    %get3A_6 = arith.constant 0 : index
    %get3A_7 = vector.load %arg2[%get3A_5, %get3A_6] : memref<1024x64xf32, #tpu.memory_space<vmem>>, vector<1024x64xf32>
    %add3A = arith.addf %get3A_4, %get3A_7 : vector<1024x64xf32>
    %get3A_8 = arith.constant 0 : index
    %get3A_9 = arith.constant 0 : index
    %get3A_10 = vector.load %arg3[%get3A_8, %get3A_9] : memref<1024x64xf32, #tpu.memory_space<vmem>>, vector<1024x64xf32>
    %add3A_11 = arith.addf %add3A, %get3A_10 : vector<1024x64xf32>
    %get3A_12 = arith.constant 0 : index
    %get3A_13 = arith.constant 0 : index
    %get3A_14 = vector.load %arg5[%get3A_12, %get3A_13] : memref<64x64xf32, #tpu.memory_space<vmem>>, vector<64x64xf32>
    %convert_element_type3A = arith.truncf %add3A_11 : vector<1024x64xf32> to vector<1024x64xbf16>
    %convert_element_type3A_15 = arith.truncf %get3A_14 : vector<64x64xf32> to vector<64x64xbf16>
    %dot_general3A = arith.constant dense<0.000000e+00> : vector<1024x64xf32>
    %dot_general3A_16 = tpu.matmul %convert_element_type3A, %convert_element_type3A_15, %dot_general3A {dimension_numbers = #tpu.dot_dimension_numbers<[1], [0], [0], [1], [0, 0, 1, 1], [], []>, transpose_lhs_hint = false} : vector<1024x64xbf16>, vector<64x64xbf16>, vector<1024x64xf32> -> vector<1024x64xf32>
    %get3A_17 = arith.constant 0 : index
    %get3A_18 = arith.constant 0 : index
    %get3A_19 = vector.load %arg4[%get3A_17, %get3A_18] : memref<1x64xf32, #tpu.memory_space<vmem>>, vector<1x64xf32>
    %add3A_20 = vector.broadcast %get3A_19 : vector<1x64xf32> to vector<1024x64xf32>
    %add3A_21 = arith.addf %dot_general3A_16, %add3A_20 : vector<1024x64xf32>
    %gt3A = arith.constant 0.000000e+00 : f32
    %gt3A_22 = vector.broadcast %gt3A : f32 to vector<1024x64xf32>
    %gt3A_23 = arith.cmpf ogt, %add3A_21, %gt3A_22 : vector<1024x64xf32>
    %min3A = arith.constant 0.000000e+00 : f32
    %min3A_24 = vector.broadcast %min3A : f32 to vector<1024x64xf32>
    %min3A_25 = arith.minimumf %add3A_21, %min3A_24 : vector<1024x64xf32>
    %exp3A = math.exp %min3A_25 : vector<1024x64xf32>
    %sub3A = arith.constant 1.000000e+00 : f32
    %sub3A_26 = vector.broadcast %sub3A : f32 to vector<1024x64xf32>
    %sub3A_27 = arith.subf %exp3A, %sub3A_26 : vector<1024x64xf32>
    %select_n3A = arith.select %gt3A_23, %add3A_21, %sub3A_27 : vector<1024x64xi1>, vector<1024x64xf32>
    %get3A_28 = arith.constant 0 : index
    %get3A_29 = arith.constant 0 : index
    %get3A_30 = vector.load %arg6[%get3A_28, %get3A_29] : memref<64x64xf32, #tpu.memory_space<vmem>>, vector<64x64xf32>
    %convert_element_type3A_31 = arith.truncf %select_n3A : vector<1024x64xf32> to vector<1024x64xbf16>
    %convert_element_type3A_32 = arith.truncf %get3A_30 : vector<64x64xf32> to vector<64x64xbf16>
    %dot_general3A_33 = arith.constant dense<0.000000e+00> : vector<1024x64xf32>
    %dot_general3A_34 = tpu.matmul %convert_element_type3A_31, %convert_element_type3A_32, %dot_general3A_33 {dimension_numbers = #tpu.dot_dimension_numbers<[1], [0], [0], [1], [0, 0, 1, 1], [], []>, transpose_lhs_hint = false} : vector<1024x64xbf16>, vector<64x64xbf16>, vector<1024x64xf32> -> vector<1024x64xf32>
    %get3A_35 = arith.constant 0 : index
    %get3A_36 = arith.constant 0 : index
    %get3A_37 = vector.load %arg7[%get3A_35, %get3A_36] : memref<1x64xf32, #tpu.memory_space<vmem>>, vector<1x64xf32>
    %add3A_38 = vector.broadcast %get3A_37 : vector<1x64xf32> to vector<1024x64xf32>
    %add3A_39 = arith.addf %dot_general3A_34, %add3A_38 : vector<1024x64xf32>
    %gt3A_40 = arith.constant 0.000000e+00 : f32
    %gt3A_41 = vector.broadcast %gt3A_40 : f32 to vector<1024x64xf32>
    %gt3A_42 = arith.cmpf ogt, %add3A_39, %gt3A_41 : vector<1024x64xf32>
    %min3A_43 = arith.constant 0.000000e+00 : f32
    %min3A_44 = vector.broadcast %min3A_43 : f32 to vector<1024x64xf32>
    %min3A_45 = arith.minimumf %add3A_39, %min3A_44 : vector<1024x64xf32>
    %exp3A_46 = math.exp %min3A_45 : vector<1024x64xf32>
    %sub3A_47 = arith.constant 1.000000e+00 : f32
    %sub3A_48 = vector.broadcast %sub3A_47 : f32 to vector<1024x64xf32>
    %sub3A_49 = arith.subf %exp3A_46, %sub3A_48 : vector<1024x64xf32>
    %select_n3A_50 = arith.select %gt3A_42, %add3A_39, %sub3A_49 : vector<1024x64xi1>, vector<1024x64xf32>
    %get3A_51 = arith.constant 0 : index
    %get3A_52 = arith.constant 0 : index
    %get3A_53 = vector.load %arg8[%get3A_51, %get3A_52] : memref<1024x1xf32, #tpu.memory_space<vmem>>, vector<1024x1xf32>
    %ge3A = vector.broadcast %get3A_1 : f32 to vector<1024x1xf32>
    %ge3A_54 = arith.cmpf oge, %get3A_53, %ge3A : vector<1024x1xf32>
    %jit3A = arith.constant 0.000000e+00 : f32
    %broadcast_in_dim3A = vector.shape_cast %ge3A_54 : vector<1024x1xi1> to vector<1024x1xi1>
    %broadcast_in_dim3A_55 = vector.broadcast %broadcast_in_dim3A : vector<1024x1xi1> to vector<1024x64xi1>
    %broadcast_in_dim3A_56 = vector.broadcast %jit3A : f32 to vector<1024x64xf32>
    %select_n3A_57 = arith.select %broadcast_in_dim3A_55, %select_n3A_50, %broadcast_in_dim3A_56 : vector<1024x64xi1>, vector<1024x64xf32>
    %swap3A = arith.constant 0 : index
    %swap3A_58 = arith.constant 0 : index
    %swap3A_59 = vector.load %arg10[%swap3A, %swap3A_58] : memref<1024x64xf32, #tpu.memory_space<vmem>>, vector<1024x64xf32>
    tpu.vector_store %arg10[%swap3A, %swap3A_58], %select_n3A_57 {strides = array<i32>} : memref<1024x64xf32, #tpu.memory_space<vmem>>, vector<1024x64xf32>,
    return
  }
  func.func @transform_0(%arg0: i32) -> (i32, i32) {
    %c0_i32 = arith.constant 0 : i32
    %c0_i32_0 = arith.constant 0 : i32
    return %arg0, %c0_i32 : i32, i32
  }
  func.func @transform_1(%arg0: i32) -> (i32, i32) {
    %c0_i32 = arith.constant 0 : i32
    %c0_i32_0 = arith.constant 0 : i32
    return %arg0, %c0_i32 : i32, i32
  }
  func.func @transform_2(%arg0: i32) -> (i32, i32) {
    %c0_i32 = arith.constant 0 : i32
    %c0_i32_0 = arith.constant 0 : i32
    return %arg0, %c0_i32 : i32, i32
  }
  func.func @transform_3(%arg0: i32) -> (i32, i32) {
    %c0_i32 = arith.constant 0 : i32
    %c0_i32_0 = arith.constant 0 : i32
    %c0_i32_1 = arith.constant 0 : i32
    return %c0_i32, %c0_i32_0 : i32, i32
  }
  func.func @transform_4(%arg0: i32) -> (i32, i32) {
    %c0_i32 = arith.constant 0 : i32
    %c0_i32_0 = arith.constant 0 : i32
    %c0_i32_1 = arith.constant 0 : i32
    return %c0_i32, %c0_i32_0 : i32, i32
  }
  func.func @transform_5(%arg0: i32) -> (i32, i32) {
    %c0_i32 = arith.constant 0 : i32
    %c0_i32_0 = arith.constant 0 : i32
    %c0_i32_1 = arith.constant 0 : i32
    return %c0_i32, %c0_i32_0 : i32, i32
  }
  func.func @transform_6(%arg0: i32) -> (i32, i32) {
    %c0_i32 = arith.constant 0 : i32
    %c0_i32_0 = arith.constant 0 : i32
    %c0_i32_1 = arith.constant 0 : i32
    return %c0_i32, %c0_i32_0 : i32, i32
  }
  func.func @transform_7(%arg0: i32) -> (i32, i32) {
    %c0_i32 = arith.constant 0 : i32
    %c0_i32_0 = arith.constant 0 : i32
    return %arg0, %c0_i32 : i32, i32
  }
  func.func @transform_8(%arg0: i32) -> (i32, i32) {
    %c0_i32 = arith.constant 0 : i32
    %c0_i32_0 = arith.constant 0 : i32
    %c0_i32_1 = arith.constant 0 : i32
    return %c0_i32, %c0_i32_0 : i32, i32
  }
  func.func @transform_9(%arg0: i32) -> (i32, i32) {
    %c0_i32 = arith.constant 0 : i32
    %c0_i32_0 = arith.constant 0 : i32
    return %arg0, %c0_i32 : i32, i32
  }
}

module attributes {stable_mosaic.version = 14 : i64} {
  func.func @_dec_body(%arg0: i32, %arg1: memref<1024x64xf32, #tpu.memory_space<vmem>>, %arg2: memref<1024x64xf32, #tpu.memory_space<vmem>>, %arg3: memref<1024x64xf32, #tpu.memory_space<vmem>>, %arg4: memref<1x64xf32, #tpu.memory_space<vmem>>, %arg5: memref<64x64xf32, #tpu.memory_space<vmem>>, %arg6: memref<64x64xf32, #tpu.memory_space<vmem>>, %arg7: memref<1x64xf32, #tpu.memory_space<vmem>>, %arg8: memref<64x16xf32, #tpu.memory_space<vmem>>, %arg9: memref<1x16xf32, #tpu.memory_space<vmem>>, %arg10: memref<1024x16xf32, #tpu.memory_space<vmem>>) attributes {dimension_semantics = [#tpu.dimension_semantics<arbitrary>], iteration_bounds = array<i64: 10>, scalar_prefetch = 0 : i64, scratch_operands = 0 : i64, tpu.core_type = #tpu.core_type<tc>, window_params = [{transform_indices = @transform_0, window_bounds = array<i64: 1024, 64>}, {transform_indices = @transform_1, window_bounds = array<i64: 1024, 64>}, {transform_indices = @transform_2, window_bounds = array<i64: 1024, 64>}, {pipeline_mode = #tpu.pipeline_mode<synchronous>, transform_indices = @transform_3, window_bounds = array<i64: 1, 64>}, {pipeline_mode = #tpu.pipeline_mode<synchronous>, transform_indices = @transform_4, window_bounds = array<i64: 64, 64>}, {pipeline_mode = #tpu.pipeline_mode<synchronous>, transform_indices = @transform_5, window_bounds = array<i64: 64, 64>}, {pipeline_mode = #tpu.pipeline_mode<synchronous>, transform_indices = @transform_6, window_bounds = array<i64: 1, 64>}, {pipeline_mode = #tpu.pipeline_mode<synchronous>, transform_indices = @transform_7, window_bounds = array<i64: 64, 16>}, {pipeline_mode = #tpu.pipeline_mode<synchronous>, transform_indices = @transform_8, window_bounds = array<i64: 1, 16>}, {transform_indices = @transform_9, window_bounds = array<i64: 1024, 16>}]} {
    %get3A = arith.constant 0 : index
    %get3A_0 = arith.constant 0 : index
    %get3A_1 = vector.load %arg1[%get3A, %get3A_0] : memref<1024x64xf32, #tpu.memory_space<vmem>>, vector<1024x64xf32>
    %get3A_2 = arith.constant 0 : index
    %get3A_3 = arith.constant 0 : index
    %get3A_4 = vector.load %arg2[%get3A_2, %get3A_3] : memref<1024x64xf32, #tpu.memory_space<vmem>>, vector<1024x64xf32>
    %add3A = arith.addf %get3A_1, %get3A_4 : vector<1024x64xf32>
    %get3A_5 = arith.constant 0 : index
    %get3A_6 = arith.constant 0 : index
    %get3A_7 = vector.load %arg3[%get3A_5, %get3A_6] : memref<1024x64xf32, #tpu.memory_space<vmem>>, vector<1024x64xf32>
    %add3A_8 = arith.addf %add3A, %get3A_7 : vector<1024x64xf32>
    %get3A_9 = arith.constant 0 : index
    %get3A_10 = arith.constant 0 : index
    %get3A_11 = vector.load %arg5[%get3A_9, %get3A_10] : memref<64x64xf32, #tpu.memory_space<vmem>>, vector<64x64xf32>
    %convert_element_type3A = arith.truncf %add3A_8 : vector<1024x64xf32> to vector<1024x64xbf16>
    %convert_element_type3A_12 = arith.truncf %get3A_11 : vector<64x64xf32> to vector<64x64xbf16>
    %dot_general3A = arith.constant dense<0.000000e+00> : vector<1024x64xf32>
    %dot_general3A_13 = tpu.matmul %convert_element_type3A, %convert_element_type3A_12, %dot_general3A {dimension_numbers = #tpu.dot_dimension_numbers<[1], [0], [0], [1], [0, 0, 1, 1], [], []>, transpose_lhs_hint = false} : vector<1024x64xbf16>, vector<64x64xbf16>, vector<1024x64xf32> -> vector<1024x64xf32>
    %get3A_14 = arith.constant 0 : index
    %get3A_15 = arith.constant 0 : index
    %get3A_16 = vector.load %arg4[%get3A_14, %get3A_15] : memref<1x64xf32, #tpu.memory_space<vmem>>, vector<1x64xf32>
    %add3A_17 = vector.broadcast %get3A_16 : vector<1x64xf32> to vector<1024x64xf32>
    %add3A_18 = arith.addf %dot_general3A_13, %add3A_17 : vector<1024x64xf32>
    %gt3A = arith.constant 0.000000e+00 : f32
    %gt3A_19 = vector.broadcast %gt3A : f32 to vector<1024x64xf32>
    %gt3A_20 = arith.cmpf ogt, %add3A_18, %gt3A_19 : vector<1024x64xf32>
    %min3A = arith.constant 0.000000e+00 : f32
    %min3A_21 = vector.broadcast %min3A : f32 to vector<1024x64xf32>
    %min3A_22 = arith.minimumf %add3A_18, %min3A_21 : vector<1024x64xf32>
    %exp3A = math.exp %min3A_22 : vector<1024x64xf32>
    %sub3A = arith.constant 1.000000e+00 : f32
    %sub3A_23 = vector.broadcast %sub3A : f32 to vector<1024x64xf32>
    %sub3A_24 = arith.subf %exp3A, %sub3A_23 : vector<1024x64xf32>
    %select_n3A = arith.select %gt3A_20, %add3A_18, %sub3A_24 : vector<1024x64xi1>, vector<1024x64xf32>
    %get3A_25 = arith.constant 0 : index
    %get3A_26 = arith.constant 0 : index
    %get3A_27 = vector.load %arg6[%get3A_25, %get3A_26] : memref<64x64xf32, #tpu.memory_space<vmem>>, vector<64x64xf32>
    %convert_element_type3A_28 = arith.truncf %select_n3A : vector<1024x64xf32> to vector<1024x64xbf16>
    %convert_element_type3A_29 = arith.truncf %get3A_27 : vector<64x64xf32> to vector<64x64xbf16>
    %dot_general3A_30 = arith.constant dense<0.000000e+00> : vector<1024x64xf32>
    %dot_general3A_31 = tpu.matmul %convert_element_type3A_28, %convert_element_type3A_29, %dot_general3A_30 {dimension_numbers = #tpu.dot_dimension_numbers<[1], [0], [0], [1], [0, 0, 1, 1], [], []>, transpose_lhs_hint = false} : vector<1024x64xbf16>, vector<64x64xbf16>, vector<1024x64xf32> -> vector<1024x64xf32>
    %get3A_32 = arith.constant 0 : index
    %get3A_33 = arith.constant 0 : index
    %get3A_34 = vector.load %arg7[%get3A_32, %get3A_33] : memref<1x64xf32, #tpu.memory_space<vmem>>, vector<1x64xf32>
    %add3A_35 = vector.broadcast %get3A_34 : vector<1x64xf32> to vector<1024x64xf32>
    %add3A_36 = arith.addf %dot_general3A_31, %add3A_35 : vector<1024x64xf32>
    %gt3A_37 = arith.constant 0.000000e+00 : f32
    %gt3A_38 = vector.broadcast %gt3A_37 : f32 to vector<1024x64xf32>
    %gt3A_39 = arith.cmpf ogt, %add3A_36, %gt3A_38 : vector<1024x64xf32>
    %min3A_40 = arith.constant 0.000000e+00 : f32
    %min3A_41 = vector.broadcast %min3A_40 : f32 to vector<1024x64xf32>
    %min3A_42 = arith.minimumf %add3A_36, %min3A_41 : vector<1024x64xf32>
    %exp3A_43 = math.exp %min3A_42 : vector<1024x64xf32>
    %sub3A_44 = arith.constant 1.000000e+00 : f32
    %sub3A_45 = vector.broadcast %sub3A_44 : f32 to vector<1024x64xf32>
    %sub3A_46 = arith.subf %exp3A_43, %sub3A_45 : vector<1024x64xf32>
    %select_n3A_47 = arith.select %gt3A_39, %add3A_36, %sub3A_46 : vector<1024x64xi1>, vector<1024x64xf32>
    %get3A_48 = arith.constant 0 : index
    %get3A_49 = arith.constant 0 : index
    %get3A_50 = vector.load %arg8[%get3A_48, %get3A_49] : memref<64x16xf32, #tpu.memory_space<vmem>>, vector<64x16xf32>
    %convert_element_type3A_51 = arith.truncf %select_n3A_47 : vector<1024x64xf32> to vector<1024x64xbf16>
    %convert_element_type3A_52 = arith.truncf %get3A_50 : vector<64x16xf32> to vector<64x16xbf16>
    %dot_general3A_53 = arith.constant dense<0.000000e+00> : vector<1024x16xf32>
    %dot_general3A_54 = tpu.matmul %convert_element_type3A_51, %convert_element_type3A_52, %dot_general3A_53 {dimension_numbers = #tpu.dot_dimension_numbers<[1], [0], [0], [1], [0, 0, 1, 1], [], []>, transpose_lhs_hint = false} : vector<1024x64xbf16>, vector<64x16xbf16>, vector<1024x16xf32> -> vector<1024x16xf32>
    %get3A_55 = arith.constant 0 : index
    %get3A_56 = arith.constant 0 : index
    %get3A_57 = vector.load %arg9[%get3A_55, %get3A_56] : memref<1x16xf32, #tpu.memory_space<vmem>>, vector<1x16xf32>
    %add3A_58 = vector.broadcast %get3A_57 : vector<1x16xf32> to vector<1024x16xf32>
    %add3A_59 = arith.addf %dot_general3A_54, %add3A_58 : vector<1024x16xf32>
    %swap3A = arith.constant 0 : index
    %swap3A_60 = arith.constant 0 : index
    %swap3A_61 = vector.load %arg10[%swap3A, %swap3A_60] : memref<1024x16xf32, #tpu.memory_space<vmem>>, vector<1024x16xf32>
    tpu.vector_store %arg10[%swap3A, %swap3A_60], %add3A_59 {strides = array<i32>} : memref<1024x16xf32, #tpu.memory_space<vmem>>, vector<1024x16xf32>,
    return
  }
  func.func @transform_0(%arg0: i32) -> (i32, i32) {
    %c0_i32 = arith.constant 0 : i32
    %c0_i32_0 = arith.constant 0 : i32
    return %arg0, %c0_i32 : i32, i32
  }
  func.func @transform_1(%arg0: i32) -> (i32, i32) {
    %c0_i32 = arith.constant 0 : i32
    %c0_i32_0 = arith.constant 0 : i32
    return %arg0, %c0_i32 : i32, i32
  }
  func.func @transform_2(%arg0: i32) -> (i32, i32) {
    %c0_i32 = arith.constant 0 : i32
    %c0_i32_0 = arith.constant 0 : i32
    return %arg0, %c0_i32 : i32, i32
  }
  func.func @transform_3(%arg0: i32) -> (i32, i32) {
    %c0_i32 = arith.constant 0 : i32
    %c0_i32_0 = arith.constant 0 : i32
    %c0_i32_1 = arith.constant 0 : i32
    return %c0_i32, %c0_i32_0 : i32, i32
  }
  func.func @transform_4(%arg0: i32) -> (i32, i32) {
    %c0_i32 = arith.constant 0 : i32
    %c0_i32_0 = arith.constant 0 : i32
    %c0_i32_1 = arith.constant 0 : i32
    return %c0_i32, %c0_i32_0 : i32, i32
  }
  func.func @transform_5(%arg0: i32) -> (i32, i32) {
    %c0_i32 = arith.constant 0 : i32
    %c0_i32_0 = arith.constant 0 : i32
    %c0_i32_1 = arith.constant 0 : i32
    return %c0_i32, %c0_i32_0 : i32, i32
  }
  func.func @transform_6(%arg0: i32) -> (i32, i32) {
    %c0_i32 = arith.constant 0 : i32
    %c0_i32_0 = arith.constant 0 : i32
    %c0_i32_1 = arith.constant 0 : i32
    return %c0_i32, %c0_i32_0 : i32, i32
  }
  func.func @transform_7(%arg0: i32) -> (i32, i32) {
    %c0_i32 = arith.constant 0 : i32
    %c0_i32_0 = arith.constant 0 : i32
    %c0_i32_1 = arith.constant 0 : i32
    return %c0_i32, %c0_i32_0 : i32, i32
  }
  func.func @transform_8(%arg0: i32) -> (i32, i32) {
    %c0_i32 = arith.constant 0 : i32
    %c0_i32_0 = arith.constant 0 : i32
    %c0_i32_1 = arith.constant 0 : i32
    return %c0_i32, %c0_i32_0 : i32, i32
  }
  func.func @transform_9(%arg0: i32) -> (i32, i32) {
    %c0_i32 = arith.constant 0 : i32
    %c0_i32_0 = arith.constant 0 : i32
    return %arg0, %c0_i32 : i32, i32
  }
}

</mosaic_0001>

<sc_bundles>
// kernel: kernel.10.cloned.1.call-start
scs
__scs_entry_jumppad:
0x0: {  	(pc) =	sbr.rel $0x88, $3  }
0x1: {  	(tag) =	ssettag $0x0;
	lr =	simm.s32 $0x1  }
0x2: {  	[smem:$0x3F8E] =	sst lr;
	_ =	strace $0xD0000000  }
0x3: {  	_ = 	snop  }
0x4: {  	_ = 	snop  }
0x5: {  	_ = 	snop  }
0x6: {  	_ = 	snop  }
0x7: {  	_ = 	snop  }
__scs_overlays_trampoline_lowered:
0x8: {  	[smem:$0x3F9D] =	sst s0  }
0x9: {  	[smem:$0x3F9E] =	sst s1  }
0xa: {  	[smem:$0x3F9F] =	sst s2  }
0xb: {  	[smem:$0x3FA0] =	sst s3  }
0xc: {  	[smem:$0x3FA1] =	sst s4  }
0xd: {  	[smem:$0x3FA2] =	sst s5  }
0xe: {  	[smem:$0x3FA3] =	sst s6  }
0xf: {  	[smem:$0x3FA4] =	sst s7  }
0x10: {  	[smem:$0x3FA5] =	sst s8  }
0x11: {  	[smem:$0x3FA6] =	sst s9;
	s0 =	simm.s32 @!p0 $0x0  }
0x12: {  	s1 =	sld [smem:$0x3F8C];
	s0 =	simm.s32 @p0 $0x1  }
0x13: {  	[smem:$0x3FA7] =	sst s0;
	s0 =	simm.s32 @!p1 $0x0  }
0x14: {  	s2 =	sld [smem:$0x3F8B];
	s0 =	simm.s32 @p1 $0x1  }
0x15: {  	[smem:$0x3FA8] =	sst s0;
	s0 =	simm.s32 @!p2 $0x0  }
0x16: {  	s3 =	sld [smem:$0x3FDB];
	s0 =	simm.s32 @p2 $0x1  }
0x17: {  	s4 =	simm.s32 $0x1BF5;
	[smem:$0x3FAA] =	sst s0  }
0x18: {  	s0 =	sld [smem:$0x3F8D];
	_ =	swait.ge [sflag:s4], $0x0  }
0x19: {  	s7 =	sld [smem:$0x3F8E]  }
0x1a: {  	s8 =	sadd.s32 $0xFFFFE003, lr  }
0x1b: {  	s9 =	sadd.s32 $0xFFFFFEF7, lr;
	s5 =	simm.s32 $0xFFFFFFFF;
	p2 =	slt.u32 s8, $0xFFFFF086  }
0x1c: {  	p1 =	slt.u32 s9, $0xF7A;
	s5 =	simm.s32 @!p2 $0x0  }
0x1d: {  	s5 =	simm.s32 @p1 $0x1;
	p0 =	seq.s32 s7, s2  }
0x1e: {  	s7 =	smul.u32 @!p0 $0xF7A, s2;
	p2 =	seq.s32 @!p0 s5, $0x0  }
0x1f: {  	s9 =	smul.u32 $0xF7A, s1;
	s8 =	simm.s32 @!p0 $0x1BF5;
	p2 =	por !p2, p0  }
0x20: {  	[sflag:s8] =	ssyncset.s32 @!p0 $0xFFFFF086;
	s6 =	sadd.s32 @!p0 s3, s7;
	s7 =	simm.s32 @!p0 $0x108  }
0x21: {  	s3 =	sadd.s32 s3, s9;
	s6 =	sadd.s32 @!p0 $0x88, s6;
	s7 =	simm.s32 @p2 $0x1082  }
0x22: {  	[simem:s7], [sflag:s8] =	dma.local @!p0 [hbm:s6], $0xF7A  }
0x23: {  	s9 =	sor.u32 $0xD0000000, s2;
	s6 =	simm.s32 $0x108;
	_ =	swait.ge @!p0 [sflag:s8], $0x0  }
0x24: {  	s3 =	sadd.s32 $0x88, s3;
	s6 =	simm.s32 @!p1 $0x1082;
	[sflag:s4] =	ssyncset.s32 $0xFFFFF086  }
0x25: {  	[simem:s6], [sflag:s4] =	dma.local [hbm:s3], $0xF7A  }
0x26: {  	[smem:$0x3F8E] =	sst s1;
	(tag) =	ssettag s2;
	_ =	strace s9  }
0x27: {  	s1 =	sld [smem:$0x3F9E]  }
0x28: {  	s2 =	sld [smem:$0x3F9F]  }
0x29: {  	s4 =	sld [smem:$0x3FA1]  }
0x2a: {  	p0 =	seq.s32 s5, $0x0;
	s5 =	sld [smem:$0x3FA2]  }
0x2b: {  	s6 =	sld [smem:$0x3FA3]  }
0x2c: {  	s7 =	sld [smem:$0x3FA4]  }
0x2d: {  	s3 =	simm.s32 $0x108;
	s8 =	sld [smem:$0x3FA5]  }
0x2e: {  	s3 =	simm.s32 @!p0 $0x1082;
	s9 =	sld [smem:$0x3FA6]  }
0x2f: {  	lr =	sadd.s32 s0, s3;
	s0 =	sld [smem:$0x3F9D]  }
0x30: {  	s3 =	sld [smem:$0x3FA0]  }
0x31: {  	[smem:$0x3FA9] =	sst s10  }
0x32: {  	s10 =	sld [smem:$0x3FA7];
	_ =	sdelay $0x3  }
0x33: {  	p0 =	seq.s32 s10, $0x1;
	s10 =	sld [smem:$0x3FA9];
	_ =	sdelay $0x3  }
0x34: {  	[smem:$0x3FA9] =	sst s10  }
0x35: {  	s10 =	sld [smem:$0x3FA8];
	_ =	sdelay $0x3  }
0x36: {  	p1 =	seq.s32 s10, $0x1;
	s10 =	sld [smem:$0x3FA9];
	_ =	sdelay $0x3  }
0x37: {  	[smem:$0x3FA9] =	sst s10  }
0x38: {  	s10 =	sld [smem:$0x3FAA]  }
0x39: {  	_ = 	snop;
	(pc) =	sbr.ind lr, $3  }
0x3a: {  	_ = 	snop  }
0x3b: {  	_ = 	snop  }
0x3c: {  	p2 =	seq.s32 s10, $0x1;
	s10 =	sld [smem:$0x3FA9]  }
0x3d: {  	_ =	shalt  }
0x3e: {  	_ =	shalt  }
0x3f: {  	_ =	shalt  }
0x40: {  	_ =	shalt  }
0x41: {  	_ =	shalt  }
0x42: {  	_ =	shalt  }
0x43: {  	_ =	shalt  }
0x44: {  	_ =	shalt  }
0x45: {  	_ =	shalt  }
0x46: {  	_ =	shalt  }
0x47: {  	_ =	shalt  }
0x48: {  	_ =	shalt  }
0x49: {  	_ =	shalt  }
0x4a: {  	_ =	shalt  }
0x4b: {  	_ =	shalt  }
0x4c: {  	_ =	shalt  }
0x4d: {  	_ =	shalt  }
0x4e: {  	_ =	shalt  }
0x4f: {  	_ =	shalt  }
0x50: {  	_ =	shalt  }
0x51: {  	_ =	shalt  }
0x52: {  	_ =	shalt  }
0x53: {  	_ =	shalt  }
0x54: {  	_ =	shalt  }
0x55: {  	_ =	shalt  }
0x56: {  	_ =	shalt  }
0x57: {  	_ =	shalt  }
0x58: {  	_ =	shalt  }
0x59: {  	_ =	shalt  }
0x5a: {  	_ =	shalt  }
0x5b: {  	_ =	shalt  }
0x5c: {  	_ =	shalt  }
0x5d: {  	_ =	shalt  }
0x5e: {  	_ =	shalt  }
0x5f: {  	_ =	shalt  }
0x60: {  	_ =	shalt  }
0x61: {  	_ =	shalt  }
0x62: {  	_ =	shalt  }
0x63: {  	_ =	shalt  }
0x64: {  	_ =	shalt  }
0x65: {  	_ =	shalt  }
0x66: {  	_ =	shalt  }
0x67: {  	_ =	shalt  }
0x68: {  	_ =	shalt  }
0x69: {  	_ =	shalt  }
0x6a: {  	_ =	shalt  }
0x6b: {  	_ =	shalt  }
0x6c: {  	_ =	shalt  }
0x6d: {  	_ =	shalt  }
0x6e: {  	_ =	shalt  }
0x6f: {  	_ =	shalt  }
0x70: {  	_ =	shalt  }
0x71: {  	_ =	shalt  }
0x72: {  	_ =	shalt  }
0x73: {  	_ =	shalt  }
0x74: {  	_ =	shalt  }
0x75: {  	_ =	shalt  }
0x76: {  	_ =	shalt  }
0x77: {  	_ =	shalt  }
0x78: {  	_ =	shalt  }
0x79: {  	_ =	shalt  }
0x7a: {  	_ =	shalt  }
0x7b: {  	_ =	shalt  }
0x7c: {  	_ =	shalt  }
0x7d: {  	_ =	shalt  }
0x7e: {  	_ =	shalt  }
0x7f: {  	_ =	shalt  }
0x80: {  	_ =	shalt  }
0x81: {  	_ =	shalt  }
0x82: {  	_ =	shalt  }
0x83: {  	_ =	shalt  }
0x84: {  	_ =	shalt  }
0x85: {  	_ =	shalt  }
0x86: {  	_ =	shalt  }
0x87: {  	_ =	shalt  }
.Lfunc_end0:
.L_simem_size_0:
called_computation_lowered:
.L_overlay_start_0:
0x88: {  	s2 =	sld [smem:$0x3FD9]  }
0x89: {  	s3 =	sld [smem:$0x3FFE];
	_ =	sdelay $0x1  }
0x8a: {  	s1 =	srdreg.scid  }
0x8b: {  	s0 =	sand.u32 $0x1, s1  }
0x8c: {  	s16 =	sshll.u32 s0, $0xA;
	s2 =	sadd.s32 s3, s2  }
0x8d: {  	s2 =	sadd.s32 s2, s16  }
0x8e: {  	[smem:$0x3FB5] =	sst s2  }
0x8f: {  	_ = 	snop  }
0x90: {  	(tm) =	ssettm $0x1  }
0x91: {  	s17 =	sld [smem:$0x3FFB];
	_ =	sdelay $0x3  }
0x92: {  	_ =	strace s17  }
0x93: {  	s2 =	sld [smem:$0x3FFC];
	_ =	sdelay $0x3  }
0x94: {  	_ =	strace s2  }
0x95: {  	s2 =	sld [smem:$0x3FFD];
	_ =	sdelay $0x3  }
0x96: {  	_ =	strace s2  }
0x97: {  	_ =	strace $0x8FFFFFFF  }
0x98: {  	s18 =	sld [smem:$0x3FDB];
	_ =	sdelay $0x1  }
0x99: {  	s19 =	simm.s32 $_scs_section_size  }
0x9a: {  	s4 =	simm.s32 $_size__tile_overlayer_lowered;
	s5 =	simm.s32 $_tile_overlayer_lowered  }
0x9b: {  	s22 =	simm.s32 $0x1BFF;
	s21 =	sshll.u32 s5, $0x1;
	s2 =	sadd.s32 s19, s18  }
0x9c: {  	s6 =	simm.s32 $0x0;
	s20 =	sshll.u32 s4, $0x1;
	s4 =	sadd.s32 s21, s2  }
0x9d: {  	[timem:s6], [sflag:s22] =	dma.local [hbm:s4], s20  }
0x9e: {  	_ =	swait.ge [sflag:s22], s20  }
0x9f: {  	s3 =	ssub.s32 $0x0, s20;
	[sflag:s22] =	ssyncset.done $0x0  }
0xa0: {  	[sflag:s22] =	ssyncadd.s32 s3;
	_ =	sdelay $0x1  }
0xa1: {  	s23 =	simm.s32 $0x1B8B  }
0xa2: {  	_ =	swait.ge [sflag:s23], $0x1  }
0xa3: {  	[sflag:s23] =	ssyncset.done $0x0  }
0xa4: {  	s25 =	simm.s32 $0x1B8E;
	s24 =	sld [smem:$0x3FFE];
	[sflag:s23] =	ssyncadd.s32 $0xFFFFFFFF  }
0xa5: {  	s26 =	simm.s32 $execute0_lowered;
	[smem:$0x3FD2] =	sst s25  }
0xa6: {  	s4 =	sshll.u32 s26, $0x1;
	_ =	strace $0x80000046;
	[dreg:$0x1] =	wrdreg $0xFFFFFFFF  }
0xa7: {  	s28 =	simm.s32 $_size_execute0_lowered;
	s2 =	sadd.s32 s2, s4;
	[dreg:$0x0] =	wrdreg $0x0  }
0xa8: {  	s4 =	sshll.u32 s28, $0x1;
	[dreg:$0x2] =	wrdreg s2  }
0xa9: {  	[dreg:$0x3] =	wrdreg s4  }
0xaa: {  	[dreg:$0x4] =	wrdreg $0xC0  }
0xab: {  	_ =	task [dreg:s6], $0x5FFFF  }
0xac: {  	[dreg:$0x1] =	wrdreg $0xFFFFFFFF  }
0xad: {  	[dreg:$0x0] =	wrdreg $0x60  }
0xae: {  	[dreg:$0x2] =	wrdreg s24  }
0xaf: {  	[dreg:$0x3] =	wrdreg $0x0  }
0xb0: {  	[dreg:$0x4] =	wrdreg $0x9  }
0xb1: {  	_ =	task.clear_ibuf [dreg:s6], $0x5FFFF;
	_ =	strace $0x90000046  }
0xb2: {  	s29 =	simm.s32 $0x9;
	_ =	strace $0x80000048  }
0xb3: {  	_ =	swait.ge [sflag:s29], $0x1  }
0xb4: {  	[sflag:s29] =	ssyncadd.s32 $0xFFFFFFFF  }
0xb5: {  	_ =	strace $0x90000048  }
0xb6: {  	_ =	sfence  }
0xb7: {  	s30 =	sld [smem:$0x0];
	_ =	sdelay $0x2  }
0xb8: {  	s31 =	sshll.u32 s1, $0xD;
	s1 =	sshrl.u32 s1, $0x2  }
0xb9: {  	s3 =	sand.u32 $0x4000, s31;
	s1 =	sadd.s32 s1, s30  }
0xba: {  	s0 =	sor.u32 s3, s0;
	s1 =	sshll.u32 s1, $0x11  }
0xbb: {  	s0 =	sor.u32 s1, s0  }
0xbc: {  	s0 =	sadd.s32 $0x8F2B, s0  }
0xbd: {  	[sflag:s0] =	ssyncadd.remote.s32 $0x1  }
0xbe: {  	_ =	sfence.sel $0xFFFF  }
0xbf: {  	[dreg:$0x0] =	wrdreg $0xFFFFFFFF;
	(pc) =	sbr.abs _section_cstart, $3  }
0xc0: {  	[dreg:$0x1] =	wrdreg $0xFFFFFFFF  }
0xc1: {  	_ =	task.clear_ibuf [dreg:s6], $0x2FFFF;
	_ =	strace $0x9FFFFFFF  }
0xc2: {  	(tm) =	ssettm $0x7FFFFFFF  }
0xc3: {  	_ =	shalt  }
tec
execute0_lowered:
.L_overlay_start_1:
0x0: {  	(tag) =	ssettag $0x1  }
0x1: {  	s0 =	rddreg [dreg:$0x0]  }
0x2: {  	s1 =	rddreg [dreg:$0x1];
	s3 =	simm.s32 $0x0;
	s2 =	srdreg.scid  }
0x3: {  	s7 =	stileid.u32;
	s16 =	simm.s32 $0x16800;
	s17 =	simm.s32 $0x5  }
0x4: {  	s18 =	simm.s32 $0x14000;
	s19 =	simm.s32 $0x15400;
	s20 =	simm.s32 $0x80  }
0x5: {  	s21 =	simm.s32 $0x1;
	s22 =	simm.s32 $0x14080;
	s23 =	simm.s32 $0x1A800  }
0x6: {  	s24 =	simm.s32 $0x2;
	s28 =	simm.s32 $0x3;
	s29 =	simm.s32 $0x14100  }
0x7: {  	s30 =	simm.s32 $0x4;
	s31 =	simm.s32 $0x0;
	[smem:$0x7FF] =	sst s3  }
0x8: {  	s2 =	sand.u32 $0x1, s2;
	s4 =	sadd.s32 $0x17800, s0;
	s11 =	smul.u32 $0x14000, s7  }
0x9: {  	s8 =	sadd.s32 $0xD800, s0;
	s9 =	sadd.s32 $0x3800, s0;
	s5 =	smul.u32 $0x140000, s2  }
0xa: {  	_ =	strace $0x80000047;
	s6 =	sshll.u32 s2, $0x4;
	s2 =	ssub.s32 $0x2, s2  }
0xb: {  	s6 =	sor.u32 s7, s6;
	s7 =	smul.u32 $0x50000, s7;
	s25 =	sshrl.u32 s2, $0x1  }
0xc: {  	s26 =	sadd.s32 s11, s1;
	s5 =	sadd.s32 s11, s5;
	s6 =	smul.u32 $0x2800, s6  }
0xd: {  	s2 =	ssub.s32 s2, s25;
	s25 =	sshrl.u32 s26, $0x3;
	s26 =	simm.s32 $0x15480  }
0xe: {  	s5 =	sshrl.u32 s5, $0x3;
	s7 =	sshrl.u32 s7, $0x2;
	s11 =	smax.u32 s2, $0x1  }
.Ltmp0:
0xf: {  	s0 =	sadd.s32 s5, s0;
	s10 =	sshrl.u32 s6, $0x3;
	(pc) =	sbr.rel .LBB2_1-.Ltmp0, $4  }
0x10: {  	s5 =	sadd.s32 s7, s1;
	s6 =	sadd.s32 s8, s10;
	s7 =	sadd.s32 s9, s10  }
0x11: {  	s10 =	sadd.s32 $0x280, s10;
	s12 =	sadd.s32 $0x4000, s5;
	s13 =	sadd.s32 $0x8000, s5  }
0x12: {  	s14 =	sadd.s32 $0xC000, s5;
	s15 =	sadd.s32 $0x10000, s5;
	[dreg:$0x3] =	wrdreg s6  }
0x13: {  	v0 =	vimm.f32 $0.0e+00;
	s8 =	sadd.s32 s8, s10;
	s9 =	sadd.s32 s9, s10;
	s10 =	sadd.s32 $0x3F800, s0  }
.LBB2_9:
0x14: {  	_ =	swait.ge [sflag:s30], $0x4000  }
0x15: {  	s0 =	stileid.u32;
	s31 =	sadd.s32 $0x1, s31;
	[sflag:s30] =	ssyncset.done $0x0  }
0x16: {  	s0 =	sshll.u32 s0, $0x6;
	p0 =	sne.s32 s31, s11;
	[sflag:s30] =	ssyncadd.s32 $0xFFFFC000  }
.Ltmp1:
0x17: {  	s0 =	sor.u32 $0x1C05, s0;
	[bflag:$0x0] =	sbarrier.arrive $0xFFFF;
	(pc) =	sbr.rel @!p0 .LBB2_10-.Ltmp1, $4  }
0x18: {  	[hbm:s10], [sflag:s0] =	dma.local [spmem:s25], $0x2800  }
0x19: {  	_ =	swait.ge [sflag:s17], $0x2800  }
0x1a: {  	[sflag:s17] =	ssyncset.done $0x0  }
0x1b: {  	[sflag:s17] =	ssyncadd.s32 $0xFFFFD800  }
.LBB2_1:
0x1c: {  	s0 =	simm.s32 $0x0;
	s2 =	simm.s32 $0x200  }
.LBB2_2:
0x1d: {  	p0 =	sne.s32 s2, $0xFE00;
	[tilespmem:s0+$0x16870] =	vst v0  }
0x1e: {  	[tilespmem:s0+$0x16800] =	vst v0  }
0x1f: {  	[tilespmem:s0+$0x16810] =	vst v0  }
.Ltmp2:
0x20: {  	[tilespmem:s0+$0x16820] =	vst v0;
	(pc) =	sbr.rel @p0 .LBB2_2-.Ltmp2, $4  }
0x21: {  	[tilespmem:s0+$0x16830] =	vst v0  }
0x22: {  	[tilespmem:s0+$0x16840] =	vst v0  }
0x23: {  	[tilespmem:s0+$0x16850] =	vst v0  }
0x24: {  	[tilespmem:s0+$0x16860] =	vst v0;
	s0 =	sshra.s32 s2, $0x2;
	s2 =	sadd.s32 $0x200, s2  }
0x25: {  	[tilespmem:s0+$0x16870] =	vst v0  }
0x26: {  	[tilespmem:s0+$0x16800] =	vst v0  }
0x27: {  	[tilespmem:s0+$0x16810] =	vst v0  }
0x28: {  	[tilespmem:s0+$0x16820] =	vst v0  }
0x29: {  	[tilespmem:s0+$0x16830] =	vst v0  }
0x2a: {  	[tilespmem:s0+$0x16840] =	vst v0  }
0x2b: {  	[tilespmem:s0+$0x16850] =	vst v0  }
0x2c: {  	[tilespmem:s0+$0x16860] =	vst v0  }
0x2d: {  	[spmem:s5] =	stream.linear.scatter [tilespmem:s16], [sflag:$0x5], $0x4000, $0x38;
	[tilespmem:$0x1E800] =	vst v63  }
0x2e: {  	_ =	swait.ge [sflag:s17], $0x4000  }
0x2f: {  	[sflag:s17] =	ssyncset.done $0x0  }
0x30: {  	[sflag:s17] =	ssyncadd.s32 $0xFFFFC000  }
0x31: {  	[spmem:s12] =	stream.linear.scatter [tilespmem:s16], [sflag:$0x5], $0x4000, $0x38;
	[tilespmem:$0x1E800] =	vst v63  }
0x32: {  	_ =	swait.ge [sflag:s17], $0x4000  }
0x33: {  	[sflag:s17] =	ssyncset.done $0x0  }
0x34: {  	[sflag:s17] =	ssyncadd.s32 $0xFFFFC000  }
0x35: {  	[spmem:s13] =	stream.linear.scatter [tilespmem:s16], [sflag:$0x5], $0x4000, $0x38;
	[tilespmem:$0x1E800] =	vst v63  }
0x36: {  	_ =	swait.ge [sflag:s17], $0x4000  }
0x37: {  	[sflag:s17] =	ssyncset.done $0x0  }
0x38: {  	[sflag:s17] =	ssyncadd.s32 $0xFFFFC000  }
0x39: {  	[spmem:s14] =	stream.linear.scatter [tilespmem:s16], [sflag:$0x5], $0x4000, $0x38;
	[tilespmem:$0x1E800] =	vst v63  }
0x3a: {  	_ =	swait.ge [sflag:s17], $0x4000  }
0x3b: {  	[sflag:s17] =	ssyncset.done $0x0  }
0x3c: {  	[sflag:s17] =	ssyncadd.s32 $0xFFFFC000  }
0x3d: {  	[spmem:s15] =	stream.linear.scatter [tilespmem:s16], [sflag:$0x5], $0x4000, $0x38;
	[tilespmem:$0x1E800] =	vst v63  }
0x3e: {  	_ =	swait.ge [sflag:s17], $0x4000  }
0x3f: {  	[sflag:s17] =	ssyncset.done $0x0  }
0x40: {  	[sflag:s17] =	ssyncadd.s32 $0xFFFFC000  }
0x41: {  	[bflag:$0x0] =	sbarrier.arrive $0xFFFF  }
0x42: {  	s6 =	rddreg [dreg:$0x3]  }
0x43: {  	[tilespmem:s18], [sflag:$0x5] =	stream.linear.gather [hbm4b:s6+s3], $0x1400, $0x38;
	[tilespmem:$0x1E800] =	vst v63  }
0x44: {  	_ =	swait.ge [sflag:s17], $0x1400  }
0x45: {  	[sflag:s17] =	ssyncset.done $0x0  }
0x46: {  	[sflag:s17] =	ssyncadd.s32 $0xFFFFEC00  }
0x47: {  	[tilespmem:s19], [sflag:$0x5] =	stream.linear.gather [hbm4b:s7+s3], $0x1400, $0x38;
	[tilespmem:$0x1E800] =	vst v63  }
0x48: {  	_ =	swait.ge [sflag:s17], $0x1400  }
0x49: {  	[sflag:s17] =	ssyncset.done $0x0  }
0x4a: {  	[sflag:s17] =	ssyncadd.s32 $0xFFFFEC00  }
0x4b: {  	[tilespmem:s16], [sflag:$0x1] =	stream.indirect.gather [hbm4b:s4+s20], $0x80, s18, s20, $0xb8;
	[tilespmem:$0x1E800] =	vst v63  }
0x4c: {  	_ =	swait.ge [sflag:s21], $0x4000  }
0x4d: {  	[sflag:s21] =	ssyncset.done $0x0  }
0x4e: {  	[sflag:s21] =	ssyncadd.s32 $0xFFFFC000  }
0x4f: {  	[spmem:s1] =	stream.indirect.scatter.add.f32 [tilespmem:s16], [sflag:$0x3], $0x80, s19, s20, $0xb8;
	[tilespmem:$0x1E800] =	vst v63  }
0x50: {  	_ = 	snop  }
0x51: {  	[tilespmem:s23], [sflag:$0x2] =	stream.indirect.gather [hbm4b:s4+s20], $0x80, s22, s20, $0xb8;
	[tilespmem:$0x1E800] =	vst v63  }
0x52: {  	_ =	swait.ge [sflag:s24], $0x4000  }
0x53: {  	[sflag:s24] =	ssyncset.done $0x0  }
0x54: {  	[sflag:s24] =	ssyncadd.s32 $0xFFFFC000  }
0x55: {  	[spmem:s1] =	stream.indirect.scatter.add.f32 [tilespmem:s23], [sflag:$0x4], $0x80, s26, s20, $0xb8;
	[tilespmem:$0x1E800] =	vst v63  }
0x56: {  	_ =	swait.ge [sflag:s28], $0x4000  }
0x57: {  	[sflag:s28] =	ssyncset.done $0x0  }
0x58: {  	s0 =	simm.s32 $0xFFFFB800;
	[sflag:s28] =	ssyncadd.s32 $0xFFFFC000  }
0x59: {  	[tilespmem:s16], [sflag:$0x1] =	stream.indirect.gather [hbm4b:s4+s20], $0x80, s29, s20, $0xb8;
	[tilespmem:$0x1E800] =	vst v63  }
.LBB2_4:
0x5a: {  	_ =	swait.ge [sflag:s21], $0x4000  }
0x5b: {  	s2 =	sshra.s32 s0, $0x2;
	[sflag:s21] =	ssyncset.done $0x0  }
0x5c: {  	s6 =	sadd.s32 $0x16700, s2;
	[sflag:s21] =	ssyncadd.s32 $0xFFFFC000  }
0x5d: {  	[spmem:s1] =	stream.indirect.scatter.add.f32 [tilespmem:s16], [sflag:$0x3], $0x80, s6, s20, $0xb8;
	[tilespmem:$0x1E800] =	vst v63  }
0x5e: {  	_ =	swait.ge [sflag:s30], $0x4000  }
0x5f: {  	[sflag:s30] =	ssyncset.done $0x0  }
0x60: {  	s6 =	sadd.s32 $0x15380, s2;
	[sflag:s30] =	ssyncadd.s32 $0xFFFFC000  }
0x61: {  	[tilespmem:s23], [sflag:$0x2] =	stream.indirect.gather [hbm4b:s4+s20], $0x80, s6, s20, $0xb8;
	[tilespmem:$0x1E800] =	vst v63  }
0x62: {  	_ =	swait.ge [sflag:s24], $0x4000  }
0x63: {  	p0 =	seq.s32 s0, $0x0;
	[sflag:s24] =	ssyncset.done $0x0  }
.Ltmp3:
0x64: {  	s6 =	sadd.s32 $0x16780, s2;
	[sflag:s24] =	ssyncadd.s32 $0xFFFFC000;
	(pc) =	sbr.rel @p0 .LBB2_6-.Ltmp3, $4  }
0x65: {  	[spmem:s1] =	stream.indirect.scatter.add.f32 [tilespmem:s23], [sflag:$0x4], $0x80, s6, s20, $0xb8;
	[tilespmem:$0x1E800] =	vst v63  }
0x66: {  	_ =	swait.ge [sflag:s28], $0x4000  }
0x67: {  	[sflag:s28] =	ssyncset.done $0x0  }
0x68: {  	[sflag:s28] =	ssyncadd.s32 $0xFFFFC000  }
.Ltmp4:
0x69: {  	(pc) =	sbr.rel .LBB2_4-.Ltmp4, $3  }
0x6a: {  	_ =	sdelay $0x1  }
0x6b: {  	s2 =	sadd.s32 $0x15400, s2;
	s0 =	sadd.s32 $0x400, s0  }
0x6c: {  	[tilespmem:s16], [sflag:$0x1] =	stream.indirect.gather [hbm4b:s4+s20], $0x80, s2, s20, $0xb8;
	[tilespmem:$0x1E800] =	vst v63  }
.LBB2_6:
0x6d: {  	_ =	swait.ge [sflag:s30], $0x4000  }
0x6e: {  	[sflag:s30] =	ssyncset.done $0x0  }
0x6f: {  	[sflag:s30] =	ssyncadd.s32 $0xFFFFC000  }
0x70: {  	[tilespmem:s18], [sflag:$0x5] =	stream.linear.gather [hbm4b:s8+s3], $0x1400, $0x38;
	[tilespmem:$0x1E800] =	vst v63  }
0x71: {  	_ =	swait.ge [sflag:s17], $0x1400  }
0x72: {  	[sflag:s17] =	ssyncset.done $0x0  }
0x73: {  	[sflag:s17] =	ssyncadd.s32 $0xFFFFEC00  }
0x74: {  	[tilespmem:s19], [sflag:$0x5] =	stream.linear.gather [hbm4b:s9+s3], $0x1400, $0x38;
	[tilespmem:$0x1E800] =	vst v63  }
0x75: {  	_ =	swait.ge [sflag:s17], $0x1400  }
0x76: {  	[sflag:s17] =	ssyncset.done $0x0  }
0x77: {  	[sflag:s17] =	ssyncadd.s32 $0xFFFFEC00  }
0x78: {  	[tilespmem:s16], [sflag:$0x1] =	stream.indirect.gather [hbm4b:s4+s20], $0x80, s18, s20, $0xb8;
	[tilespmem:$0x1E800] =	vst v63  }
0x79: {  	_ =	swait.ge [sflag:s21], $0x4000  }
0x7a: {  	[sflag:s21] =	ssyncset.done $0x0  }
0x7b: {  	[sflag:s21] =	ssyncadd.s32 $0xFFFFC000  }
0x7c: {  	[spmem:s1] =	stream.indirect.scatter.add.f32 [tilespmem:s16], [sflag:$0x3], $0x80, s19, s20, $0xb8;
	[tilespmem:$0x1E800] =	vst v63  }
0x7d: {  	_ = 	snop  }
0x7e: {  	[tilespmem:s23], [sflag:$0x2] =	stream.indirect.gather [hbm4b:s4+s20], $0x80, s22, s20, $0xb8;
	[tilespmem:$0x1E800] =	vst v63  }
0x7f: {  	_ =	swait.ge [sflag:s24], $0x4000  }
0x80: {  	[sflag:s24] =	ssyncset.done $0x0  }
0x81: {  	[sflag:s24] =	ssyncadd.s32 $0xFFFFC000  }
0x82: {  	[spmem:s1] =	stream.indirect.scatter.add.f32 [tilespmem:s23], [sflag:$0x4], $0x80, s26, s20, $0xb8;
	[tilespmem:$0x1E800] =	vst v63  }
0x83: {  	_ =	swait.ge [sflag:s28], $0x4000  }
0x84: {  	[sflag:s28] =	ssyncset.done $0x0  }
0x85: {  	s0 =	simm.s32 $0xFFFFB800;
	[sflag:s28] =	ssyncadd.s32 $0xFFFFC000  }
0x86: {  	[tilespmem:s16], [sflag:$0x1] =	stream.indirect.gather [hbm4b:s4+s20], $0x80, s29, s20, $0xb8;
	[tilespmem:$0x1E800] =	vst v63  }
.LBB2_7:
0x87: {  	_ =	swait.ge [sflag:s21], $0x4000  }
0x88: {  	s2 =	sshra.s32 s0, $0x2;
	[sflag:s21] =	ssyncset.done $0x0  }
0x89: {  	s6 =	sadd.s32 $0x16700, s2;
	[sflag:s21] =	ssyncadd.s32 $0xFFFFC000  }
0x8a: {  	[spmem:s1] =	stream.indirect.scatter.add.f32 [tilespmem:s16], [sflag:$0x3], $0x80, s6, s20, $0xb8;
	[tilespmem:$0x1E800] =	vst v63  }
0x8b: {  	_ =	swait.ge [sflag:s30], $0x4000  }
0x8c: {  	[sflag:s30] =	ssyncset.done $0x0  }
0x8d: {  	s6 =	sadd.s32 $0x15380, s2;
	[sflag:s30] =	ssyncadd.s32 $0xFFFFC000  }
0x8e: {  	[tilespmem:s23], [sflag:$0x2] =	stream.indirect.gather [hbm4b:s4+s20], $0x80, s6, s20, $0xb8;
	[tilespmem:$0x1E800] =	vst v63  }
0x8f: {  	_ =	swait.ge [sflag:s24], $0x4000  }
0x90: {  	p0 =	seq.s32 s0, $0x0;
	[sflag:s24] =	ssyncset.done $0x0  }
.Ltmp5:
0x91: {  	s6 =	sadd.s32 $0x16780, s2;
	[sflag:s24] =	ssyncadd.s32 $0xFFFFC000;
	(pc) =	sbr.rel @p0 .LBB2_9-.Ltmp5, $4  }
0x92: {  	[spmem:s1] =	stream.indirect.scatter.add.f32 [tilespmem:s23], [sflag:$0x4], $0x80, s6, s20, $0xb8;
	[tilespmem:$0x1E800] =	vst v63  }
0x93: {  	_ =	swait.ge [sflag:s28], $0x4000  }
0x94: {  	[sflag:s28] =	ssyncset.done $0x0  }
0x95: {  	[sflag:s28] =	ssyncadd.s32 $0xFFFFC000  }
.Ltmp6:
0x96: {  	(pc) =	sbr.rel .LBB2_7-.Ltmp6, $3  }
0x97: {  	_ =	sdelay $0x1  }
0x98: {  	s2 =	sadd.s32 $0x15400, s2;
	s0 =	sadd.s32 $0x400, s0  }
0x99: {  	[tilespmem:s16], [sflag:$0x1] =	stream.indirect.gather [hbm4b:s4+s20], $0x80, s2, s20, $0xb8;
	[tilespmem:$0x1E800] =	vst v63  }
.LBB2_10:
0x9a: {  	_ =	sfence.sel $0x180000  }
0x9b: {  	[bflag:$0x0] =	sbarrier.arrive $0xFFFF  }
0x9c: {  	_ =	strace $0x90000047  }
0x9d: {  	s0 =	stileid.u32;
	[bflag:$0x2] =	sbarrier.arrive $0xFFFF  }
0x9e: {  	p0 =	sne.s32 s0, $0x0;
	s0 =	rddreg [dreg:$0x2]  }
0x9f: {  	s0 =	sadd.s32 @!p0 $0x100000, s0  }
0xa0: {  	[sflag:s0] =	ssyncadd.tile.s32 @!p0 $0x1;
	_ =	shalt  }
.Lfunc_end2:
_tile_overlayer_lowered:
.L_overlay_start_2:
0xa1: {  	(tag) =	ssettag $0x2  }
0xa2: {  	s0 =	rddreg [dreg:$0x0];
	s2 =	stileid.u32  }
0xa3: {  	s1 =	rddreg [dreg:$0x1];
	p0 =	sne.s32 s2, $0x0  }
0xa4: {  	s3 =	rddreg [dreg:$0x2];
	[bflag:$0x3] =	sbarrier.arrive $0xFFFF;
	s2 =	simm.s32 @!p0 $0x1C05  }
0xa5: {  	[timem:s3], [sflag:s2] =	dma.local @!p0 [hbm:s0], s1  }
0xa6: {  	s0 =	simm.s32 @!p0 $0x5  }
0xa7: {  	_ =	swait.ge @!p0 [sflag:s0], s1  }
0xa8: {  	s1 =	ssub.s32 @!p0 $0x0, s1;
	[sflag:s0] =	ssyncset.done @!p0 $0x0  }
0xa9: {  	[sflag:s0] =	ssyncadd.s32 @!p0 s1  }
0xaa: {  	[bflag:$0x3] =	sbarrier.arrive $0xFFFF  }
0xab: {  	_ =	shalt  }

// kernel: kernel.13.cloned.1.call-start
scs
__scs_entry_jumppad:
0x0: {  	(pc) =	sbr.rel $0x88, $3  }
0x1: {  	(tag) =	ssettag $0x0;
	lr =	simm.s32 $0x1  }
0x2: {  	[smem:$0x3F8E] =	sst lr;
	_ =	strace $0xD0000000  }
0x3: {  	_ = 	snop  }
0x4: {  	_ = 	snop  }
0x5: {  	_ = 	snop  }
0x6: {  	_ = 	snop  }
0x7: {  	_ = 	snop  }
__scs_overlays_trampoline_lowered:
0x8: {  	[smem:$0x3F9D] =	sst s0  }
0x9: {  	[smem:$0x3F9E] =	sst s1  }
0xa: {  	[smem:$0x3F9F] =	sst s2  }
0xb: {  	[smem:$0x3FA0] =	sst s3  }
0xc: {  	[smem:$0x3FA1] =	sst s4  }
0xd: {  	[smem:$0x3FA2] =	sst s5  }
0xe: {  	[smem:$0x3FA3] =	sst s6  }
0xf: {  	[smem:$0x3FA4] =	sst s7  }
0x10: {  	[smem:$0x3FA5] =	sst s8  }
0x11: {  	[smem:$0x3FA6] =	sst s9;
	s0 =	simm.s32 @!p0 $0x0  }
0x12: {  	s1 =	sld [smem:$0x3F8C];
	s0 =	simm.s32 @p0 $0x1  }
0x13: {  	[smem:$0x3FA7] =	sst s0;
	s0 =	simm.s32 @!p1 $0x0  }
0x14: {  	s2 =	sld [smem:$0x3F8B];
	s0 =	simm.s32 @p1 $0x1  }
0x15: {  	[smem:$0x3FA8] =	sst s0;
	s0 =	simm.s32 @!p2 $0x0  }
0x16: {  	s3 =	sld [smem:$0x3FDB];
	s0 =	simm.s32 @p2 $0x1  }
0x17: {  	s4 =	simm.s32 $0x1BF5;
	[smem:$0x3FAA] =	sst s0  }
0x18: {  	s0 =	sld [smem:$0x3F8D];
	_ =	swait.ge [sflag:s4], $0x0  }
0x19: {  	s7 =	sld [smem:$0x3F8E]  }
0x1a: {  	s8 =	sadd.s32 $0xFFFFE003, lr  }
0x1b: {  	s9 =	sadd.s32 $0xFFFFFEF7, lr;
	s5 =	simm.s32 $0xFFFFFFFF;
	p2 =	slt.u32 s8, $0xFFFFF086  }
0x1c: {  	p1 =	slt.u32 s9, $0xF7A;
	s5 =	simm.s32 @!p2 $0x0  }
0x1d: {  	s5 =	simm.s32 @p1 $0x1;
	p0 =	seq.s32 s7, s2  }
0x1e: {  	s7 =	smul.u32 @!p0 $0xF7A, s2;
	p2 =	seq.s32 @!p0 s5, $0x0  }
0x1f: {  	s9 =	smul.u32 $0xF7A, s1;
	s8 =	simm.s32 @!p0 $0x1BF5;
	p2 =	por !p2, p0  }
0x20: {  	[sflag:s8] =	ssyncset.s32 @!p0 $0xFFFFF086;
	s6 =	sadd.s32 @!p0 s3, s7;
	s7 =	simm.s32 @!p0 $0x108  }
0x21: {  	s3 =	sadd.s32 s3, s9;
	s6 =	sadd.s32 @!p0 $0x88, s6;
	s7 =	simm.s32 @p2 $0x1082  }
0x22: {  	[simem:s7], [sflag:s8] =	dma.local @!p0 [hbm:s6], $0xF7A  }
0x23: {  	s9 =	sor.u32 $0xD0000000, s2;
	s6 =	simm.s32 $0x108;
	_ =	swait.ge @!p0 [sflag:s8], $0x0  }
0x24: {  	s3 =	sadd.s32 $0x88, s3;
	s6 =	simm.s32 @!p1 $0x1082;
	[sflag:s4] =	ssyncset.s32 $0xFFFFF086  }
0x25: {  	[simem:s6], [sflag:s4] =	dma.local [hbm:s3], $0xF7A  }
0x26: {  	[smem:$0x3F8E] =	sst s1;
	(tag) =	ssettag s2;
	_ =	strace s9  }
0x27: {  	s1 =	sld [smem:$0x3F9E]  }
0x28: {  	s2 =	sld [smem:$0x3F9F]  }
0x29: {  	s4 =	sld [smem:$0x3FA1]  }
0x2a: {  	p0 =	seq.s32 s5, $0x0;
	s5 =	sld [smem:$0x3FA2]  }
0x2b: {  	s6 =	sld [smem:$0x3FA3]  }
0x2c: {  	s7 =	sld [smem:$0x3FA4]  }
0x2d: {  	s3 =	simm.s32 $0x108;
	s8 =	sld [smem:$0x3FA5]  }
0x2e: {  	s3 =	simm.s32 @!p0 $0x1082;
	s9 =	sld [smem:$0x3FA6]  }
0x2f: {  	lr =	sadd.s32 s0, s3;
	s0 =	sld [smem:$0x3F9D]  }
0x30: {  	s3 =	sld [smem:$0x3FA0]  }
0x31: {  	[smem:$0x3FA9] =	sst s10  }
0x32: {  	s10 =	sld [smem:$0x3FA7];
	_ =	sdelay $0x3  }
0x33: {  	p0 =	seq.s32 s10, $0x1;
	s10 =	sld [smem:$0x3FA9];
	_ =	sdelay $0x3  }
0x34: {  	[smem:$0x3FA9] =	sst s10  }
0x35: {  	s10 =	sld [smem:$0x3FA8];
	_ =	sdelay $0x3  }
0x36: {  	p1 =	seq.s32 s10, $0x1;
	s10 =	sld [smem:$0x3FA9];
	_ =	sdelay $0x3  }
0x37: {  	[smem:$0x3FA9] =	sst s10  }
0x38: {  	s10 =	sld [smem:$0x3FAA]  }
0x39: {  	_ = 	snop;
	(pc) =	sbr.ind lr, $3  }
0x3a: {  	_ = 	snop  }
0x3b: {  	_ = 	snop  }
0x3c: {  	p2 =	seq.s32 s10, $0x1;
	s10 =	sld [smem:$0x3FA9]  }
0x3d: {  	_ =	shalt  }
0x3e: {  	_ =	shalt  }
0x3f: {  	_ =	shalt  }
0x40: {  	_ =	shalt  }
0x41: {  	_ =	shalt  }
0x42: {  	_ =	shalt  }
0x43: {  	_ =	shalt  }
0x44: {  	_ =	shalt  }
0x45: {  	_ =	shalt  }
0x46: {  	_ =	shalt  }
0x47: {  	_ =	shalt  }
0x48: {  	_ =	shalt  }
0x49: {  	_ =	shalt  }
0x4a: {  	_ =	shalt  }
0x4b: {  	_ =	shalt  }
0x4c: {  	_ =	shalt  }
0x4d: {  	_ =	shalt  }
0x4e: {  	_ =	shalt  }
0x4f: {  	_ =	shalt  }
0x50: {  	_ =	shalt  }
0x51: {  	_ =	shalt  }
0x52: {  	_ =	shalt  }
0x53: {  	_ =	shalt  }
0x54: {  	_ =	shalt  }
0x55: {  	_ =	shalt  }
0x56: {  	_ =	shalt  }
0x57: {  	_ =	shalt  }
0x58: {  	_ =	shalt  }
0x59: {  	_ =	shalt  }
0x5a: {  	_ =	shalt  }
0x5b: {  	_ =	shalt  }
0x5c: {  	_ =	shalt  }
0x5d: {  	_ =	shalt  }
0x5e: {  	_ =	shalt  }
0x5f: {  	_ =	shalt  }
0x60: {  	_ =	shalt  }
0x61: {  	_ =	shalt  }
0x62: {  	_ =	shalt  }
0x63: {  	_ =	shalt  }
0x64: {  	_ =	shalt  }
0x65: {  	_ =	shalt  }
0x66: {  	_ =	shalt  }
0x67: {  	_ =	shalt  }
0x68: {  	_ =	shalt  }
0x69: {  	_ =	shalt  }
0x6a: {  	_ =	shalt  }
0x6b: {  	_ =	shalt  }
0x6c: {  	_ =	shalt  }
0x6d: {  	_ =	shalt  }
0x6e: {  	_ =	shalt  }
0x6f: {  	_ =	shalt  }
0x70: {  	_ =	shalt  }
0x71: {  	_ =	shalt  }
0x72: {  	_ =	shalt  }
0x73: {  	_ =	shalt  }
0x74: {  	_ =	shalt  }
0x75: {  	_ =	shalt  }
0x76: {  	_ =	shalt  }
0x77: {  	_ =	shalt  }
0x78: {  	_ =	shalt  }
0x79: {  	_ =	shalt  }
0x7a: {  	_ =	shalt  }
0x7b: {  	_ =	shalt  }
0x7c: {  	_ =	shalt  }
0x7d: {  	_ =	shalt  }
0x7e: {  	_ =	shalt  }
0x7f: {  	_ =	shalt  }
0x80: {  	_ =	shalt  }
0x81: {  	_ =	shalt  }
0x82: {  	_ =	shalt  }
0x83: {  	_ =	shalt  }
0x84: {  	_ =	shalt  }
0x85: {  	_ =	shalt  }
0x86: {  	_ =	shalt  }
0x87: {  	_ =	shalt  }
.Lfunc_end0:
.L_simem_size_0:
called_computation.1_lowered:
.L_overlay_start_0:
0x88: {  	s2 =	sld [smem:$0x3FD9]  }
0x89: {  	s3 =	sld [smem:$0x3FFE];
	_ =	sdelay $0x1  }
0x8a: {  	s1 =	srdreg.scid  }
0x8b: {  	s0 =	sand.u32 $0x1, s1  }
0x8c: {  	s16 =	sshll.u32 s0, $0xA;
	s2 =	sadd.s32 s3, s2  }
0x8d: {  	s2 =	sadd.s32 s2, s16  }
0x8e: {  	[smem:$0x3FB5] =	sst s2  }
0x8f: {  	_ = 	snop  }
0x90: {  	(tm) =	ssettm $0x1  }
0x91: {  	s17 =	sld [smem:$0x3FFB];
	_ =	sdelay $0x3  }
0x92: {  	_ =	strace s17  }
0x93: {  	s2 =	sld [smem:$0x3FFC];
	_ =	sdelay $0x3  }
0x94: {  	_ =	strace s2  }
0x95: {  	s2 =	sld [smem:$0x3FFD];
	_ =	sdelay $0x3  }
0x96: {  	_ =	strace s2  }
0x97: {  	_ =	strace $0x8FFFFFFF  }
0x98: {  	s18 =	sld [smem:$0x3FDB];
	_ =	sdelay $0x1  }
0x99: {  	s19 =	simm.s32 $_scs_section_size  }
0x9a: {  	s4 =	simm.s32 $_size__tile_overlayer_lowered;
	s5 =	simm.s32 $_tile_overlayer_lowered  }
0x9b: {  	s22 =	simm.s32 $0x1BFF;
	s21 =	sshll.u32 s5, $0x1;
	s2 =	sadd.s32 s19, s18  }
0x9c: {  	s6 =	simm.s32 $0x0;
	s20 =	sshll.u32 s4, $0x1;
	s4 =	sadd.s32 s21, s2  }
0x9d: {  	[timem:s6], [sflag:s22] =	dma.local [hbm:s4], s20  }
0x9e: {  	_ =	swait.ge [sflag:s22], s20  }
0x9f: {  	s3 =	ssub.s32 $0x0, s20;
	[sflag:s22] =	ssyncset.done $0x0  }
0xa0: {  	[sflag:s22] =	ssyncadd.s32 s3;
	_ =	sdelay $0x1  }
0xa1: {  	s23 =	simm.s32 $0x1B8B  }
0xa2: {  	_ =	swait.ge [sflag:s23], $0x1  }
0xa3: {  	[sflag:s23] =	ssyncset.done $0x0  }
0xa4: {  	s25 =	simm.s32 $0x1B8E;
	s24 =	sld [smem:$0x3FFE];
	[sflag:s23] =	ssyncadd.s32 $0xFFFFFFFF  }
0xa5: {  	s26 =	simm.s32 $execute0_lowered;
	[smem:$0x3FD2] =	sst s25  }
0xa6: {  	s4 =	sshll.u32 s26, $0x1;
	_ =	strace $0x80000049;
	[dreg:$0x1] =	wrdreg $0xFFFFFFFF  }
0xa7: {  	s28 =	simm.s32 $_size_execute0_lowered;
	s2 =	sadd.s32 s2, s4;
	[dreg:$0x0] =	wrdreg $0x0  }
0xa8: {  	s4 =	sshll.u32 s28, $0x1;
	[dreg:$0x2] =	wrdreg s2  }
0xa9: {  	[dreg:$0x3] =	wrdreg s4  }
0xaa: {  	[dreg:$0x4] =	wrdreg $0xC0  }
0xab: {  	_ =	task [dreg:s6], $0x5FFFF  }
0xac: {  	[dreg:$0x1] =	wrdreg $0xFFFFFFFF  }
0xad: {  	[dreg:$0x0] =	wrdreg $0x60  }
0xae: {  	[dreg:$0x2] =	wrdreg s24  }
0xaf: {  	[dreg:$0x3] =	wrdreg $0x0  }
0xb0: {  	[dreg:$0x4] =	wrdreg $0x9  }
0xb1: {  	_ =	task.clear_ibuf [dreg:s6], $0x5FFFF;
	_ =	strace $0x90000049  }
0xb2: {  	s29 =	simm.s32 $0x9;
	_ =	strace $0x8000004B  }
0xb3: {  	_ =	swait.ge [sflag:s29], $0x1  }
0xb4: {  	[sflag:s29] =	ssyncadd.s32 $0xFFFFFFFF  }
0xb5: {  	_ =	strace $0x9000004B  }
0xb6: {  	_ =	sfence  }
0xb7: {  	s30 =	sld [smem:$0x0];
	_ =	sdelay $0x2  }
0xb8: {  	s31 =	sshll.u32 s1, $0xD;
	s1 =	sshrl.u32 s1, $0x2  }
0xb9: {  	s3 =	sand.u32 $0x4000, s31;
	s1 =	sadd.s32 s1, s30  }
0xba: {  	s0 =	sor.u32 s3, s0;
	s1 =	sshll.u32 s1, $0x11  }
0xbb: {  	s0 =	sor.u32 s1, s0  }
0xbc: {  	s0 =	sadd.s32 $0x8F2B, s0  }
0xbd: {  	[sflag:s0] =	ssyncadd.remote.s32 $0x1  }
0xbe: {  	_ =	sfence.sel $0xFFFF  }
0xbf: {  	[dreg:$0x0] =	wrdreg $0xFFFFFFFF;
	(pc) =	sbr.abs _section_cstart, $3  }
0xc0: {  	[dreg:$0x1] =	wrdreg $0xFFFFFFFF  }
0xc1: {  	_ =	task.clear_ibuf [dreg:s6], $0x2FFFF;
	_ =	strace $0x9FFFFFFF  }
0xc2: {  	(tm) =	ssettm $0x7FFFFFFF  }
0xc3: {  	_ =	shalt  }
tec
execute0_lowered:
.L_overlay_start_1:
0x0: {  	(tag) =	ssettag $0x1  }
0x1: {  	s0 =	rddreg [dreg:$0x0]  }
0x2: {  	s1 =	rddreg [dreg:$0x1]  }
0x3: {  	s2 =	srdreg.scid;
	s3 =	simm.s32 $0x0;
	s8 =	stileid.u32  }
0x4: {  	s14 =	simm.s32 $0xF000;
	s15 =	simm.s32 $0x9;
	s16 =	simm.s32 $0xA000  }
0x5: {  	s17 =	simm.s32 $0xC800;
	s18 =	simm.s32 $0x80;
	s20 =	simm.s32 $0x11000  }
0x6: {  	s21 =	simm.s32 $0x1;
	s23 =	simm.s32 $0x13000;
	s24 =	simm.s32 $0x2  }
0x7: {  	s29 =	simm.s32 $0x15000;
	s30 =	simm.s32 $0x3;
	s19 =	simm.s32 $0x4  }
0x8: {  	s31 =	simm.s32 $0x7;
	s2 =	sand.u32 $0x1, s2;
	s6 =	smul.u32 $0xA000, s8  }
0x9: {  	[smem:$0x7FF] =	sst s3;
	s4 =	sshll.u32 s2, $0x4;
	s5 =	smul.u32 $0xA0000, s2  }
0xa: {  	_ =	strace $0x8000004A;
	s2 =	ssub.s32 $0x2, s2;
	s4 =	sor.u32 s8, s4  }
0xb: {  	s8 =	smul.u32 $0x28000, s8;
	s25 =	sshrl.u32 s2, $0x1;
	s28 =	sadd.s32 s6, s1  }
0xc: {  	s7 =	smul.u32 $0x500, s4;
	s4 =	sadd.s32 $0x3F800, s0;
	s5 =	sadd.s32 s6, s5  }
0xd: {  	s2 =	ssub.s32 s2, s25;
	s25 =	sshrl.u32 s28, $0x3;
	s5 =	sshrl.u32 s5, $0x3  }
0xe: {  	s8 =	sshrl.u32 s8, $0x2;
	s9 =	smax.u32 s2, $0x1;
	s2 =	simm.s32 $0x8  }
.Ltmp0:
0xf: {  	s7 =	sadd.s32 s7, s0;
	s0 =	sadd.s32 s5, s0;
	(pc) =	sbr.rel .LBB2_1-.Ltmp0, $4  }
0x10: {  	s5 =	sadd.s32 s8, s1;
	s26 =	sadd.s32 $0xD800, s7;
	s7 =	sadd.s32 $0x3800, s7  }
0x11: {  	s8 =	sadd.s32 $0x53800, s0;
	s10 =	sadd.s32 $0x2000, s5;
	s11 =	sadd.s32 $0x4000, s5  }
0x12: {  	s12 =	sadd.s32 $0x6000, s5;
	s13 =	sadd.s32 $0x8000, s5;
	[dreg:$0x3] =	wrdreg s26  }
0x13: {  	v0 =	vimm.f32 $0.0e+00;
	s0 =	simm.s32 $0x5;
	[dreg:$0x4] =	wrdreg s7;
	s26 =	simm.s32 $0x6  }
.LBB2_6:
0x14: {  	_ =	swait.ge [sflag:s19], $0x2000  }
0x15: {  	[sflag:s19] =	ssyncset.done $0x0  }
0x16: {  	[sflag:s19] =	ssyncadd.s32 $0xFFFFE000  }
0x17: {  	[spmem:s1] =	stream.indirect.scatter.add.f32 [tilespmem:s29], [sflag:$0x8], $0x40, s6, s18, $0xb8;
	[tilespmem:$0x17000] =	vst v63  }
0x18: {  	_ =	swait.ge [sflag:s26], $0x2000  }
0x19: {  	[sflag:s26] =	ssyncset.done $0x0  }
0x1a: {  	[sflag:s26] =	ssyncadd.s32 $0xFFFFE000  }
0x1b: {  	_ =	swait.ge [sflag:s31], $0x2000  }
0x1c: {  	[sflag:s31] =	ssyncset.done $0x0  }
0x1d: {  	[sflag:s31] =	ssyncadd.s32 $0xFFFFE000  }
0x1e: {  	_ =	swait.ge [sflag:s2], $0x2000  }
0x1f: {  	s28 =	stileid.u32;
	s3 =	sadd.s32 $0x1, s3;
	[sflag:s2] =	ssyncset.done $0x0  }
0x20: {  	p0 =	sne.s32 s3, s9;
	s6 =	sshll.u32 s28, $0x6;
	[sflag:s2] =	ssyncadd.s32 $0xFFFFE000  }
.Ltmp1:
0x21: {  	s6 =	sor.u32 $0x1C09, s6;
	[bflag:$0x0] =	sbarrier.arrive $0xFFFF;
	(pc) =	sbr.rel @!p0 .LBB2_7-.Ltmp1, $4  }
0x22: {  	[hbm:s8], [sflag:s6] =	dma.local [spmem:s25], $0x1400  }
0x23: {  	_ =	swait.ge [sflag:s15], $0x1400  }
0x24: {  	[sflag:s15] =	ssyncset.done $0x0  }
0x25: {  	[sflag:s15] =	ssyncadd.s32 $0xFFFFEC00  }
.LBB2_1:
0x26: {  	s28 =	simm.s32 $0x100;
	s22 =	simm.s32 $0x0  }
.LBB2_2:
0x27: {  	p0 =	sne.s32 s28, $0x7F00;
	[tilespmem:s22+$0xF030] =	vst v0;
	s6 =	smov.u32 s28;
	s28 =	sadd.s32 $0x100, s28  }
.Ltmp2:
0x28: {  	[tilespmem:s22+$0xF020] =	vst v0;
	(pc) =	sbr.rel @p0 .LBB2_2-.Ltmp2, $3  }
0x29: {  	[tilespmem:s22+$0xF000] =	vst v0  }
0x2a: {  	[tilespmem:s22+$0xF010] =	vst v0;
	_ =	sdelay $0x1  }
0x2b: {  	s22 =	sshra.s32 s6, $0x2  }
0x2c: {  	[tilespmem:s22+$0xF030] =	vst v0  }
0x2d: {  	[tilespmem:s22+$0xF020] =	vst v0  }
0x2e: {  	[tilespmem:s22+$0xF000] =	vst v0  }
0x2f: {  	[tilespmem:s22+$0xF010] =	vst v0  }
0x30: {  	[spmem:s5] =	stream.linear.scatter [tilespmem:s14], [sflag:$0x9], $0x2000, $0x38;
	[tilespmem:$0x17000] =	vst v63  }
0x31: {  	_ =	swait.ge [sflag:s15], $0x2000  }
0x32: {  	[sflag:s15] =	ssyncset.done $0x0  }
0x33: {  	[sflag:s15] =	ssyncadd.s32 $0xFFFFE000  }
0x34: {  	[spmem:s10] =	stream.linear.scatter [tilespmem:s14], [sflag:$0x9], $0x2000, $0x38;
	[tilespmem:$0x17000] =	vst v63  }
0x35: {  	_ =	swait.ge [sflag:s15], $0x2000  }
0x36: {  	[sflag:s15] =	ssyncset.done $0x0  }
0x37: {  	[sflag:s15] =	ssyncadd.s32 $0xFFFFE000  }
0x38: {  	[spmem:s11] =	stream.linear.scatter [tilespmem:s14], [sflag:$0x9], $0x2000, $0x38;
	[tilespmem:$0x17000] =	vst v63  }
0x39: {  	_ =	swait.ge [sflag:s15], $0x2000  }
0x3a: {  	[sflag:s15] =	ssyncset.done $0x0  }
0x3b: {  	[sflag:s15] =	ssyncadd.s32 $0xFFFFE000  }
0x3c: {  	[spmem:s12] =	stream.linear.scatter [tilespmem:s14], [sflag:$0x9], $0x2000, $0x38;
	[tilespmem:$0x17000] =	vst v63  }
0x3d: {  	_ =	swait.ge [sflag:s15], $0x2000  }
0x3e: {  	[sflag:s15] =	ssyncset.done $0x0  }
0x3f: {  	[sflag:s15] =	ssyncadd.s32 $0xFFFFE000  }
0x40: {  	[spmem:s13] =	stream.linear.scatter [tilespmem:s14], [sflag:$0x9], $0x2000, $0x38;
	[tilespmem:$0x17000] =	vst v63  }
0x41: {  	_ =	swait.ge [sflag:s15], $0x2000  }
0x42: {  	[sflag:s15] =	ssyncset.done $0x0  }
0x43: {  	[sflag:s15] =	ssyncadd.s32 $0xFFFFE000  }
0x44: {  	[bflag:$0x0] =	sbarrier.arrive $0xFFFF  }
0x45: {  	s22 =	simm.s32 $0x0;
	s6 =	rddreg [dreg:$0x3]  }
0x46: {  	[tilespmem:s16], [sflag:$0x9] =	stream.linear.gather [hbm4b:s6+s22], $0x2800, $0x38;
	[tilespmem:$0x17000] =	vst v63  }
0x47: {  	_ =	swait.ge [sflag:s15], $0x2800  }
0x48: {  	[sflag:s15] =	ssyncset.done $0x0  }
0x49: {  	s28 =	rddreg [dreg:$0x4];
	[sflag:s15] =	ssyncadd.s32 $0xFFFFD800  }
0x4a: {  	[tilespmem:s17], [sflag:$0x9] =	stream.linear.gather [hbm4b:s28+s22], $0x2800, $0x38;
	[tilespmem:$0x17000] =	vst v63  }
0x4b: {  	_ =	swait.ge [sflag:s15], $0x2800  }
0x4c: {  	[sflag:s15] =	ssyncset.done $0x0  }
0x4d: {  	[sflag:s15] =	ssyncadd.s32 $0xFFFFD800  }
0x4e: {  	[tilespmem:s14], [sflag:$0x1] =	stream.indirect.gather [hbm4b:s4+s18], $0x40, s16, s18, $0xb8;
	[tilespmem:$0x17000] =	vst v63  }
0x4f: {  	s7 =	simm.s32 $0xA080  }
0x50: {  	[tilespmem:s20], [sflag:$0x2] =	stream.indirect.gather [hbm4b:s4+s18], $0x40, s7, s18, $0xb8;
	[tilespmem:$0x17000] =	vst v63  }
0x51: {  	_ =	swait.ge [sflag:s21], $0x2000  }
0x52: {  	[sflag:s21] =	ssyncset.done $0x0  }
0x53: {  	[sflag:s21] =	ssyncadd.s32 $0xFFFFE000  }
0x54: {  	[spmem:s1] =	stream.indirect.scatter.add.f32 [tilespmem:s14], [sflag:$0x5], $0x40, s17, s18, $0xb8;
	[tilespmem:$0x17000] =	vst v63  }
0x55: {  	s28 =	simm.s32 $0xA100  }
0x56: {  	[tilespmem:s23], [sflag:$0x3] =	stream.indirect.gather [hbm4b:s4+s18], $0x40, s28, s18, $0xb8;
	[tilespmem:$0x17000] =	vst v63  }
0x57: {  	_ =	swait.ge [sflag:s24], $0x2000  }
0x58: {  	[sflag:s24] =	ssyncset.done $0x0  }
0x59: {  	s7 =	simm.s32 $0xC880;
	[sflag:s24] =	ssyncadd.s32 $0xFFFFE000  }
0x5a: {  	[spmem:s1] =	stream.indirect.scatter.add.f32 [tilespmem:s20], [sflag:$0x6], $0x40, s7, s18, $0xb8;
	[tilespmem:$0x17000] =	vst v63  }
0x5b: {  	s28 =	simm.s32 $0xA180  }
0x5c: {  	[tilespmem:s29], [sflag:$0x4] =	stream.indirect.gather [hbm4b:s4+s18], $0x40, s28, s18, $0xb8;
	[tilespmem:$0x17000] =	vst v63  }
0x5d: {  	_ =	swait.ge [sflag:s30], $0x2000  }
0x5e: {  	[sflag:s30] =	ssyncset.done $0x0  }
0x5f: {  	s7 =	simm.s32 $0xC900;
	[sflag:s30] =	ssyncadd.s32 $0xFFFFE000  }
0x60: {  	[spmem:s1] =	stream.indirect.scatter.add.f32 [tilespmem:s23], [sflag:$0x7], $0x40, s7, s18, $0xb8;
	[tilespmem:$0x17000] =	vst v63  }
0x61: {  	_ =	swait.ge [sflag:s0], $0x2000  }
0x62: {  	[sflag:s0] =	ssyncset.done $0x0  }
0x63: {  	s28 =	simm.s32 $0xA200;
	[sflag:s0] =	ssyncadd.s32 $0xFFFFE000  }
0x64: {  	[tilespmem:s14], [sflag:$0x1] =	stream.indirect.gather [hbm4b:s4+s18], $0x40, s28, s18, $0xb8;
	[tilespmem:$0x17000] =	vst v63  }
0x65: {  	_ =	swait.ge [sflag:s19], $0x2000  }
0x66: {  	[sflag:s19] =	ssyncset.done $0x0  }
0x67: {  	s7 =	simm.s32 $0xC980;
	[sflag:s19] =	ssyncadd.s32 $0xFFFFE000  }
0x68: {  	[spmem:s1] =	stream.indirect.scatter.add.f32 [tilespmem:s29], [sflag:$0x8], $0x40, s7, s18, $0xb8;
	[tilespmem:$0x17000] =	vst v63  }
0x69: {  	_ =	swait.ge [sflag:s26], $0x2000  }
0x6a: {  	[sflag:s26] =	ssyncset.done $0x0  }
0x6b: {  	s28 =	simm.s32 $0xA280;
	[sflag:s26] =	ssyncadd.s32 $0xFFFFE000  }
0x6c: {  	[tilespmem:s20], [sflag:$0x2] =	stream.indirect.gather [hbm4b:s4+s18], $0x40, s28, s18, $0xb8;
	[tilespmem:$0x17000] =	vst v63  }
.LBB2_4:
0x6d: {  	_ =	swait.ge [sflag:s21], $0x2000  }
0x6e: {  	s28 =	sshra.s32 s22, $0x2;
	[sflag:s21] =	ssyncset.done $0x0  }
0x6f: {  	s6 =	sadd.s32 $0xCA00, s28;
	[sflag:s21] =	ssyncadd.s32 $0xFFFFE000  }
0x70: {  	[spmem:s1] =	stream.indirect.scatter.add.f32 [tilespmem:s14], [sflag:$0x5], $0x40, s6, s18, $0xb8;
	[tilespmem:$0x17000] =	vst v63  }
0x71: {  	_ =	swait.ge [sflag:s31], $0x2000  }
0x72: {  	[sflag:s31] =	ssyncset.done $0x0  }
0x73: {  	s7 =	sadd.s32 $0xA300, s28;
	[sflag:s31] =	ssyncadd.s32 $0xFFFFE000  }
0x74: {  	[tilespmem:s23], [sflag:$0x3] =	stream.indirect.gather [hbm4b:s4+s18], $0x40, s7, s18, $0xb8;
	[tilespmem:$0x17000] =	vst v63  }
0x75: {  	_ =	swait.ge [sflag:s24], $0x2000  }
0x76: {  	[sflag:s24] =	ssyncset.done $0x0  }
0x77: {  	s7 =	sadd.s32 $0xCA80, s28;
	[sflag:s24] =	ssyncadd.s32 $0xFFFFE000  }
0x78: {  	[spmem:s1] =	stream.indirect.scatter.add.f32 [tilespmem:s20], [sflag:$0x6], $0x40, s7, s18, $0xb8;
	[tilespmem:$0x17000] =	vst v63  }
0x79: {  	_ =	swait.ge [sflag:s2], $0x2000  }
0x7a: {  	[sflag:s2] =	ssyncset.done $0x0  }
0x7b: {  	s7 =	sadd.s32 $0xA380, s28;
	[sflag:s2] =	ssyncadd.s32 $0xFFFFE000  }
0x7c: {  	[tilespmem:s29], [sflag:$0x4] =	stream.indirect.gather [hbm4b:s4+s18], $0x40, s7, s18, $0xb8;
	[tilespmem:$0x17000] =	vst v63  }
0x7d: {  	_ =	swait.ge [sflag:s30], $0x2000  }
0x7e: {  	p0 =	seq.s32 s22, $0x9000;
	[sflag:s30] =	ssyncset.done $0x0  }
.Ltmp3:
0x7f: {  	s7 =	sadd.s32 $0xCB00, s28;
	[sflag:s30] =	ssyncadd.s32 $0xFFFFE000;
	(pc) =	sbr.rel @p0 .LBB2_6-.Ltmp3, $4  }
0x80: {  	[spmem:s1] =	stream.indirect.scatter.add.f32 [tilespmem:s23], [sflag:$0x7], $0x40, s7, s18, $0xb8;
	[tilespmem:$0x17000] =	vst v63  }
0x81: {  	_ =	swait.ge [sflag:s0], $0x2000  }
0x82: {  	[sflag:s0] =	ssyncset.done $0x0  }
0x83: {  	s6 =	sadd.s32 $0xCB80, s28;
	[sflag:s0] =	ssyncadd.s32 $0xFFFFE000  }
0x84: {  	s7 =	sadd.s32 $0xA400, s28  }
0x85: {  	[tilespmem:s14], [sflag:$0x1] =	stream.indirect.gather [hbm4b:s4+s18], $0x40, s7, s18, $0xb8;
	[tilespmem:$0x17000] =	vst v63  }
0x86: {  	_ =	swait.ge [sflag:s19], $0x2000  }
0x87: {  	[sflag:s19] =	ssyncset.done $0x0  }
0x88: {  	[sflag:s19] =	ssyncadd.s32 $0xFFFFE000  }
0x89: {  	[spmem:s1] =	stream.indirect.scatter.add.f32 [tilespmem:s29], [sflag:$0x8], $0x40, s6, s18, $0xb8;
	[tilespmem:$0x17000] =	vst v63  }
.Ltmp4:
0x8a: {  	_ = 	snop;
	(pc) =	sbr.rel .LBB2_4-.Ltmp4, $4  }
0x8b: {  	_ =	swait.ge [sflag:s26], $0x2000  }
0x8c: {  	[sflag:s26] =	ssyncset.done $0x0  }
0x8d: {  	s28 =	sadd.s32 $0xA480, s28;
	s22 =	sadd.s32 $0x800, s22;
	[sflag:s26] =	ssyncadd.s32 $0xFFFFE000  }
0x8e: {  	[tilespmem:s20], [sflag:$0x2] =	stream.indirect.gather [hbm4b:s4+s18], $0x40, s28, s18, $0xb8;
	[tilespmem:$0x17000] =	vst v63  }
.LBB2_7:
0x8f: {  	_ =	sfence.sel $0x180000  }
0x90: {  	[bflag:$0x0] =	sbarrier.arrive $0xFFFF  }
0x91: {  	_ =	strace $0x9000004A  }
0x92: {  	s0 =	stileid.u32;
	[bflag:$0x2] =	sbarrier.arrive $0xFFFF  }
0x93: {  	p0 =	sne.s32 s0, $0x0;
	s0 =	rddreg [dreg:$0x2]  }
0x94: {  	s0 =	sadd.s32 @!p0 $0x100000, s0  }
0x95: {  	[sflag:s0] =	ssyncadd.tile.s32 @!p0 $0x1;
	_ =	shalt  }
.Lfunc_end2:
_tile_overlayer_lowered:
.L_overlay_start_2:
0x96: {  	(tag) =	ssettag $0x2  }
0x97: {  	s0 =	rddreg [dreg:$0x0];
	s2 =	stileid.u32  }
0x98: {  	s1 =	rddreg [dreg:$0x1];
	p0 =	sne.s32 s2, $0x0  }
0x99: {  	s3 =	rddreg [dreg:$0x2];
	[bflag:$0x3] =	sbarrier.arrive $0xFFFF;
	s2 =	simm.s32 @!p0 $0x1C09  }
0x9a: {  	[timem:s3], [sflag:s2] =	dma.local @!p0 [hbm:s0], s1  }
0x9b: {  	s0 =	simm.s32 @!p0 $0x9  }
0x9c: {  	_ =	swait.ge @!p0 [sflag:s0], s1  }
0x9d: {  	s1 =	ssub.s32 @!p0 $0x0, s1;
	[sflag:s0] =	ssyncset.done @!p0 $0x0  }
0x9e: {  	[sflag:s0] =	ssyncadd.s32 @!p0 s1  }
0x9f: {  	[bflag:$0x3] =	sbarrier.arrive $0xFFFF  }
0xa0: {  	_ =	shalt  }

// kernel: kernel.16.cloned.1.call-start
scs
__scs_entry_jumppad:
0x0: {  	(pc) =	sbr.rel $0x88, $3  }
0x1: {  	(tag) =	ssettag $0x0;
	lr =	simm.s32 $0x1  }
0x2: {  	[smem:$0x3F8E] =	sst lr;
	_ =	strace $0xD0000000  }
0x3: {  	_ = 	snop  }
0x4: {  	_ = 	snop  }
0x5: {  	_ = 	snop  }
0x6: {  	_ = 	snop  }
0x7: {  	_ = 	snop  }
__scs_overlays_trampoline_lowered:
0x8: {  	[smem:$0x3F9D] =	sst s0  }
0x9: {  	[smem:$0x3F9E] =	sst s1  }
0xa: {  	[smem:$0x3F9F] =	sst s2  }
0xb: {  	[smem:$0x3FA0] =	sst s3  }
0xc: {  	[smem:$0x3FA1] =	sst s4  }
0xd: {  	[smem:$0x3FA2] =	sst s5  }
0xe: {  	[smem:$0x3FA3] =	sst s6  }
0xf: {  	[smem:$0x3FA4] =	sst s7  }
0x10: {  	[smem:$0x3FA5] =	sst s8  }
0x11: {  	[smem:$0x3FA6] =	sst s9;
	s0 =	simm.s32 @!p0 $0x0  }
0x12: {  	s1 =	sld [smem:$0x3F8C];
	s0 =	simm.s32 @p0 $0x1  }
0x13: {  	[smem:$0x3FA7] =	sst s0;
	s0 =	simm.s32 @!p1 $0x0  }
0x14: {  	s2 =	sld [smem:$0x3F8B];
	s0 =	simm.s32 @p1 $0x1  }
0x15: {  	[smem:$0x3FA8] =	sst s0;
	s0 =	simm.s32 @!p2 $0x0  }
0x16: {  	s3 =	sld [smem:$0x3FDB];
	s0 =	simm.s32 @p2 $0x1  }
0x17: {  	s4 =	simm.s32 $0x1BF5;
	[smem:$0x3FAA] =	sst s0  }
0x18: {  	s0 =	sld [smem:$0x3F8D];
	_ =	swait.ge [sflag:s4], $0x0  }
0x19: {  	s7 =	sld [smem:$0x3F8E]  }
0x1a: {  	s8 =	sadd.s32 $0xFFFFE003, lr  }
0x1b: {  	s9 =	sadd.s32 $0xFFFFFEF7, lr;
	s5 =	simm.s32 $0xFFFFFFFF;
	p2 =	slt.u32 s8, $0xFFFFF086  }
0x1c: {  	p1 =	slt.u32 s9, $0xF7A;
	s5 =	simm.s32 @!p2 $0x0  }
0x1d: {  	s5 =	simm.s32 @p1 $0x1;
	p0 =	seq.s32 s7, s2  }
0x1e: {  	s7 =	smul.u32 @!p0 $0xF7A, s2;
	p2 =	seq.s32 @!p0 s5, $0x0  }
0x1f: {  	s9 =	smul.u32 $0xF7A, s1;
	s8 =	simm.s32 @!p0 $0x1BF5;
	p2 =	por !p2, p0  }
0x20: {  	[sflag:s8] =	ssyncset.s32 @!p0 $0xFFFFF086;
	s6 =	sadd.s32 @!p0 s3, s7;
	s7 =	simm.s32 @!p0 $0x108  }
0x21: {  	s3 =	sadd.s32 s3, s9;
	s6 =	sadd.s32 @!p0 $0x88, s6;
	s7 =	simm.s32 @p2 $0x1082  }
0x22: {  	[simem:s7], [sflag:s8] =	dma.local @!p0 [hbm:s6], $0xF7A  }
0x23: {  	s9 =	sor.u32 $0xD0000000, s2;
	s6 =	simm.s32 $0x108;
	_ =	swait.ge @!p0 [sflag:s8], $0x0  }
0x24: {  	s3 =	sadd.s32 $0x88, s3;
	s6 =	simm.s32 @!p1 $0x1082;
	[sflag:s4] =	ssyncset.s32 $0xFFFFF086  }
0x25: {  	[simem:s6], [sflag:s4] =	dma.local [hbm:s3], $0xF7A  }
0x26: {  	[smem:$0x3F8E] =	sst s1;
	(tag) =	ssettag s2;
	_ =	strace s9  }
0x27: {  	s1 =	sld [smem:$0x3F9E]  }
0x28: {  	s2 =	sld [smem:$0x3F9F]  }
0x29: {  	s4 =	sld [smem:$0x3FA1]  }
0x2a: {  	p0 =	seq.s32 s5, $0x0;
	s5 =	sld [smem:$0x3FA2]  }
0x2b: {  	s6 =	sld [smem:$0x3FA3]  }
0x2c: {  	s7 =	sld [smem:$0x3FA4]  }
0x2d: {  	s3 =	simm.s32 $0x108;
	s8 =	sld [smem:$0x3FA5]  }
0x2e: {  	s3 =	simm.s32 @!p0 $0x1082;
	s9 =	sld [smem:$0x3FA6]  }
0x2f: {  	lr =	sadd.s32 s0, s3;
	s0 =	sld [smem:$0x3F9D]  }
0x30: {  	s3 =	sld [smem:$0x3FA0]  }
0x31: {  	[smem:$0x3FA9] =	sst s10  }
0x32: {  	s10 =	sld [smem:$0x3FA7];
	_ =	sdelay $0x3  }
0x33: {  	p0 =	seq.s32 s10, $0x1;
	s10 =	sld [smem:$0x3FA9];
	_ =	sdelay $0x3  }
0x34: {  	[smem:$0x3FA9] =	sst s10  }
0x35: {  	s10 =	sld [smem:$0x3FA8];
	_ =	sdelay $0x3  }
0x36: {  	p1 =	seq.s32 s10, $0x1;
	s10 =	sld [smem:$0x3FA9];
	_ =	sdelay $0x3  }
0x37: {  	[smem:$0x3FA9] =	sst s10  }
0x38: {  	s10 =	sld [smem:$0x3FAA]  }
0x39: {  	_ = 	snop;
	(pc) =	sbr.ind lr, $3  }
0x3a: {  	_ = 	snop  }
0x3b: {  	_ = 	snop  }
0x3c: {  	p2 =	seq.s32 s10, $0x1;
	s10 =	sld [smem:$0x3FA9]  }
0x3d: {  	_ =	shalt  }
0x3e: {  	_ =	shalt  }
0x3f: {  	_ =	shalt  }
0x40: {  	_ =	shalt  }
0x41: {  	_ =	shalt  }
0x42: {  	_ =	shalt  }
0x43: {  	_ =	shalt  }
0x44: {  	_ =	shalt  }
0x45: {  	_ =	shalt  }
0x46: {  	_ =	shalt  }
0x47: {  	_ =	shalt  }
0x48: {  	_ =	shalt  }
0x49: {  	_ =	shalt  }
0x4a: {  	_ =	shalt  }
0x4b: {  	_ =	shalt  }
0x4c: {  	_ =	shalt  }
0x4d: {  	_ =	shalt  }
0x4e: {  	_ =	shalt  }
0x4f: {  	_ =	shalt  }
0x50: {  	_ =	shalt  }
0x51: {  	_ =	shalt  }
0x52: {  	_ =	shalt  }
0x53: {  	_ =	shalt  }
0x54: {  	_ =	shalt  }
0x55: {  	_ =	shalt  }
0x56: {  	_ =	shalt  }
0x57: {  	_ =	shalt  }
0x58: {  	_ =	shalt  }
0x59: {  	_ =	shalt  }
0x5a: {  	_ =	shalt  }
0x5b: {  	_ =	shalt  }
0x5c: {  	_ =	shalt  }
0x5d: {  	_ =	shalt  }
0x5e: {  	_ =	shalt  }
0x5f: {  	_ =	shalt  }
0x60: {  	_ =	shalt  }
0x61: {  	_ =	shalt  }
0x62: {  	_ =	shalt  }
0x63: {  	_ =	shalt  }
0x64: {  	_ =	shalt  }
0x65: {  	_ =	shalt  }
0x66: {  	_ =	shalt  }
0x67: {  	_ =	shalt  }
0x68: {  	_ =	shalt  }
0x69: {  	_ =	shalt  }
0x6a: {  	_ =	shalt  }
0x6b: {  	_ =	shalt  }
0x6c: {  	_ =	shalt  }
0x6d: {  	_ =	shalt  }
0x6e: {  	_ =	shalt  }
0x6f: {  	_ =	shalt  }
0x70: {  	_ =	shalt  }
0x71: {  	_ =	shalt  }
0x72: {  	_ =	shalt  }
0x73: {  	_ =	shalt  }
0x74: {  	_ =	shalt  }
0x75: {  	_ =	shalt  }
0x76: {  	_ =	shalt  }
0x77: {  	_ =	shalt  }
0x78: {  	_ =	shalt  }
0x79: {  	_ =	shalt  }
0x7a: {  	_ =	shalt  }
0x7b: {  	_ =	shalt  }
0x7c: {  	_ =	shalt  }
0x7d: {  	_ =	shalt  }
0x7e: {  	_ =	shalt  }
0x7f: {  	_ =	shalt  }
0x80: {  	_ =	shalt  }
0x81: {  	_ =	shalt  }
0x82: {  	_ =	shalt  }
0x83: {  	_ =	shalt  }
0x84: {  	_ =	shalt  }
0x85: {  	_ =	shalt  }
0x86: {  	_ =	shalt  }
0x87: {  	_ =	shalt  }
.Lfunc_end0:
.L_simem_size_0:
called_computation.2_lowered:
.L_overlay_start_0:
0x88: {  	s2 =	sld [smem:$0x3FD9]  }
0x89: {  	s3 =	sld [smem:$0x3FFE];
	_ =	sdelay $0x1  }
0x8a: {  	s1 =	srdreg.scid  }
0x8b: {  	s0 =	sand.u32 $0x1, s1  }
0x8c: {  	s16 =	sshll.u32 s0, $0xA;
	s2 =	sadd.s32 s3, s2  }
0x8d: {  	s2 =	sadd.s32 s2, s16  }
0x8e: {  	[smem:$0x3FB5] =	sst s2  }
0x8f: {  	_ = 	snop  }
0x90: {  	(tm) =	ssettm $0x1  }
0x91: {  	s17 =	sld [smem:$0x3FFB];
	_ =	sdelay $0x3  }
0x92: {  	_ =	strace s17  }
0x93: {  	s2 =	sld [smem:$0x3FFC];
	_ =	sdelay $0x3  }
0x94: {  	_ =	strace s2  }
0x95: {  	s2 =	sld [smem:$0x3FFD];
	_ =	sdelay $0x3  }
0x96: {  	_ =	strace s2  }
0x97: {  	_ =	strace $0x8FFFFFFF  }
0x98: {  	s18 =	sld [smem:$0x3FDB];
	_ =	sdelay $0x1  }
0x99: {  	s19 =	simm.s32 $_scs_section_size  }
0x9a: {  	s4 =	simm.s32 $_size__tile_overlayer_lowered;
	s5 =	simm.s32 $_tile_overlayer_lowered  }
0x9b: {  	s22 =	simm.s32 $0x1BFF;
	s21 =	sshll.u32 s5, $0x1;
	s2 =	sadd.s32 s19, s18  }
0x9c: {  	s6 =	simm.s32 $0x0;
	s20 =	sshll.u32 s4, $0x1;
	s4 =	sadd.s32 s21, s2  }
0x9d: {  	[timem:s6], [sflag:s22] =	dma.local [hbm:s4], s20  }
0x9e: {  	_ =	swait.ge [sflag:s22], s20  }
0x9f: {  	s3 =	ssub.s32 $0x0, s20;
	[sflag:s22] =	ssyncset.done $0x0  }
0xa0: {  	[sflag:s22] =	ssyncadd.s32 s3;
	_ =	sdelay $0x1  }
0xa1: {  	s23 =	simm.s32 $0x1B8B  }
0xa2: {  	_ =	swait.ge [sflag:s23], $0x1  }
0xa3: {  	[sflag:s23] =	ssyncset.done $0x0  }
0xa4: {  	s25 =	simm.s32 $0x1B8E;
	s24 =	sld [smem:$0x3FFE];
	[sflag:s23] =	ssyncadd.s32 $0xFFFFFFFF  }
0xa5: {  	s26 =	simm.s32 $execute0_lowered;
	[smem:$0x3FD2] =	sst s25  }
0xa6: {  	s4 =	sshll.u32 s26, $0x1;
	_ =	strace $0x8000004C;
	[dreg:$0x1] =	wrdreg $0xFFFFFFFF  }
0xa7: {  	s28 =	simm.s32 $_size_execute0_lowered;
	s2 =	sadd.s32 s2, s4;
	[dreg:$0x0] =	wrdreg $0x0  }
0xa8: {  	s4 =	sshll.u32 s28, $0x1;
	[dreg:$0x2] =	wrdreg s2  }
0xa9: {  	[dreg:$0x3] =	wrdreg s4  }
0xaa: {  	[dreg:$0x4] =	wrdreg $0xC0  }
0xab: {  	_ =	task [dreg:s6], $0x5FFFF  }
0xac: {  	[dreg:$0x1] =	wrdreg $0xFFFFFFFF  }
0xad: {  	[dreg:$0x0] =	wrdreg $0x60  }
0xae: {  	[dreg:$0x2] =	wrdreg s24  }
0xaf: {  	[dreg:$0x3] =	wrdreg $0x0  }
0xb0: {  	[dreg:$0x4] =	wrdreg $0x9  }
0xb1: {  	_ =	task.clear_ibuf [dreg:s6], $0x5FFFF;
	_ =	strace $0x9000004C  }
0xb2: {  	s29 =	simm.s32 $0x9;
	_ =	strace $0x8000004E  }
0xb3: {  	_ =	swait.ge [sflag:s29], $0x1  }
0xb4: {  	[sflag:s29] =	ssyncadd.s32 $0xFFFFFFFF  }
0xb5: {  	_ =	strace $0x9000004E  }
0xb6: {  	_ =	sfence  }
0xb7: {  	s30 =	sld [smem:$0x0];
	_ =	sdelay $0x2  }
0xb8: {  	s31 =	sshll.u32 s1, $0xD;
	s1 =	sshrl.u32 s1, $0x2  }
0xb9: {  	s3 =	sand.u32 $0x4000, s31;
	s1 =	sadd.s32 s1, s30  }
0xba: {  	s0 =	sor.u32 s3, s0;
	s1 =	sshll.u32 s1, $0x11  }
0xbb: {  	s0 =	sor.u32 s1, s0  }
0xbc: {  	s0 =	sadd.s32 $0x8F2B, s0  }
0xbd: {  	[sflag:s0] =	ssyncadd.remote.s32 $0x1  }
0xbe: {  	_ =	sfence.sel $0xFFFF  }
0xbf: {  	[dreg:$0x0] =	wrdreg $0xFFFFFFFF;
	(pc) =	sbr.abs _section_cstart, $3  }
0xc0: {  	[dreg:$0x1] =	wrdreg $0xFFFFFFFF  }
0xc1: {  	_ =	task.clear_ibuf [dreg:s6], $0x2FFFF;
	_ =	strace $0x9FFFFFFF  }
0xc2: {  	(tm) =	ssettm $0x7FFFFFFF  }
0xc3: {  	_ =	shalt  }
tec
execute0_lowered:
.L_overlay_start_1:
0x0: {  	(tag) =	ssettag $0x1  }
0x1: {  	s0 =	rddreg [dreg:$0x0]  }
0x2: {  	s1 =	rddreg [dreg:$0x1]  }
0x3: {  	s2 =	srdreg.scid;
	s3 =	simm.s32 $0x0;
	s8 =	stileid.u32  }
0x4: {  	s14 =	simm.s32 $0xF000;
	s15 =	simm.s32 $0x9;
	s16 =	simm.s32 $0xA000  }
0x5: {  	s17 =	simm.s32 $0xC800;
	s18 =	simm.s32 $0x80;
	s20 =	simm.s32 $0x11000  }
0x6: {  	s21 =	simm.s32 $0x1;
	s23 =	simm.s32 $0x13000;
	s24 =	simm.s32 $0x2  }
0x7: {  	s29 =	simm.s32 $0x15000;
	s30 =	simm.s32 $0x3;
	s19 =	simm.s32 $0x4  }
0x8: {  	s31 =	simm.s32 $0x7;
	s2 =	sand.u32 $0x1, s2;
	s6 =	smul.u32 $0xA000, s8  }
0x9: {  	[smem:$0x7FF] =	sst s3;
	s4 =	sshll.u32 s2, $0x4;
	s5 =	smul.u32 $0xA0000, s2  }
0xa: {  	_ =	strace $0x8000004D;
	s2 =	ssub.s32 $0x2, s2;
	s4 =	sor.u32 s8, s4  }
0xb: {  	s8 =	smul.u32 $0x28000, s8;
	s25 =	sshrl.u32 s2, $0x1;
	s28 =	sadd.s32 s6, s1  }
0xc: {  	s7 =	smul.u32 $0x500, s4;
	s4 =	sadd.s32 $0x3F800, s0;
	s5 =	sadd.s32 s6, s5  }
0xd: {  	s2 =	ssub.s32 s2, s25;
	s25 =	sshrl.u32 s28, $0x3;
	s5 =	sshrl.u32 s5, $0x3  }
0xe: {  	s8 =	sshrl.u32 s8, $0x2;
	s9 =	smax.u32 s2, $0x1;
	s2 =	simm.s32 $0x8  }
.Ltmp0:
0xf: {  	s7 =	sadd.s32 s7, s0;
	s0 =	sadd.s32 s5, s0;
	(pc) =	sbr.rel .LBB2_1-.Ltmp0, $4  }
0x10: {  	s5 =	sadd.s32 s8, s1;
	s26 =	sadd.s32 $0xD800, s7;
	s7 =	sadd.s32 $0x3800, s7  }
0x11: {  	s8 =	sadd.s32 $0x53800, s0;
	s10 =	sadd.s32 $0x2000, s5;
	s11 =	sadd.s32 $0x4000, s5  }
0x12: {  	s12 =	sadd.s32 $0x6000, s5;
	s13 =	sadd.s32 $0x8000, s5;
	[dreg:$0x3] =	wrdreg s26  }
0x13: {  	v0 =	vimm.f32 $0.0e+00;
	s0 =	simm.s32 $0x5;
	[dreg:$0x4] =	wrdreg s7;
	s26 =	simm.s32 $0x6  }
.LBB2_6:
0x14: {  	_ =	swait.ge [sflag:s19], $0x2000  }
0x15: {  	[sflag:s19] =	ssyncset.done $0x0  }
0x16: {  	[sflag:s19] =	ssyncadd.s32 $0xFFFFE000  }
0x17: {  	[spmem:s1] =	stream.indirect.scatter.add.f32 [tilespmem:s29], [sflag:$0x8], $0x40, s6, s18, $0xb8;
	[tilespmem:$0x17000] =	vst v63  }
0x18: {  	_ =	swait.ge [sflag:s26], $0x2000  }
0x19: {  	[sflag:s26] =	ssyncset.done $0x0  }
0x1a: {  	[sflag:s26] =	ssyncadd.s32 $0xFFFFE000  }
0x1b: {  	_ =	swait.ge [sflag:s31], $0x2000  }
0x1c: {  	[sflag:s31] =	ssyncset.done $0x0  }
0x1d: {  	[sflag:s31] =	ssyncadd.s32 $0xFFFFE000  }
0x1e: {  	_ =	swait.ge [sflag:s2], $0x2000  }
0x1f: {  	s28 =	stileid.u32;
	s3 =	sadd.s32 $0x1, s3;
	[sflag:s2] =	ssyncset.done $0x0  }
0x20: {  	p0 =	sne.s32 s3, s9;
	s6 =	sshll.u32 s28, $0x6;
	[sflag:s2] =	ssyncadd.s32 $0xFFFFE000  }
.Ltmp1:
0x21: {  	s6 =	sor.u32 $0x1C09, s6;
	[bflag:$0x0] =	sbarrier.arrive $0xFFFF;
	(pc) =	sbr.rel @!p0 .LBB2_7-.Ltmp1, $4  }
0x22: {  	[hbm:s8], [sflag:s6] =	dma.local [spmem:s25], $0x1400  }
0x23: {  	_ =	swait.ge [sflag:s15], $0x1400  }
0x24: {  	[sflag:s15] =	ssyncset.done $0x0  }
0x25: {  	[sflag:s15] =	ssyncadd.s32 $0xFFFFEC00  }
.LBB2_1:
0x26: {  	s28 =	simm.s32 $0x100;
	s22 =	simm.s32 $0x0  }
.LBB2_2:
0x27: {  	p0 =	sne.s32 s28, $0x7F00;
	[tilespmem:s22+$0xF030] =	vst v0;
	s6 =	smov.u32 s28;
	s28 =	sadd.s32 $0x100, s28  }
.Ltmp2:
0x28: {  	[tilespmem:s22+$0xF020] =	vst v0;
	(pc) =	sbr.rel @p0 .LBB2_2-.Ltmp2, $3  }
0x29: {  	[tilespmem:s22+$0xF000] =	vst v0  }
0x2a: {  	[tilespmem:s22+$0xF010] =	vst v0;
	_ =	sdelay $0x1  }
0x2b: {  	s22 =	sshra.s32 s6, $0x2  }
0x2c: {  	[tilespmem:s22+$0xF030] =	vst v0  }
0x2d: {  	[tilespmem:s22+$0xF020] =	vst v0  }
0x2e: {  	[tilespmem:s22+$0xF000] =	vst v0  }
0x2f: {  	[tilespmem:s22+$0xF010] =	vst v0  }
0x30: {  	[spmem:s5] =	stream.linear.scatter [tilespmem:s14], [sflag:$0x9], $0x2000, $0x38;
	[tilespmem:$0x17000] =	vst v63  }
0x31: {  	_ =	swait.ge [sflag:s15], $0x2000  }
0x32: {  	[sflag:s15] =	ssyncset.done $0x0  }
0x33: {  	[sflag:s15] =	ssyncadd.s32 $0xFFFFE000  }
0x34: {  	[spmem:s10] =	stream.linear.scatter [tilespmem:s14], [sflag:$0x9], $0x2000, $0x38;
	[tilespmem:$0x17000] =	vst v63  }
0x35: {  	_ =	swait.ge [sflag:s15], $0x2000  }
0x36: {  	[sflag:s15] =	ssyncset.done $0x0  }
0x37: {  	[sflag:s15] =	ssyncadd.s32 $0xFFFFE000  }
0x38: {  	[spmem:s11] =	stream.linear.scatter [tilespmem:s14], [sflag:$0x9], $0x2000, $0x38;
	[tilespmem:$0x17000] =	vst v63  }
0x39: {  	_ =	swait.ge [sflag:s15], $0x2000  }
0x3a: {  	[sflag:s15] =	ssyncset.done $0x0  }
0x3b: {  	[sflag:s15] =	ssyncadd.s32 $0xFFFFE000  }
0x3c: {  	[spmem:s12] =	stream.linear.scatter [tilespmem:s14], [sflag:$0x9], $0x2000, $0x38;
	[tilespmem:$0x17000] =	vst v63  }
0x3d: {  	_ =	swait.ge [sflag:s15], $0x2000  }
0x3e: {  	[sflag:s15] =	ssyncset.done $0x0  }
0x3f: {  	[sflag:s15] =	ssyncadd.s32 $0xFFFFE000  }
0x40: {  	[spmem:s13] =	stream.linear.scatter [tilespmem:s14], [sflag:$0x9], $0x2000, $0x38;
	[tilespmem:$0x17000] =	vst v63  }
0x41: {  	_ =	swait.ge [sflag:s15], $0x2000  }
0x42: {  	[sflag:s15] =	ssyncset.done $0x0  }
0x43: {  	[sflag:s15] =	ssyncadd.s32 $0xFFFFE000  }
0x44: {  	[bflag:$0x0] =	sbarrier.arrive $0xFFFF  }
0x45: {  	s22 =	simm.s32 $0x0;
	s6 =	rddreg [dreg:$0x3]  }
0x46: {  	[tilespmem:s16], [sflag:$0x9] =	stream.linear.gather [hbm4b:s6+s22], $0x2800, $0x38;
	[tilespmem:$0x17000] =	vst v63  }
0x47: {  	_ =	swait.ge [sflag:s15], $0x2800  }
0x48: {  	[sflag:s15] =	ssyncset.done $0x0  }
0x49: {  	s28 =	rddreg [dreg:$0x4];
	[sflag:s15] =	ssyncadd.s32 $0xFFFFD800  }
0x4a: {  	[tilespmem:s17], [sflag:$0x9] =	stream.linear.gather [hbm4b:s28+s22], $0x2800, $0x38;
	[tilespmem:$0x17000] =	vst v63  }
0x4b: {  	_ =	swait.ge [sflag:s15], $0x2800  }
0x4c: {  	[sflag:s15] =	ssyncset.done $0x0  }
0x4d: {  	[sflag:s15] =	ssyncadd.s32 $0xFFFFD800  }
0x4e: {  	[tilespmem:s14], [sflag:$0x1] =	stream.indirect.gather [hbm4b:s4+s18], $0x40, s16, s18, $0xb8;
	[tilespmem:$0x17000] =	vst v63  }
0x4f: {  	s7 =	simm.s32 $0xA080  }
0x50: {  	[tilespmem:s20], [sflag:$0x2] =	stream.indirect.gather [hbm4b:s4+s18], $0x40, s7, s18, $0xb8;
	[tilespmem:$0x17000] =	vst v63  }
0x51: {  	_ =	swait.ge [sflag:s21], $0x2000  }
0x52: {  	[sflag:s21] =	ssyncset.done $0x0  }
0x53: {  	[sflag:s21] =	ssyncadd.s32 $0xFFFFE000  }
0x54: {  	[spmem:s1] =	stream.indirect.scatter.add.f32 [tilespmem:s14], [sflag:$0x5], $0x40, s17, s18, $0xb8;
	[tilespmem:$0x17000] =	vst v63  }
0x55: {  	s28 =	simm.s32 $0xA100  }
0x56: {  	[tilespmem:s23], [sflag:$0x3] =	stream.indirect.gather [hbm4b:s4+s18], $0x40, s28, s18, $0xb8;
	[tilespmem:$0x17000] =	vst v63  }
0x57: {  	_ =	swait.ge [sflag:s24], $0x2000  }
0x58: {  	[sflag:s24] =	ssyncset.done $0x0  }
0x59: {  	s7 =	simm.s32 $0xC880;
	[sflag:s24] =	ssyncadd.s32 $0xFFFFE000  }
0x5a: {  	[spmem:s1] =	stream.indirect.scatter.add.f32 [tilespmem:s20], [sflag:$0x6], $0x40, s7, s18, $0xb8;
	[tilespmem:$0x17000] =	vst v63  }
0x5b: {  	s28 =	simm.s32 $0xA180  }
0x5c: {  	[tilespmem:s29], [sflag:$0x4] =	stream.indirect.gather [hbm4b:s4+s18], $0x40, s28, s18, $0xb8;
	[tilespmem:$0x17000] =	vst v63  }
0x5d: {  	_ =	swait.ge [sflag:s30], $0x2000  }
0x5e: {  	[sflag:s30] =	ssyncset.done $0x0  }
0x5f: {  	s7 =	simm.s32 $0xC900;
	[sflag:s30] =	ssyncadd.s32 $0xFFFFE000  }
0x60: {  	[spmem:s1] =	stream.indirect.scatter.add.f32 [tilespmem:s23], [sflag:$0x7], $0x40, s7, s18, $0xb8;
	[tilespmem:$0x17000] =	vst v63  }
0x61: {  	_ =	swait.ge [sflag:s0], $0x2000  }
0x62: {  	[sflag:s0] =	ssyncset.done $0x0  }
0x63: {  	s28 =	simm.s32 $0xA200;
	[sflag:s0] =	ssyncadd.s32 $0xFFFFE000  }
0x64: {  	[tilespmem:s14], [sflag:$0x1] =	stream.indirect.gather [hbm4b:s4+s18], $0x40, s28, s18, $0xb8;
	[tilespmem:$0x17000] =	vst v63  }
0x65: {  	_ =	swait.ge [sflag:s19], $0x2000  }
0x66: {  	[sflag:s19] =	ssyncset.done $0x0  }
0x67: {  	s7 =	simm.s32 $0xC980;
	[sflag:s19] =	ssyncadd.s32 $0xFFFFE000  }
0x68: {  	[spmem:s1] =	stream.indirect.scatter.add.f32 [tilespmem:s29], [sflag:$0x8], $0x40, s7, s18, $0xb8;
	[tilespmem:$0x17000] =	vst v63  }
0x69: {  	_ =	swait.ge [sflag:s26], $0x2000  }
0x6a: {  	[sflag:s26] =	ssyncset.done $0x0  }
0x6b: {  	s28 =	simm.s32 $0xA280;
	[sflag:s26] =	ssyncadd.s32 $0xFFFFE000  }
0x6c: {  	[tilespmem:s20], [sflag:$0x2] =	stream.indirect.gather [hbm4b:s4+s18], $0x40, s28, s18, $0xb8;
	[tilespmem:$0x17000] =	vst v63  }
.LBB2_4:
0x6d: {  	_ =	swait.ge [sflag:s21], $0x2000  }
0x6e: {  	s28 =	sshra.s32 s22, $0x2;
	[sflag:s21] =	ssyncset.done $0x0  }
0x6f: {  	s6 =	sadd.s32 $0xCA00, s28;
	[sflag:s21] =	ssyncadd.s32 $0xFFFFE000  }
0x70: {  	[spmem:s1] =	stream.indirect.scatter.add.f32 [tilespmem:s14], [sflag:$0x5], $0x40, s6, s18, $0xb8;
	[tilespmem:$0x17000] =	vst v63  }
0x71: {  	_ =	swait.ge [sflag:s31], $0x2000  }
0x72: {  	[sflag:s31] =	ssyncset.done $0x0  }
0x73: {  	s7 =	sadd.s32 $0xA300, s28;
	[sflag:s31] =	ssyncadd.s32 $0xFFFFE000  }
0x74: {  	[tilespmem:s23], [sflag:$0x3] =	stream.indirect.gather [hbm4b:s4+s18], $0x40, s7, s18, $0xb8;
	[tilespmem:$0x17000] =	vst v63  }
0x75: {  	_ =	swait.ge [sflag:s24], $0x2000  }
0x76: {  	[sflag:s24] =	ssyncset.done $0x0  }
0x77: {  	s7 =	sadd.s32 $0xCA80, s28;
	[sflag:s24] =	ssyncadd.s32 $0xFFFFE000  }
0x78: {  	[spmem:s1] =	stream.indirect.scatter.add.f32 [tilespmem:s20], [sflag:$0x6], $0x40, s7, s18, $0xb8;
	[tilespmem:$0x17000] =	vst v63  }
0x79: {  	_ =	swait.ge [sflag:s2], $0x2000  }
0x7a: {  	[sflag:s2] =	ssyncset.done $0x0  }
0x7b: {  	s7 =	sadd.s32 $0xA380, s28;
	[sflag:s2] =	ssyncadd.s32 $0xFFFFE000  }
0x7c: {  	[tilespmem:s29], [sflag:$0x4] =	stream.indirect.gather [hbm4b:s4+s18], $0x40, s7, s18, $0xb8;
	[tilespmem:$0x17000] =	vst v63  }
0x7d: {  	_ =	swait.ge [sflag:s30], $0x2000  }
0x7e: {  	p0 =	seq.s32 s22, $0x9000;
	[sflag:s30] =	ssyncset.done $0x0  }
.Ltmp3:
0x7f: {  	s7 =	sadd.s32 $0xCB00, s28;
	[sflag:s30] =	ssyncadd.s32 $0xFFFFE000;
	(pc) =	sbr.rel @p0 .LBB2_6-.Ltmp3, $4  }
0x80: {  	[spmem:s1] =	stream.indirect.scatter.add.f32 [tilespmem:s23], [sflag:$0x7], $0x40, s7, s18, $0xb8;
	[tilespmem:$0x17000] =	vst v63  }
0x81: {  	_ =	swait.ge [sflag:s0], $0x2000  }
0x82: {  	[sflag:s0] =	ssyncset.done $0x0  }
0x83: {  	s6 =	sadd.s32 $0xCB80, s28;
	[sflag:s0] =	ssyncadd.s32 $0xFFFFE000  }
0x84: {  	s7 =	sadd.s32 $0xA400, s28  }
0x85: {  	[tilespmem:s14], [sflag:$0x1] =	stream.indirect.gather [hbm4b:s4+s18], $0x40, s7, s18, $0xb8;
	[tilespmem:$0x17000] =	vst v63  }
0x86: {  	_ =	swait.ge [sflag:s19], $0x2000  }
0x87: {  	[sflag:s19] =	ssyncset.done $0x0  }
0x88: {  	[sflag:s19] =	ssyncadd.s32 $0xFFFFE000  }
0x89: {  	[spmem:s1] =	stream.indirect.scatter.add.f32 [tilespmem:s29], [sflag:$0x8], $0x40, s6, s18, $0xb8;
	[tilespmem:$0x17000] =	vst v63  }
.Ltmp4:
0x8a: {  	_ = 	snop;
	(pc) =	sbr.rel .LBB2_4-.Ltmp4, $4  }
0x8b: {  	_ =	swait.ge [sflag:s26], $0x2000  }
0x8c: {  	[sflag:s26] =	ssyncset.done $0x0  }
0x8d: {  	s28 =	sadd.s32 $0xA480, s28;
	s22 =	sadd.s32 $0x800, s22;
	[sflag:s26] =	ssyncadd.s32 $0xFFFFE000  }
0x8e: {  	[tilespmem:s20], [sflag:$0x2] =	stream.indirect.gather [hbm4b:s4+s18], $0x40, s28, s18, $0xb8;
	[tilespmem:$0x17000] =	vst v63  }
.LBB2_7:
0x8f: {  	_ =	sfence.sel $0x180000  }
0x90: {  	[bflag:$0x0] =	sbarrier.arrive $0xFFFF  }
0x91: {  	_ =	strace $0x9000004D  }
0x92: {  	s0 =	stileid.u32;
	[bflag:$0x2] =	sbarrier.arrive $0xFFFF  }
0x93: {  	p0 =	sne.s32 s0, $0x0;
	s0 =	rddreg [dreg:$0x2]  }
0x94: {  	s0 =	sadd.s32 @!p0 $0x100000, s0  }
0x95: {  	[sflag:s0] =	ssyncadd.tile.s32 @!p0 $0x1;
	_ =	shalt  }
.Lfunc_end2:
_tile_overlayer_lowered:
.L_overlay_start_2:
0x96: {  	(tag) =	ssettag $0x2  }
0x97: {  	s0 =	rddreg [dreg:$0x0];
	s2 =	stileid.u32  }
0x98: {  	s1 =	rddreg [dreg:$0x1];
	p0 =	sne.s32 s2, $0x0  }
0x99: {  	s3 =	rddreg [dreg:$0x2];
	[bflag:$0x3] =	sbarrier.arrive $0xFFFF;
	s2 =	simm.s32 @!p0 $0x1C09  }
0x9a: {  	[timem:s3], [sflag:s2] =	dma.local @!p0 [hbm:s0], s1  }
0x9b: {  	s0 =	simm.s32 @!p0 $0x9  }
0x9c: {  	_ =	swait.ge @!p0 [sflag:s0], s1  }
0x9d: {  	s1 =	ssub.s32 @!p0 $0x0, s1;
	[sflag:s0] =	ssyncset.done @!p0 $0x0  }
0x9e: {  	[sflag:s0] =	ssyncadd.s32 @!p0 s1  }
0x9f: {  	[bflag:$0x3] =	sbarrier.arrive $0xFFFF  }
0xa0: {  	_ =	shalt  }

</sc_bundles>
